<compile_context>
chip_gen: v7x
topology: tpu7x:2x2x1
jax: 0.10.2.dev20260603
libtpu: 0.0.44.dev20260713+nightly
codegen_flags: <defaults>
</compile_context>

<pallas_src>
import functools

import numpy as np
import jax
import jax.numpy as jnp
from jax import lax
from jax.experimental import pallas as pl
from jax.experimental.pallas import tpu as pltpu
from jax.experimental.pallas import tpu_sc as plsc

L = 316
N = L * L
JCH = 2048
NJ = 49
NPAD = NJ * JCH
NBS = 4096
S_BLK = 512
NS = NBS // S_BLK
_ROW_GROUPS = 4
W_BLK = 2048

_ONE_MINUS_EPS = np.float32(1.0 - 0.1)
_EPS_UNIF = np.float32(0.1 * (1.0 / float(N)))
_TINY = np.float32(np.finfo(np.float32).tiny)

_KS0 = np.uint32(0)
_KS1 = np.uint32(42)
_KS2 = np.uint32(0x1BD11BDA) ^ _KS0 ^ _KS1


def _leaky(x):
    return jnp.where(x >= 0, x, np.float32(0.1) * x)


def _mlp_body(emb_ref, w1_ref, b1_ref, w2_ref, b2_ref, w3_ref, b3_ref,
              w_ref, s_ref, h_ref, acc_ref):
    t = pl.program_id(0)

    @pl.when(t == 0)
    def _():
        e = emb_ref[:]
        z1 = jax.lax.dot_general(e, w1_ref[:], (((1,), (1,)), ((), ())),
                                 preferred_element_type=jnp.float32)
        h1 = _leaky(z1 + b1_ref[:])
        z2 = jax.lax.dot_general(h1, w2_ref[:], (((1,), (1,)), ((), ())),
                                 preferred_element_type=jnp.float32)
        h2 = _leaky(z2 + b2_ref[:])
        h_ref[:] = h2
        acc_ref[0, 0] = np.float32(0.0)

    z = jax.lax.dot_general(h_ref[:], w3_ref[:], (((1,), (1,)), ((), ())),
                            preferred_element_type=jnp.float32)
    w = jax.nn.sigmoid(z + b3_ref[:])
    col = jax.lax.broadcasted_iota(jnp.int32, w.shape, 1) + t * W_BLK
    w = jnp.where(col < N, w, np.float32(0.0))
    w_ref[:] = w
    acc_ref[0, 0] += jnp.sum(w)

    @pl.when(t == pl.num_programs(0) - 1)
    def _():
        s_ref[0, 0] = acc_ref[0, 0]


def _run_mlp(emb, W1, b1, W2, b2, W3p, b3p):
    nw = NPAD // W_BLK
    w, s = pl.pallas_call(
        _mlp_body,
        grid=(nw,),
        in_specs=[
            pl.BlockSpec((1, 128), lambda t: (0, 0)),
            pl.BlockSpec((128, 128), lambda t: (0, 0)),
            pl.BlockSpec((1, 128), lambda t: (0, 0)),
            pl.BlockSpec((128, 128), lambda t: (0, 0)),
            pl.BlockSpec((1, 128), lambda t: (0, 0)),
            pl.BlockSpec((W_BLK, 128), lambda t: (t, 0)),
            pl.BlockSpec((1, W_BLK), lambda t: (0, t)),
        ],
        out_specs=[
            pl.BlockSpec((1, W_BLK), lambda t: (0, t)),
            pl.BlockSpec(memory_space=pltpu.SMEM),
        ],
        out_shape=[
            jax.ShapeDtypeStruct((1, NPAD), jnp.float32),
            jax.ShapeDtypeStruct((1, 1), jnp.float32),
        ],
        scratch_shapes=[
            pltpu.VMEM((1, 128), jnp.float32),
            pltpu.SMEM((1, 1), jnp.float32),
        ],
    )(emb, W1, b1, W2, b2, W3p, b3p)
    return w, s


def _norm_body(w_ref, s_ref, wreg_ref, logit_ref):
    t = pl.program_id(0)
    s = s_ref[0, 0]
    w = w_ref[:]
    wreg = (_ONE_MINUS_EPS * w) / s + _EPS_UNIF
    wreg_ref[:] = wreg
    col = jax.lax.broadcasted_iota(jnp.int32, w.shape, 1) + t * W_BLK
    lg = jnp.log(wreg)
    logit_ref[:] = jnp.where(col < N, lg, -jnp.inf)


def _run_norm(w, s):
    nw = NPAD // W_BLK
    return pl.pallas_call(
        _norm_body,
        grid=(nw,),
        in_specs=[
            pl.BlockSpec((1, W_BLK), lambda t: (0, t)),
            pl.BlockSpec(memory_space=pltpu.SMEM),
        ],
        out_specs=[
            pl.BlockSpec((1, W_BLK), lambda t: (0, t)),
            pl.BlockSpec((1, W_BLK), lambda t: (0, t)),
        ],
        out_shape=[
            jax.ShapeDtypeStruct((1, NPAD), jnp.float32),
            jax.ShapeDtypeStruct((1, NPAD), jnp.float32),
        ],
    )(w, s)


def _rotl(x, r):
    return (x << np.uint32(r)) | (x >> np.uint32(32 - r))


def _threefry_bits(x1):
    x0 = x1
    x1 = x0 ^ _rotl(x1, 13)
    for r in (15, 26, 6):
        x0 = x0 + x1; x1 = _rotl(x1, r); x1 = x0 ^ x1
    x0 = x0 + _KS1; x1 = x1 + (_KS2 + np.uint32(1))
    for r in (17, 29, 16, 24):
        x0 = x0 + x1; x1 = _rotl(x1, r); x1 = x0 ^ x1
    x0 = x0 + _KS2; x1 = x1 + (_KS0 + np.uint32(2))
    for r in (13, 15, 26, 6):
        x0 = x0 + x1; x1 = _rotl(x1, r); x1 = x0 ^ x1
    x0 = x0 + _KS0; x1 = x1 + (_KS1 + np.uint32(3))
    for r in (17, 29, 16, 24):
        x0 = x0 + x1; x1 = _rotl(x1, r); x1 = x0 ^ x1
    x0 = x0 + _KS1; x1 = x1 + (_KS2 + np.uint32(4))
    for r in (13, 15, 26, 6):
        x0 = x0 + x1; x1 = _rotl(x1, r); x1 = x0 ^ x1
    x0 = x0 + _KS2; x1 = x1 + (_KS0 + np.uint32(5))
    return x0 ^ x1


def _gumbel_from_bits(bits):
    m = (bits >> np.uint32(9)).astype(jnp.int32)
    u = m.astype(jnp.float32) * np.float32(2.0 ** -23) + _TINY
    return -jnp.log(-jnp.log(u))


def _sample_body(logit_ref, out_ref, bv_ref, bj_ref):
    sb = pl.program_id(0)
    jb = pl.program_id(1)

    @pl.when(jb == 0)
    def _():
        bv_ref[:] = jnp.full((S_BLK, 128), -jnp.inf, jnp.float32)
        bj_ref[:] = jnp.zeros((S_BLK, 128), jnp.int32)

    srow = ((jax.lax.broadcasted_iota(jnp.int32, (1, S_BLK, 1), 1)
             + sb * S_BLK) * N)
    acc_v = bv_ref[:]
    acc_j = bj_ref[:]
    rc0 = jb * 16
    rpg = 16 // _ROW_GROUPS
    for gr in range(_ROW_GROUPS):
        jrow = (jax.lax.broadcasted_iota(jnp.int32, (rpg, 1, 128), 0) * 128
                + jax.lax.broadcasted_iota(jnp.int32, (rpg, 1, 128), 2)
                + (jb * JCH + gr * rpg * 128 + 42))
        x1 = (srow + jrow).astype(jnp.uint32)
        g = _gumbel_from_bits(_threefry_bits(x1))
        v = g + logit_ref[pl.ds(gr * rpg, rpg), :][:, None, :]
        for r in range(rpg):
            m = v[r]
            upd = m > acc_v
            acc_v = jnp.where(upd, m, acc_v)
            acc_j = jnp.where(upd, rc0 + gr * rpg + r, acc_j)
    bv_ref[:] = acc_v
    bj_ref[:] = acc_j

    @pl.when(jb == pl.num_programs(1) - 1)
    def _():
        bv = bv_ref[:]
        gv = jnp.max(bv, axis=1)
        lane = jax.lax.broadcasted_iota(jnp.int32, (S_BLK, 128), 1)
        jfull = bj_ref[:] * 128 + lane
        big = jnp.int32(np.int32(2**31 - 1))
        out_ref[:] = jnp.min(jnp.where(bv == gv[:, None], jfull, big), axis=1)


def _run_sample(logits3d):
    return pl.pallas_call(
        _sample_body,
        grid=(NS, NJ),
        in_specs=[pl.BlockSpec((16, 128), lambda s, j: (j, 0))],
        out_specs=pl.BlockSpec((S_BLK,), lambda s, j: (s,)),
        out_shape=jax.ShapeDtypeStruct((NBS,), jnp.int32),
        scratch_shapes=[
            pltpu.VMEM((S_BLK, 128), jnp.float32),
            pltpu.VMEM((S_BLK, 128), jnp.int32),
        ],
        compiler_params=pltpu.CompilerParams(
            dimension_semantics=("parallel", "arbitrary")),
    )(logits3d)


def _run_gather_sc(samples, tab):
    info = plsc.get_sparse_core_info()
    nw = info.num_cores * info.num_subcores
    lanes = info.num_lanes
    per_w = NBS // nw
    mesh = plsc.VectorSubcoreMesh(core_axis_name="c", subcore_axis_name="s")

    @functools.partial(
        pl.kernel, mesh=mesh,
        out_type=[jax.ShapeDtypeStruct((NBS, 128), jnp.int32)] * 2,
        scratch_types=[
            pltpu.VMEM((per_w,), jnp.int32),
            pltpu.VMEM((per_w,), jnp.int32),
            pltpu.VMEM((per_w,), jnp.int32),
            pltpu.VMEM((per_w, 128), jnp.int32),
            pltpu.VMEM((per_w, 128), jnp.int32),
            pltpu.SemaphoreType.DMA,
        ],
    )
    def k(samp_hbm, tab_hbm, p1_hbm, p2_hbm,
          samp_v, l1_v, l2_v, r1_v, r2_v, sem):
        wid = lax.axis_index("s") * info.num_cores + lax.axis_index("c")
        base = wid * per_w
        pltpu.sync_copy(samp_hbm.at[pl.ds(base, per_w)], samp_v)
        lconst = jnp.full((lanes,), L, jnp.int32)
        for t in range(per_w // lanes):
            sl = pl.ds(t * lanes, lanes)
            s = samp_v[sl]
            l1 = lax.div(s, lconst)
            l1_v[sl] = l1
            l2_v[sl] = s - l1 * lconst
        pltpu.async_copy(tab_hbm.at[l1_v], r1_v, sem).wait()
        pltpu.async_copy(tab_hbm.at[l2_v], r2_v, sem).wait()
        pltpu.sync_copy(r1_v, p1_hbm.at[pl.ds(base, per_w)])
        pltpu.sync_copy(r2_v, p2_hbm.at[pl.ds(base, per_w)])

    return k(samples, tab)


def kernel(dummy_input, ops_dense, mags_dense, bs, dummy_embedding,
           W1, b1, W2, b2, W3, b3):
    del dummy_input, bs
    emb = dummy_embedding.reshape(1, 128)
    b1c = b1.reshape(1, 128)
    b2c = b2.reshape(1, 128)
    b3p = jnp.pad(b3, (0, NPAD - N)).reshape(1, NPAD)

    w, ssum = _run_mlp(emb, W1, b1c, W2, b2c, W3, b3p)
    wreg_p, logits_p = _run_norm(w, ssum)
    w_reg = wreg_p[0, :N]

    logits3d = logits_p.reshape(NJ * 16, 128)
    samples = _run_sample(logits3d)

    tab = jnp.pad(jnp.stack([ops_dense, mags_dense], axis=1),
                  ((0, 0), (0, 126)))
    p1, p2 = _run_gather_sc(samples, tab)
    return (w_reg, p1[:, 0], p1[:, 1], p2[:, 0], p2[:, 1], samples)

# --- scband reference (transcript-rebuilt; emitter-appended) ---
"""Pipeline reference for scband-policy-model-meta-49366354100353 (READ-ONLY COPY).

The authoritative reference and input builder live on the scoring server;
editing this copy changes nothing except your own understanding.
"""

import jax, jax.numpy as jnp
import numpy as np

L_UNIQ = 316
H1 = 128
H2 = 128
EPS = 0.1
BS = 4096


def setup_inputs(seed: int = 0) -> dict:
    key = jax.random.key(seed)
    ks = jax.random.split(key, 10)
    return {
        "dummy_input": jax.random.normal(ks[0], (1,), dtype=jnp.float32),
        "ops_dense": jax.random.randint(ks[1], (L_UNIQ,), 0, 36, dtype=jnp.int32),
        "mags_dense": jax.random.randint(ks[2], (L_UNIQ,), 0, 13, dtype=jnp.int32),
        "bs": BS,
        # learned parameters (global_policy_meta_nomag)
        "dummy_embedding": jax.random.uniform(ks[3], (H1,), dtype=jnp.float32),
        "W1": jax.random.normal(ks[4], (H2, H1), dtype=jnp.float32) * (1.0 / np.sqrt(H1)),
        "b1": jnp.zeros((H2,), dtype=jnp.float32),
        "W2": jax.random.normal(ks[5], (H2, H2), dtype=jnp.float32) * (1.0 / np.sqrt(H2)),
        "b2": jnp.zeros((H2,), dtype=jnp.float32),
        "W3": jax.random.normal(ks[6], (L_UNIQ * L_UNIQ, H2), dtype=jnp.float32) * (1.0 / np.sqrt(H2)),
        "b3": jnp.zeros((L_UNIQ * L_UNIQ,), dtype=jnp.float32),
    }


def _leaky_relu(x):
    return jnp.where(x >= 0, x, 0.1 * x)


def reference(dummy_input, ops_dense, mags_dense, bs, dummy_embedding, W1, b1, W2, b2, W3, b3):
    # global_policy_meta_nomag.forward: MLP on the learned dummy_embedding
    h = _leaky_relu(W1 @ dummy_embedding + b1)
    h = _leaky_relu(W2 @ h + b2)
    w = jax.nn.sigmoid(W3 @ h + b3)  # sampling_weight over l_uniq^2 (op,op) pairs

    # PolicyModel_meta.sample: eps-regularized multinomial over l_uniq^2
    w_reg = (1.0 - EPS) * w / jnp.sum(w) + EPS * (1.0 / (L_UNIQ * L_UNIQ))

    skey = jax.random.key(42)
    samples_om = jax.random.categorical(skey, jnp.log(w_reg), shape=(BS,))
    samples_om = samples_om + (bs - bs)
    samples_layer1 = samples_om // L_UNIQ
    samples_layer2 = samples_om % L_UNIQ

    # get_dense_aug gather of (op, magnitude) for each sampled pair
    ops_1 = jnp.take(ops_dense, samples_layer1, axis=0)
    mags_1 = jnp.take(mags_dense, samples_layer1, axis=0)
    ops_2 = jnp.take(ops_dense, samples_layer2, axis=0)
    mags_2 = jnp.take(mags_dense, samples_layer2, axis=0)
    return (w_reg, ops_1, mags_1, ops_2, mags_2, samples_om)

if __name__ == "__main__":
    import jax
    _d = setup_inputs()
    print(jax.jit(kernel)(*tuple(_d.values())))

</pallas_src>

<mosaic_0001>
#map = affine_map<(d0, d1) -> (0)>
#map1 = affine_map<(d0, d1) -> (0, 0)>
module attributes {stable_mosaic.version = 14 : i64} {
  func.func @k(%arg0: i32, %arg1: i32, %arg2: memref<4096xi32, #tpu.memory_space<hbm>>, %arg3: memref<316x128xi32, #tpu.memory_space<hbm>>, %arg4: memref<4096x128xi32, #tpu.memory_space<hbm>>, %arg5: memref<4096x128xi32, #tpu.memory_space<hbm>>, %arg6: memref<128xi32, #tpu.memory_space<vmem>>, %arg7: memref<128xi32, #tpu.memory_space<vmem>>, %arg8: memref<128xi32, #tpu.memory_space<vmem>>, %arg9: memref<128x128xi32, #tpu.memory_space<vmem>>, %arg10: memref<128x128xi32, #tpu.memory_space<vmem>>, %arg11: memref<!tpu.dma_semaphore, #tpu.memory_space<semaphore_mem>>) attributes {dimension_semantics = [#tpu.dimension_semantics<core_parallel>, #tpu.dimension_semantics<subcore_parallel>], iteration_bounds = array<i64: 2, 16>, scalar_prefetch = 0 : i64, scratch_operands = 6 : i64, tpu.core_type = #tpu.core_type<sc_vector_subcore>, window_params = [{transform_indices = #map}, {transform_indices = #map1}, {transform_indices = #map1}, {transform_indices = #map1}]} {
    %mul3A = arith.constant 2 : i32
    %mul3A_0 = arith.muli %arg1, %mul3A : i32
    %add3A = arith.addi %mul3A_0, %arg0 : i32
    %mul3A_1 = arith.constant 128 : i32
    %mul3A_2 = arith.muli %add3A, %mul3A_1 : i32
    "tpu.region"() ({
      %run_scoped3A = tpu.sem_alloc : memref<!tpu.dma_semaphore, #tpu.memory_space<semaphore_mem>>
      %dma_start3A_122 = tpu.memref_slice %arg2[%mul3A_2] : memref<4096xi32, #tpu.memory_space<hbm>> -> memref<128xi32, #tpu.memory_space<hbm>>
      %dma_start3A_123 = tpu.memref_slice %arg2[%mul3A_2] : memref<4096xi32, #tpu.memory_space<hbm>> -> memref<128xi32, #tpu.memory_space<hbm>>
      tpu.enqueue_dma source(%dma_start3A_123 : memref<128xi32, #tpu.memory_space<hbm>>) target(%arg6 : memref<128xi32, #tpu.memory_space<vmem>>) target_semaphore(%run_scoped3A : memref<!tpu.dma_semaphore, #tpu.memory_space<semaphore_mem>>)
      %dma_wait3A_124 = tpu.memref_slice %arg2[%mul3A_2] : memref<4096xi32, #tpu.memory_space<hbm>> -> memref<128xi32, #tpu.memory_space<hbm>>
      %dma_wait3A_125 = tpu.memref_slice %arg2[%mul3A_2] : memref<4096xi32, #tpu.memory_space<hbm>> -> memref<128xi32, #tpu.memory_space<hbm>>
      tpu.wait_dma2 semaphore(%run_scoped3A : memref<!tpu.dma_semaphore, #tpu.memory_space<semaphore_mem>>) src(%dma_wait3A_125 : memref<128xi32, #tpu.memory_space<hbm>>) dst(%arg6 : memref<128xi32, #tpu.memory_space<vmem>>)
      tpu.yield
    }) : () -> ()
    %broadcast_in_dim3A = arith.constant 316 : i32
    %broadcast_in_dim3A_3 = vector.broadcast %broadcast_in_dim3A : i32 to vector<16xi32>
    %get3A = arith.constant 0 : index
    %get3A_4 = tpu.vector_load %arg6[%get3A] {strides = array<i32>} : memref<128xi32, #tpu.memory_space<vmem>>, vector<16xi32>,
    %get3A_5 = vector.shape_cast %get3A_4 : vector<16xi32> to vector<16xi32>
    %div3A = arith.divsi %get3A_5, %broadcast_in_dim3A_3 : vector<16xi32>
    %swap3A = arith.constant 0 : index
    %swap3A_6 = tpu.vector_load %arg7[%swap3A] {strides = array<i32>} : memref<128xi32, #tpu.memory_space<vmem>>, vector<16xi32>,
    %swap3A_7 = vector.shape_cast %swap3A_6 : vector<16xi32> to vector<16xi32>
    %swap3A_8 = vector.shape_cast %div3A : vector<16xi32> to vector<16xi32>
    tpu.vector_store %arg7[%swap3A], %swap3A_8 {strides = array<i32>} : memref<128xi32, #tpu.memory_space<vmem>>, vector<16xi32>,
    %mul3A_9 = arith.muli %div3A, %broadcast_in_dim3A_3 : vector<16xi32>
    %sub3A = arith.subi %get3A_5, %mul3A_9 : vector<16xi32>
    %swap3A_10 = arith.constant 0 : index
    %swap3A_11 = tpu.vector_load %arg8[%swap3A_10] {strides = array<i32>} : memref<128xi32, #tpu.memory_space<vmem>>, vector<16xi32>,
    %swap3A_12 = vector.shape_cast %swap3A_11 : vector<16xi32> to vector<16xi32>
    %swap3A_13 = vector.shape_cast %sub3A : vector<16xi32> to vector<16xi32>
    tpu.vector_store %arg8[%swap3A_10], %swap3A_13 {strides = array<i32>} : memref<128xi32, #tpu.memory_space<vmem>>, vector<16xi32>,
    %get3A_14 = arith.constant 16 : index
    %get3A_15 = tpu.vector_load %arg6[%get3A_14] {strides = array<i32>} : memref<128xi32, #tpu.memory_space<vmem>>, vector<16xi32>,
    %get3A_16 = vector.shape_cast %get3A_15 : vector<16xi32> to vector<16xi32>
    %div3A_17 = arith.divsi %get3A_16, %broadcast_in_dim3A_3 : vector<16xi32>
    %swap3A_18 = arith.constant 16 : index
    %swap3A_19 = tpu.vector_load %arg7[%swap3A_18] {strides = array<i32>} : memref<128xi32, #tpu.memory_space<vmem>>, vector<16xi32>,
    %swap3A_20 = vector.shape_cast %swap3A_19 : vector<16xi32> to vector<16xi32>
    %swap3A_21 = vector.shape_cast %div3A_17 : vector<16xi32> to vector<16xi32>
    tpu.vector_store %arg7[%swap3A_18], %swap3A_21 {strides = array<i32>} : memref<128xi32, #tpu.memory_space<vmem>>, vector<16xi32>,
    %mul3A_22 = arith.muli %div3A_17, %broadcast_in_dim3A_3 : vector<16xi32>
    %sub3A_23 = arith.subi %get3A_16, %mul3A_22 : vector<16xi32>
    %swap3A_24 = arith.constant 16 : index
    %swap3A_25 = tpu.vector_load %arg8[%swap3A_24] {strides = array<i32>} : memref<128xi32, #tpu.memory_space<vmem>>, vector<16xi32>,
    %swap3A_26 = vector.shape_cast %swap3A_25 : vector<16xi32> to vector<16xi32>
    %swap3A_27 = vector.shape_cast %sub3A_23 : vector<16xi32> to vector<16xi32>
    tpu.vector_store %arg8[%swap3A_24], %swap3A_27 {strides = array<i32>} : memref<128xi32, #tpu.memory_space<vmem>>, vector<16xi32>,
    %get3A_28 = arith.constant 32 : index
    %get3A_29 = tpu.vector_load %arg6[%get3A_28] {strides = array<i32>} : memref<128xi32, #tpu.memory_space<vmem>>, vector<16xi32>,
    %get3A_30 = vector.shape_cast %get3A_29 : vector<16xi32> to vector<16xi32>
    %div3A_31 = arith.divsi %get3A_30, %broadcast_in_dim3A_3 : vector<16xi32>
    %swap3A_32 = arith.constant 32 : index
    %swap3A_33 = tpu.vector_load %arg7[%swap3A_32] {strides = array<i32>} : memref<128xi32, #tpu.memory_space<vmem>>, vector<16xi32>,
    %swap3A_34 = vector.shape_cast %swap3A_33 : vector<16xi32> to vector<16xi32>
    %swap3A_35 = vector.shape_cast %div3A_31 : vector<16xi32> to vector<16xi32>
    tpu.vector_store %arg7[%swap3A_32], %swap3A_35 {strides = array<i32>} : memref<128xi32, #tpu.memory_space<vmem>>, vector<16xi32>,
    %mul3A_36 = arith.muli %div3A_31, %broadcast_in_dim3A_3 : vector<16xi32>
    %sub3A_37 = arith.subi %get3A_30, %mul3A_36 : vector<16xi32>
    %swap3A_38 = arith.constant 32 : index
    %swap3A_39 = tpu.vector_load %arg8[%swap3A_38] {strides = array<i32>} : memref<128xi32, #tpu.memory_space<vmem>>, vector<16xi32>,
    %swap3A_40 = vector.shape_cast %swap3A_39 : vector<16xi32> to vector<16xi32>
    %swap3A_41 = vector.shape_cast %sub3A_37 : vector<16xi32> to vector<16xi32>
    tpu.vector_store %arg8[%swap3A_38], %swap3A_41 {strides = array<i32>} : memref<128xi32, #tpu.memory_space<vmem>>, vector<16xi32>,
    %get3A_42 = arith.constant 48 : index
    %get3A_43 = tpu.vector_load %arg6[%get3A_42] {strides = array<i32>} : memref<128xi32, #tpu.memory_space<vmem>>, vector<16xi32>,
    %get3A_44 = vector.shape_cast %get3A_43 : vector<16xi32> to vector<16xi32>
    %div3A_45 = arith.divsi %get3A_44, %broadcast_in_dim3A_3 : vector<16xi32>
    %swap3A_46 = arith.constant 48 : index
    %swap3A_47 = tpu.vector_load %arg7[%swap3A_46] {strides = array<i32>} : memref<128xi32, #tpu.memory_space<vmem>>, vector<16xi32>,
    %swap3A_48 = vector.shape_cast %swap3A_47 : vector<16xi32> to vector<16xi32>
    %swap3A_49 = vector.shape_cast %div3A_45 : vector<16xi32> to vector<16xi32>
    tpu.vector_store %arg7[%swap3A_46], %swap3A_49 {strides = array<i32>} : memref<128xi32, #tpu.memory_space<vmem>>, vector<16xi32>,
    %mul3A_50 = arith.muli %div3A_45, %broadcast_in_dim3A_3 : vector<16xi32>
    %sub3A_51 = arith.subi %get3A_44, %mul3A_50 : vector<16xi32>
    %swap3A_52 = arith.constant 48 : index
    %swap3A_53 = tpu.vector_load %arg8[%swap3A_52] {strides = array<i32>} : memref<128xi32, #tpu.memory_space<vmem>>, vector<16xi32>,
    %swap3A_54 = vector.shape_cast %swap3A_53 : vector<16xi32> to vector<16xi32>
    %swap3A_55 = vector.shape_cast %sub3A_51 : vector<16xi32> to vector<16xi32>
    tpu.vector_store %arg8[%swap3A_52], %swap3A_55 {strides = array<i32>} : memref<128xi32, #tpu.memory_space<vmem>>, vector<16xi32>,
    %get3A_56 = arith.constant 64 : index
    %get3A_57 = tpu.vector_load %arg6[%get3A_56] {strides = array<i32>} : memref<128xi32, #tpu.memory_space<vmem>>, vector<16xi32>,
    %get3A_58 = vector.shape_cast %get3A_57 : vector<16xi32> to vector<16xi32>
    %div3A_59 = arith.divsi %get3A_58, %broadcast_in_dim3A_3 : vector<16xi32>
    %swap3A_60 = arith.constant 64 : index
    %swap3A_61 = tpu.vector_load %arg7[%swap3A_60] {strides = array<i32>} : memref<128xi32, #tpu.memory_space<vmem>>, vector<16xi32>,
    %swap3A_62 = vector.shape_cast %swap3A_61 : vector<16xi32> to vector<16xi32>
    %swap3A_63 = vector.shape_cast %div3A_59 : vector<16xi32> to vector<16xi32>
    tpu.vector_store %arg7[%swap3A_60], %swap3A_63 {strides = array<i32>} : memref<128xi32, #tpu.memory_space<vmem>>, vector<16xi32>,
    %mul3A_64 = arith.muli %div3A_59, %broadcast_in_dim3A_3 : vector<16xi32>
    %sub3A_65 = arith.subi %get3A_58, %mul3A_64 : vector<16xi32>
    %swap3A_66 = arith.constant 64 : index
    %swap3A_67 = tpu.vector_load %arg8[%swap3A_66] {strides = array<i32>} : memref<128xi32, #tpu.memory_space<vmem>>, vector<16xi32>,
    %swap3A_68 = vector.shape_cast %swap3A_67 : vector<16xi32> to vector<16xi32>
    %swap3A_69 = vector.shape_cast %sub3A_65 : vector<16xi32> to vector<16xi32>
    tpu.vector_store %arg8[%swap3A_66], %swap3A_69 {strides = array<i32>} : memref<128xi32, #tpu.memory_space<vmem>>, vector<16xi32>,
    %get3A_70 = arith.constant 80 : index
    %get3A_71 = tpu.vector_load %arg6[%get3A_70] {strides = array<i32>} : memref<128xi32, #tpu.memory_space<vmem>>, vector<16xi32>,
    %get3A_72 = vector.shape_cast %get3A_71 : vector<16xi32> to vector<16xi32>
    %div3A_73 = arith.divsi %get3A_72, %broadcast_in_dim3A_3 : vector<16xi32>
    %swap3A_74 = arith.constant 80 : index
    %swap3A_75 = tpu.vector_load %arg7[%swap3A_74] {strides = array<i32>} : memref<128xi32, #tpu.memory_space<vmem>>, vector<16xi32>,
    %swap3A_76 = vector.shape_cast %swap3A_75 : vector<16xi32> to vector<16xi32>
    %swap3A_77 = vector.shape_cast %div3A_73 : vector<16xi32> to vector<16xi32>
    tpu.vector_store %arg7[%swap3A_74], %swap3A_77 {strides = array<i32>} : memref<128xi32, #tpu.memory_space<vmem>>, vector<16xi32>,
    %mul3A_78 = arith.muli %div3A_73, %broadcast_in_dim3A_3 : vector<16xi32>
    %sub3A_79 = arith.subi %get3A_72, %mul3A_78 : vector<16xi32>
    %swap3A_80 = arith.constant 80 : index
    %swap3A_81 = tpu.vector_load %arg8[%swap3A_80] {strides = array<i32>} : memref<128xi32, #tpu.memory_space<vmem>>, vector<16xi32>,
    %swap3A_82 = vector.shape_cast %swap3A_81 : vector<16xi32> to vector<16xi32>
    %swap3A_83 = vector.shape_cast %sub3A_79 : vector<16xi32> to vector<16xi32>
    tpu.vector_store %arg8[%swap3A_80], %swap3A_83 {strides = array<i32>} : memref<128xi32, #tpu.memory_space<vmem>>, vector<16xi32>,
    %get3A_84 = arith.constant 96 : index
    %get3A_85 = tpu.vector_load %arg6[%get3A_84] {strides = array<i32>} : memref<128xi32, #tpu.memory_space<vmem>>, vector<16xi32>,
    %get3A_86 = vector.shape_cast %get3A_85 : vector<16xi32> to vector<16xi32>
    %div3A_87 = arith.divsi %get3A_86, %broadcast_in_dim3A_3 : vector<16xi32>
    %swap3A_88 = arith.constant 96 : index
    %swap3A_89 = tpu.vector_load %arg7[%swap3A_88] {strides = array<i32>} : memref<128xi32, #tpu.memory_space<vmem>>, vector<16xi32>,
    %swap3A_90 = vector.shape_cast %swap3A_89 : vector<16xi32> to vector<16xi32>
    %swap3A_91 = vector.shape_cast %div3A_87 : vector<16xi32> to vector<16xi32>
    tpu.vector_store %arg7[%swap3A_88], %swap3A_91 {strides = array<i32>} : memref<128xi32, #tpu.memory_space<vmem>>, vector<16xi32>,
    %mul3A_92 = arith.muli %div3A_87, %broadcast_in_dim3A_3 : vector<16xi32>
    %sub3A_93 = arith.subi %get3A_86, %mul3A_92 : vector<16xi32>
    %swap3A_94 = arith.constant 96 : index
    %swap3A_95 = tpu.vector_load %arg8[%swap3A_94] {strides = array<i32>} : memref<128xi32, #tpu.memory_space<vmem>>, vector<16xi32>,
    %swap3A_96 = vector.shape_cast %swap3A_95 : vector<16xi32> to vector<16xi32>
    %swap3A_97 = vector.shape_cast %sub3A_93 : vector<16xi32> to vector<16xi32>
    tpu.vector_store %arg8[%swap3A_94], %swap3A_97 {strides = array<i32>} : memref<128xi32, #tpu.memory_space<vmem>>, vector<16xi32>,
    %get3A_98 = arith.constant 112 : index
    %get3A_99 = tpu.vector_load %arg6[%get3A_98] {strides = array<i32>} : memref<128xi32, #tpu.memory_space<vmem>>, vector<16xi32>,
    %get3A_100 = vector.shape_cast %get3A_99 : vector<16xi32> to vector<16xi32>
    %div3A_101 = arith.divsi %get3A_100, %broadcast_in_dim3A_3 : vector<16xi32>
    %swap3A_102 = arith.constant 112 : index
    %swap3A_103 = tpu.vector_load %arg7[%swap3A_102] {strides = array<i32>} : memref<128xi32, #tpu.memory_space<vmem>>, vector<16xi32>,
    %swap3A_104 = vector.shape_cast %swap3A_103 : vector<16xi32> to vector<16xi32>
    %swap3A_105 = vector.shape_cast %div3A_101 : vector<16xi32> to vector<16xi32>
    tpu.vector_store %arg7[%swap3A_102], %swap3A_105 {strides = array<i32>} : memref<128xi32, #tpu.memory_space<vmem>>, vector<16xi32>,
    %mul3A_106 = arith.muli %div3A_101, %broadcast_in_dim3A_3 : vector<16xi32>
    %sub3A_107 = arith.subi %get3A_100, %mul3A_106 : vector<16xi32>
    %swap3A_108 = arith.constant 112 : index
    %swap3A_109 = tpu.vector_load %arg8[%swap3A_108] {strides = array<i32>} : memref<128xi32, #tpu.memory_space<vmem>>, vector<16xi32>,
    %swap3A_110 = vector.shape_cast %swap3A_109 : vector<16xi32> to vector<16xi32>
    %swap3A_111 = vector.shape_cast %sub3A_107 : vector<16xi32> to vector<16xi32>
    tpu.vector_store %arg8[%swap3A_108], %swap3A_111 {strides = array<i32>} : memref<128xi32, #tpu.memory_space<vmem>>, vector<16xi32>,
    %dma_start3A = arith.constant 0 : i32
    %dma_start3A_112 = arith.constant 0 : i32
    %dma_start3A_113 = tpu.memref_slice %arg3[%dma_start3A, %dma_start3A_112] : memref<316x128xi32, #tpu.memory_space<hbm>> -> memref<316x128xi32, #tpu.memory_space<hbm>>
    tpu.enqueue_indirect_dma source(%dma_start3A_113 : memref<316x128xi32, #tpu.memory_space<hbm>>) target(%arg9 : memref<128x128xi32, #tpu.memory_space<vmem>>) offsets(%arg7 : memref<128xi32, #tpu.memory_space<vmem>>) semaphore(%arg11 : memref<!tpu.dma_semaphore, #tpu.memory_space<semaphore_mem>>)
    %dma_wait3A = arith.constant 0 : i32
    %dma_wait3A_114 = arith.constant 0 : i32
    %dma_wait3A_115 = tpu.memref_slice %arg3[%dma_wait3A, %dma_wait3A_114] : memref<316x128xi32, #tpu.memory_space<hbm>> -> memref<316x128xi32, #tpu.memory_space<hbm>>
    tpu.wait_indirect_dma semaphore(%arg11 : memref<!tpu.dma_semaphore, #tpu.memory_space<semaphore_mem>>) src(%dma_wait3A_115 : memref<316x128xi32, #tpu.memory_space<hbm>>) dst(%arg9 : memref<128x128xi32, #tpu.memory_space<vmem>>)
    %dma_start3A_116 = arith.constant 0 : i32
    %dma_start3A_117 = arith.constant 0 : i32
    %dma_start3A_118 = tpu.memref_slice %arg3[%dma_start3A_116, %dma_start3A_117] : memref<316x128xi32, #tpu.memory_space<hbm>> -> memref<316x128xi32, #tpu.memory_space<hbm>>
    tpu.enqueue_indirect_dma source(%dma_start3A_118 : memref<316x128xi32, #tpu.memory_space<hbm>>) target(%arg10 : memref<128x128xi32, #tpu.memory_space<vmem>>) offsets(%arg8 : memref<128xi32, #tpu.memory_space<vmem>>) semaphore(%arg11 : memref<!tpu.dma_semaphore, #tpu.memory_space<semaphore_mem>>)
    %dma_wait3A_119 = arith.constant 0 : i32
    %dma_wait3A_120 = arith.constant 0 : i32
    %dma_wait3A_121 = tpu.memref_slice %arg3[%dma_wait3A_119, %dma_wait3A_120] : memref<316x128xi32, #tpu.memory_space<hbm>> -> memref<316x128xi32, #tpu.memory_space<hbm>>
    tpu.wait_indirect_dma semaphore(%arg11 : memref<!tpu.dma_semaphore, #tpu.memory_space<semaphore_mem>>) src(%dma_wait3A_121 : memref<316x128xi32, #tpu.memory_space<hbm>>) dst(%arg10 : memref<128x128xi32, #tpu.memory_space<vmem>>)
    "tpu.region"() ({
      %run_scoped3A = tpu.sem_alloc : memref<!tpu.dma_semaphore, #tpu.memory_space<semaphore_mem>>
      %dma_start3A_122 = arith.constant 0 : i32
      %dma_start3A_123 = tpu.memref_slice %arg4[%mul3A_2, %dma_start3A_122] : memref<4096x128xi32, #tpu.memory_space<hbm>> -> memref<128x128xi32, #tpu.memory_space<hbm>>
      %dma_start3A_124 = arith.constant 0 : i32
      %dma_start3A_125 = tpu.memref_slice %arg4[%mul3A_2, %dma_start3A_124] : memref<4096x128xi32, #tpu.memory_space<hbm>> -> memref<128x128xi32, #tpu.memory_space<hbm>>
      tpu.enqueue_dma source(%arg9 : memref<128x128xi32, #tpu.memory_space<vmem>>) target(%dma_start3A_125 : memref<128x128xi32, #tpu.memory_space<hbm>>) target_semaphore(%run_scoped3A : memref<!tpu.dma_semaphore, #tpu.memory_space<semaphore_mem>>)
      %dma_wait3A_126 = arith.constant 0 : i32
      %dma_wait3A_127 = tpu.memref_slice %arg4[%mul3A_2, %dma_wait3A_126] : memref<4096x128xi32, #tpu.memory_space<hbm>> -> memref<128x128xi32, #tpu.memory_space<hbm>>
      %dma_wait3A_128 = arith.constant 0 : i32
      %dma_wait3A_129 = tpu.memref_slice %arg4[%mul3A_2, %dma_wait3A_128] : memref<4096x128xi32, #tpu.memory_space<hbm>> -> memref<128x128xi32, #tpu.memory_space<hbm>>
      tpu.wait_dma2 semaphore(%run_scoped3A : memref<!tpu.dma_semaphore, #tpu.memory_space<semaphore_mem>>) src(%arg9 : memref<128x128xi32, #tpu.memory_space<vmem>>) dst(%dma_wait3A_129 : memref<128x128xi32, #tpu.memory_space<hbm>>)
      tpu.yield
    }) : () -> ()
    "tpu.region"() ({
      %run_scoped3A = tpu.sem_alloc : memref<!tpu.dma_semaphore, #tpu.memory_space<semaphore_mem>>
      %dma_start3A_122 = arith.constant 0 : i32
      %dma_start3A_123 = tpu.memref_slice %arg5[%mul3A_2, %dma_start3A_122] : memref<4096x128xi32, #tpu.memory_space<hbm>> -> memref<128x128xi32, #tpu.memory_space<hbm>>
      %dma_start3A_124 = arith.constant 0 : i32
      %dma_start3A_125 = tpu.memref_slice %arg5[%mul3A_2, %dma_start3A_124] : memref<4096x128xi32, #tpu.memory_space<hbm>> -> memref<128x128xi32, #tpu.memory_space<hbm>>
      tpu.enqueue_dma source(%arg10 : memref<128x128xi32, #tpu.memory_space<vmem>>) target(%dma_start3A_125 : memref<128x128xi32, #tpu.memory_space<hbm>>) target_semaphore(%run_scoped3A : memref<!tpu.dma_semaphore, #tpu.memory_space<semaphore_mem>>)
      %dma_wait3A_126 = arith.constant 0 : i32
      %dma_wait3A_127 = tpu.memref_slice %arg5[%mul3A_2, %dma_wait3A_126] : memref<4096x128xi32, #tpu.memory_space<hbm>> -> memref<128x128xi32, #tpu.memory_space<hbm>>
      %dma_wait3A_128 = arith.constant 0 : i32
      %dma_wait3A_129 = tpu.memref_slice %arg5[%mul3A_2, %dma_wait3A_128] : memref<4096x128xi32, #tpu.memory_space<hbm>> -> memref<128x128xi32, #tpu.memory_space<hbm>>
      tpu.wait_dma2 semaphore(%run_scoped3A : memref<!tpu.dma_semaphore, #tpu.memory_space<semaphore_mem>>) src(%arg10 : memref<128x128xi32, #tpu.memory_space<vmem>>) dst(%dma_wait3A_129 : memref<128x128xi32, #tpu.memory_space<hbm>>)
      tpu.yield
    }) : () -> ()
    return
  }
}

module attributes {stable_mosaic.version = 14 : i64} {
  func.func @_norm_body(%arg0: i32, %arg1: memref<1x2048xf32, #tpu.memory_space<vmem>>, %arg2: memref<1x1xf32, #tpu.memory_space<smem>>, %arg3: memref<1x2048xf32, #tpu.memory_space<vmem>>, %arg4: memref<1x2048xf32, #tpu.memory_space<vmem>>) attributes {dimension_semantics = [#tpu.dimension_semantics<arbitrary>], iteration_bounds = array<i64: 49>, scalar_prefetch = 0 : i64, scratch_operands = 0 : i64, tpu.core_type = #tpu.core_type<tc>, window_params = [{transform_indices = @transform_0, window_bounds = array<i64: 1, 2048>}, {transform_indices = @transform_1, window_bounds = array<i64: 1, 1>}, {transform_indices = @transform_2, window_bounds = array<i64: 1, 2048>}, {transform_indices = @transform_3, window_bounds = array<i64: 1, 2048>}]} {
    %get3A = arith.constant 0 : index
    %get3A_0 = arith.constant 0 : index
    %get3A_1 = memref.load %arg2[%get3A, %get3A_0] : memref<1x1xf32, #tpu.memory_space<smem>>
    %get3A_2 = arith.constant 0 : index
    %get3A_3 = arith.constant 0 : index
    %get3A_4 = vector.load %arg1[%get3A_2, %get3A_3] : memref<1x2048xf32, #tpu.memory_space<vmem>>, vector<1x2048xf32>
    %mul3A = arith.constant 0.899999976 : f32
    %mul3A_5 = vector.broadcast %mul3A : f32 to vector<1x2048xf32>
    %mul3A_6 = arith.mulf %mul3A_5, %get3A_4 : vector<1x2048xf32>
    %div3A = vector.broadcast %get3A_1 : f32 to vector<1x2048xf32>
    %div3A_7 = arith.divf %mul3A_6, %div3A : vector<1x2048xf32>
    %add3A = arith.constant 1.00144212E-6 : f32
    %add3A_8 = vector.broadcast %add3A : f32 to vector<1x2048xf32>
    %add3A_9 = arith.addf %div3A_7, %add3A_8 : vector<1x2048xf32>
    %swap3A = arith.constant 0 : index
    %swap3A_10 = arith.constant 0 : index
    %swap3A_11 = vector.load %arg3[%swap3A, %swap3A_10] : memref<1x2048xf32, #tpu.memory_space<vmem>>, vector<1x2048xf32>
    tpu.vector_store %arg3[%swap3A, %swap3A_10], %add3A_9 {strides = array<i32>} : memref<1x2048xf32, #tpu.memory_space<vmem>>, vector<1x2048xf32>,
    %iota3A = tpu.iota {dimensions = array<i32: 1>} : vector<1x2048xi32>
    %mul3A_12 = arith.constant 2048 : i32
    %mul3A_13 = arith.muli %arg0, %mul3A_12 : i32
    %add3A_14 = vector.broadcast %mul3A_13 : i32 to vector<1x2048xi32>
    %add3A_15 = arith.addi %iota3A, %add3A_14 : vector<1x2048xi32>
    %log3A = math.log %add3A_9 : vector<1x2048xf32>
    %lt3A = arith.constant 99856 : i32
    %lt3A_16 = vector.broadcast %lt3A : i32 to vector<1x2048xi32>
    %lt3A_17 = arith.cmpi slt, %add3A_15, %lt3A_16 : vector<1x2048xi32>
    %jit3A = arith.constant 0xFF800000 : f32
    %broadcast_in_dim3A = vector.broadcast %jit3A : f32 to vector<1x2048xf32>
    %select_n3A = arith.select %lt3A_17, %log3A, %broadcast_in_dim3A : vector<1x2048xi1>, vector<1x2048xf32>
    %swap3A_18 = arith.constant 0 : index
    %swap3A_19 = arith.constant 0 : index
    %swap3A_20 = vector.load %arg4[%swap3A_18, %swap3A_19] : memref<1x2048xf32, #tpu.memory_space<vmem>>, vector<1x2048xf32>
    tpu.vector_store %arg4[%swap3A_18, %swap3A_19], %select_n3A {strides = array<i32>} : memref<1x2048xf32, #tpu.memory_space<vmem>>, vector<1x2048xf32>,
    return
  }
  func.func @transform_0(%arg0: i32) -> (i32, i32) {
    %c0_i32 = arith.constant 0 : i32
    %c0_i32_0 = arith.constant 0 : i32
    return %c0_i32, %arg0 : i32, i32
  }
  func.func @transform_1(%arg0: i32) -> (i32, i32) {
    %c0_i32 = arith.constant 0 : i32
    %c0_i32_0 = arith.constant 0 : i32
    %c0_i32_1 = arith.constant 0 : i32
    return %c0_i32, %c0_i32_0 : i32, i32
  }
  func.func @transform_2(%arg0: i32) -> (i32, i32) {
    %c0_i32 = arith.constant 0 : i32
    %c0_i32_0 = arith.constant 0 : i32
    return %c0_i32, %arg0 : i32, i32
  }
  func.func @transform_3(%arg0: i32) -> (i32, i32) {
    %c0_i32 = arith.constant 0 : i32
    %c0_i32_0 = arith.constant 0 : i32
    return %c0_i32, %arg0 : i32, i32
  }
}

module attributes {stable_mosaic.version = 14 : i64} {
  func.func @_mlp_body(%arg0: i32, %arg1: memref<1x128xf32, #tpu.memory_space<vmem>>, %arg2: memref<128x128xf32, #tpu.memory_space<vmem>>, %arg3: memref<1x128xf32, #tpu.memory_space<vmem>>, %arg4: memref<128x128xf32, #tpu.memory_space<vmem>>, %arg5: memref<1x128xf32, #tpu.memory_space<vmem>>, %arg6: memref<2048x128xf32, #tpu.memory_space<vmem>>, %arg7: memref<1x2048xf32, #tpu.memory_space<vmem>>, %arg8: memref<1x2048xf32, #tpu.memory_space<vmem>>, %arg9: memref<1x1xf32, #tpu.memory_space<smem>>, %arg10: memref<1x128xf32, #tpu.memory_space<vmem>>, %arg11: memref<1x1xf32, #tpu.memory_space<smem>>) attributes {dimension_semantics = [#tpu.dimension_semantics<arbitrary>], iteration_bounds = array<i64: 49>, scalar_prefetch = 0 : i64, scratch_operands = 2 : i64, tpu.core_type = #tpu.core_type<tc>, window_params = [{pipeline_mode = #tpu.pipeline_mode<synchronous>, transform_indices = @transform_0, window_bounds = array<i64: 1, 128>}, {pipeline_mode = #tpu.pipeline_mode<synchronous>, transform_indices = @transform_1, window_bounds = array<i64: 128, 128>}, {pipeline_mode = #tpu.pipeline_mode<synchronous>, transform_indices = @transform_2, window_bounds = array<i64: 1, 128>}, {pipeline_mode = #tpu.pipeline_mode<synchronous>, transform_indices = @transform_3, window_bounds = array<i64: 128, 128>}, {pipeline_mode = #tpu.pipeline_mode<synchronous>, transform_indices = @transform_4, window_bounds = array<i64: 1, 128>}, {transform_indices = @transform_5, window_bounds = array<i64: 2048, 128>}, {transform_indices = @transform_6, window_bounds = array<i64: 1, 2048>}, {transform_indices = @transform_7, window_bounds = array<i64: 1, 2048>}, {transform_indices = @transform_8, window_bounds = array<i64: 1, 1>}]} {
    %eq3A = arith.constant 0 : i32
    %eq3A_0 = arith.cmpi eq, %arg0, %eq3A : i32
    %convert_element_type3A = arith.extui %eq3A_0 : i1 to i32
    %cond3A = arith.constant 0 : i32
    %cond3A_1 = arith.cmpi ne, %convert_element_type3A, %cond3A : i32
    scf.if %cond3A_1 {
      %get3A_39 = arith.constant 0 : index
      %get3A_40 = arith.constant 0 : index
      %get3A_41 = vector.load %arg1[%get3A_39, %get3A_40] : memref<1x128xf32, #tpu.memory_space<vmem>>, vector<1x128xf32>
      %get3A_42 = arith.constant 0 : index
      %get3A_43 = arith.constant 0 : index
      %get3A_44 = vector.load %arg2[%get3A_42, %get3A_43] : memref<128x128xf32, #tpu.memory_space<vmem>>, vector<128x128xf32>
      %dot_general3A_45 = arith.constant dense<0.000000e+00> : vector<1x128xf32>
      %dot_general3A_46 = tpu.matmul %get3A_41, %get3A_44, %dot_general3A_45 {dimension_numbers = #tpu.dot_dimension_numbers<[1], [1], [0], [0], [0, 0, 1, 0], [], []>, transpose_lhs_hint = false} : vector<1x128xf32>, vector<128x128xf32>, vector<1x128xf32> -> vector<1x128xf32>
      %get3A_47 = arith.constant 0 : index
      %get3A_48 = arith.constant 0 : index
      %get3A_49 = vector.load %arg3[%get3A_47, %get3A_48] : memref<1x128xf32, #tpu.memory_space<vmem>>, vector<1x128xf32>
      %add3A_50 = arith.addf %dot_general3A_46, %get3A_49 : vector<1x128xf32>
      %ge3A = arith.constant 0.000000e+00 : f32
      %ge3A_51 = vector.broadcast %ge3A : f32 to vector<1x128xf32>
      %ge3A_52 = arith.cmpf oge, %add3A_50, %ge3A_51 : vector<1x128xf32>
      %mul3A_53 = arith.constant 1.000000e-01 : f32
      %mul3A_54 = vector.broadcast %mul3A_53 : f32 to vector<1x128xf32>
      %mul3A_55 = arith.mulf %mul3A_54, %add3A_50 : vector<1x128xf32>
      %select_n3A_56 = arith.select %ge3A_52, %add3A_50, %mul3A_55 : vector<1x128xi1>, vector<1x128xf32>
      %get3A_57 = arith.constant 0 : index
      %get3A_58 = arith.constant 0 : index
      %get3A_59 = vector.load %arg4[%get3A_57, %get3A_58] : memref<128x128xf32, #tpu.memory_space<vmem>>, vector<128x128xf32>
      %dot_general3A_60 = arith.constant dense<0.000000e+00> : vector<1x128xf32>
      %dot_general3A_61 = tpu.matmul %select_n3A_56, %get3A_59, %dot_general3A_60 {dimension_numbers = #tpu.dot_dimension_numbers<[1], [1], [0], [0], [0, 0, 1, 0], [], []>, transpose_lhs_hint = false} : vector<1x128xf32>, vector<128x128xf32>, vector<1x128xf32> -> vector<1x128xf32>
      %get3A_62 = arith.constant 0 : index
      %get3A_63 = arith.constant 0 : index
      %get3A_64 = vector.load %arg5[%get3A_62, %get3A_63] : memref<1x128xf32, #tpu.memory_space<vmem>>, vector<1x128xf32>
      %add3A_65 = arith.addf %dot_general3A_61, %get3A_64 : vector<1x128xf32>
      %ge3A_66 = arith.constant 0.000000e+00 : f32
      %ge3A_67 = vector.broadcast %ge3A_66 : f32 to vector<1x128xf32>
      %ge3A_68 = arith.cmpf oge, %add3A_65, %ge3A_67 : vector<1x128xf32>
      %mul3A_69 = arith.constant 1.000000e-01 : f32
      %mul3A_70 = vector.broadcast %mul3A_69 : f32 to vector<1x128xf32>
      %mul3A_71 = arith.mulf %mul3A_70, %add3A_65 : vector<1x128xf32>
      %select_n3A_72 = arith.select %ge3A_68, %add3A_65, %mul3A_71 : vector<1x128xi1>, vector<1x128xf32>
      %swap3A_73 = arith.constant 0 : index
      %swap3A_74 = arith.constant 0 : index
      %swap3A_75 = vector.load %arg10[%swap3A_73, %swap3A_74] : memref<1x128xf32, #tpu.memory_space<vmem>>, vector<1x128xf32>
      tpu.vector_store %arg10[%swap3A_73, %swap3A_74], %select_n3A_72 {strides = array<i32>} : memref<1x128xf32, #tpu.memory_space<vmem>>, vector<1x128xf32>,
      %swap3A_76 = arith.constant 0.000000e+00 : f32
      %swap3A_77 = arith.constant 0 : index
      %swap3A_78 = arith.constant 0 : index
      %swap3A_79 = memref.load %arg11[%swap3A_77, %swap3A_78] : memref<1x1xf32, #tpu.memory_space<smem>>
      memref.store %swap3A_76, %arg11[%swap3A_77, %swap3A_78] : memref<1x1xf32, #tpu.memory_space<smem>>
    } else {
    }
    %get3A = arith.constant 0 : index
    %get3A_2 = arith.constant 0 : index
    %get3A_3 = vector.load %arg10[%get3A, %get3A_2] : memref<1x128xf32, #tpu.memory_space<vmem>>, vector<1x128xf32>
    %get3A_4 = arith.constant 0 : index
    %get3A_5 = arith.constant 0 : index
    %get3A_6 = vector.load %arg6[%get3A_4, %get3A_5] : memref<2048x128xf32, #tpu.memory_space<vmem>>, vector<2048x128xf32>
    %dot_general3A = arith.constant dense<0.000000e+00> : vector<1x2048xf32>
    %dot_general3A_7 = tpu.matmul %get3A_3, %get3A_6, %dot_general3A {dimension_numbers = #tpu.dot_dimension_numbers<[1], [1], [0], [0], [0, 0, 1, 0], [], []>, transpose_lhs_hint = false} : vector<1x128xf32>, vector<2048x128xf32>, vector<1x2048xf32> -> vector<1x2048xf32>
    %get3A_8 = arith.constant 0 : index
    %get3A_9 = arith.constant 0 : index
    %get3A_10 = vector.load %arg7[%get3A_8, %get3A_9] : memref<1x2048xf32, #tpu.memory_space<vmem>>, vector<1x2048xf32>
    %add3A = arith.addf %dot_general3A_7, %get3A_10 : vector<1x2048xf32>
    %logistic3A = arith.negf %add3A : vector<1x2048xf32>
    %logistic3A_11 = math.exp %logistic3A : vector<1x2048xf32>
    %logistic3A_12 = arith.constant 1.000000e+00 : f32
    %logistic3A_13 = vector.broadcast %logistic3A_12 : f32 to vector<1x2048xf32>
    %logistic3A_14 = arith.addf %logistic3A_13, %logistic3A_11 : vector<1x2048xf32>
    %logistic3A_15 = arith.divf %logistic3A_13, %logistic3A_14 : vector<1x2048xf32>
    %iota3A = tpu.iota {dimensions = array<i32: 1>} : vector<1x2048xi32>
    %mul3A = arith.constant 2048 : i32
    %mul3A_16 = arith.muli %arg0, %mul3A : i32
    %add3A_17 = vector.broadcast %mul3A_16 : i32 to vector<1x2048xi32>
    %add3A_18 = arith.addi %iota3A, %add3A_17 : vector<1x2048xi32>
    %lt3A = arith.constant 99856 : i32
    %lt3A_19 = vector.broadcast %lt3A : i32 to vector<1x2048xi32>
    %lt3A_20 = arith.cmpi slt, %add3A_18, %lt3A_19 : vector<1x2048xi32>
    %jit3A = arith.constant 0.000000e+00 : f32
    %broadcast_in_dim3A = vector.broadcast %jit3A : f32 to vector<1x2048xf32>
    %select_n3A = arith.select %lt3A_20, %logistic3A_15, %broadcast_in_dim3A : vector<1x2048xi1>, vector<1x2048xf32>
    %swap3A = arith.constant 0 : index
    %swap3A_21 = arith.constant 0 : index
    %swap3A_22 = vector.load %arg8[%swap3A, %swap3A_21] : memref<1x2048xf32, #tpu.memory_space<vmem>>, vector<1x2048xf32>
    tpu.vector_store %arg8[%swap3A, %swap3A_21], %select_n3A {strides = array<i32>} : memref<1x2048xf32, #tpu.memory_space<vmem>>, vector<1x2048xf32>,
    %get3A_23 = arith.constant 0 : index
    %get3A_24 = arith.constant 0 : index
    %get3A_25 = memref.load %arg11[%get3A_23, %get3A_24] : memref<1x1xf32, #tpu.memory_space<smem>>
    %reduce_sum3A = vector.shape_cast %select_n3A : vector<1x2048xf32> to vector<1x1x2048xf32>
    %reduce_sum3A_26 = arith.constant dense<0.000000e+00> : vector<1xf32>
    %reduce_sum3A_27 = vector.multi_reduction <add>, %reduce_sum3A, %reduce_sum3A_26 [1, 2] : vector<1x1x2048xf32> to vector<1xf32>
    %reduce_sum3A_28 = vector.shape_cast %reduce_sum3A_27 : vector<1xf32> to vector<1x1x1xf32>
    %reduce_sum3A_29 = vector.extract %reduce_sum3A_28[0, 0, 0] : f32 from vector<1x1x1xf32>
    %add3A_30 = arith.addf %get3A_25, %reduce_sum3A_29 : f32
    %swap3A_31 = arith.constant 0 : index
    %swap3A_32 = arith.constant 0 : index
    %swap3A_33 = memref.load %arg11[%swap3A_31, %swap3A_32] : memref<1x1xf32, #tpu.memory_space<smem>>
    memref.store %add3A_30, %arg11[%swap3A_31, %swap3A_32] : memref<1x1xf32, #tpu.memory_space<smem>>
    %eq3A_34 = arith.constant 48 : i32
    %eq3A_35 = arith.cmpi eq, %arg0, %eq3A_34 : i32
    %convert_element_type3A_36 = arith.extui %eq3A_35 : i1 to i32
    %cond3A_37 = arith.constant 0 : i32
    %cond3A_38 = arith.cmpi ne, %convert_element_type3A_36, %cond3A_37 : i32
    scf.if %cond3A_38 {
      %get3A_39 = arith.constant 0 : index
      %get3A_40 = arith.constant 0 : index
      %get3A_41 = memref.load %arg11[%get3A_39, %get3A_40] : memref<1x1xf32, #tpu.memory_space<smem>>
      %swap3A_42 = arith.constant 0 : index
      %swap3A_43 = arith.constant 0 : index
      %swap3A_44 = memref.load %arg9[%swap3A_42, %swap3A_43] : memref<1x1xf32, #tpu.memory_space<smem>>
      memref.store %get3A_41, %arg9[%swap3A_42, %swap3A_43] : memref<1x1xf32, #tpu.memory_space<smem>>
    } else {
    }
    return
  }
  func.func @transform_0(%arg0: i32) -> (i32, i32) {
    %c0_i32 = arith.constant 0 : i32
    %c0_i32_0 = arith.constant 0 : i32
    %c0_i32_1 = arith.constant 0 : i32
    return %c0_i32, %c0_i32_0 : i32, i32
  }
  func.func @transform_1(%arg0: i32) -> (i32, i32) {
    %c0_i32 = arith.constant 0 : i32
    %c0_i32_0 = arith.constant 0 : i32
    %c0_i32_1 = arith.constant 0 : i32
    return %c0_i32, %c0_i32_0 : i32, i32
  }
  func.func @transform_2(%arg0: i32) -> (i32, i32) {
    %c0_i32 = arith.constant 0 : i32
    %c0_i32_0 = arith.constant 0 : i32
    %c0_i32_1 = arith.constant 0 : i32
    return %c0_i32, %c0_i32_0 : i32, i32
  }
  func.func @transform_3(%arg0: i32) -> (i32, i32) {
    %c0_i32 = arith.constant 0 : i32
    %c0_i32_0 = arith.constant 0 : i32
    %c0_i32_1 = arith.constant 0 : i32
    return %c0_i32, %c0_i32_0 : i32, i32
  }
  func.func @transform_4(%arg0: i32) -> (i32, i32) {
    %c0_i32 = arith.constant 0 : i32
    %c0_i32_0 = arith.constant 0 : i32
    %c0_i32_1 = arith.constant 0 : i32
    return %c0_i32, %c0_i32_0 : i32, i32
  }
  func.func @transform_5(%arg0: i32) -> (i32, i32) {
    %c0_i32 = arith.constant 0 : i32
    %c0_i32_0 = arith.constant 0 : i32
    return %arg0, %c0_i32 : i32, i32
  }
  func.func @transform_6(%arg0: i32) -> (i32, i32) {
    %c0_i32 = arith.constant 0 : i32
    %c0_i32_0 = arith.constant 0 : i32
    return %c0_i32, %arg0 : i32, i32
  }
  func.func @transform_7(%arg0: i32) -> (i32, i32) {
    %c0_i32 = arith.constant 0 : i32
    %c0_i32_0 = arith.constant 0 : i32
    return %c0_i32, %arg0 : i32, i32
  }
  func.func @transform_8(%arg0: i32) -> (i32, i32) {
    %c0_i32 = arith.constant 0 : i32
    %c0_i32_0 = arith.constant 0 : i32
    %c0_i32_1 = arith.constant 0 : i32
    return %c0_i32, %c0_i32_0 : i32, i32
  }
}

module attributes {stable_mosaic.version = 14 : i64} {
  func.func @_sample_body(%arg0: i32, %arg1: i32, %arg2: memref<16x128xf32, #tpu.memory_space<vmem>>, %arg3: memref<512xi32, #tpu.memory_space<vmem>>, %arg4: memref<512x128xf32, #tpu.memory_space<vmem>>, %arg5: memref<512x128xi32, #tpu.memory_space<vmem>>) attributes {dimension_semantics = [#tpu.dimension_semantics<parallel>, #tpu.dimension_semantics<arbitrary>], iteration_bounds = array<i64: 8, 49>, scalar_prefetch = 0 : i64, scratch_operands = 2 : i64, tpu.core_type = #tpu.core_type<tc>, window_params = [{transform_indices = @transform_0, window_bounds = array<i64: 16, 128>}, {transform_indices = @transform_1, window_bounds = array<i64: 512>}]} {
    %eq3A = arith.constant 0 : i32
    %eq3A_0 = arith.cmpi eq, %arg1, %eq3A : i32
    %convert_element_type3A = arith.extui %eq3A_0 : i1 to i32
    %cond3A = arith.constant 0 : i32
    %cond3A_1 = arith.cmpi ne, %convert_element_type3A, %cond3A : i32
    scf.if %cond3A_1 {
      %broadcast_in_dim3A_1177 = arith.constant 0xFF800000 : f32
      %broadcast_in_dim3A_1178 = vector.broadcast %broadcast_in_dim3A_1177 : f32 to vector<512x128xf32>
      %swap3A_1179 = arith.constant 0 : index
      %swap3A_1180 = arith.constant 0 : index
      %swap3A_1181 = vector.load %arg4[%swap3A_1179, %swap3A_1180] : memref<512x128xf32, #tpu.memory_space<vmem>>, vector<512x128xf32>
      tpu.vector_store %arg4[%swap3A_1179, %swap3A_1180], %broadcast_in_dim3A_1178 {strides = array<i32>} : memref<512x128xf32, #tpu.memory_space<vmem>>, vector<512x128xf32>,
      %broadcast_in_dim3A_1182 = arith.constant 0 : i32
      %broadcast_in_dim3A_1183 = vector.broadcast %broadcast_in_dim3A_1182 : i32 to vector<512x128xi32>
      %swap3A_1184 = arith.constant 0 : index
      %swap3A_1185 = arith.constant 0 : index
      %swap3A_1186 = vector.load %arg5[%swap3A_1184, %swap3A_1185] : memref<512x128xi32, #tpu.memory_space<vmem>>, vector<512x128xi32>
      tpu.vector_store %arg5[%swap3A_1184, %swap3A_1185], %broadcast_in_dim3A_1183 {strides = array<i32>} : memref<512x128xi32, #tpu.memory_space<vmem>>, vector<512x128xi32>,
    } else {
    }
    %iota3A = tpu.iota {dimensions = array<i32: 1>} : vector<1x512x1xi32>
    %mul3A = arith.constant 512 : i32
    %mul3A_2 = arith.muli %arg0, %mul3A : i32
    %add3A = vector.broadcast %mul3A_2 : i32 to vector<1x512x1xi32>
    %add3A_3 = arith.addi %iota3A, %add3A : vector<1x512x1xi32>
    %mul3A_4 = arith.constant 99856 : i32
    %mul3A_5 = vector.broadcast %mul3A_4 : i32 to vector<1x512x1xi32>
    %mul3A_6 = arith.muli %add3A_3, %mul3A_5 : vector<1x512x1xi32>
    %get3A = arith.constant 0 : index
    %get3A_7 = arith.constant 0 : index
    %get3A_8 = vector.load %arg4[%get3A, %get3A_7] : memref<512x128xf32, #tpu.memory_space<vmem>>, vector<512x128xf32>
    %get3A_9 = arith.constant 0 : index
    %get3A_10 = arith.constant 0 : index
    %get3A_11 = vector.load %arg5[%get3A_9, %get3A_10] : memref<512x128xi32, #tpu.memory_space<vmem>>, vector<512x128xi32>
    %mul3A_12 = arith.constant 16 : i32
    %mul3A_13 = arith.muli %arg1, %mul3A_12 : i32
    %iota3A_14 = tpu.iota {dimensions = array<i32: 0>} : vector<4x1x128xi32>
    %mul3A_15 = arith.constant 128 : i32
    %mul3A_16 = vector.broadcast %mul3A_15 : i32 to vector<4x1x128xi32>
    %mul3A_17 = arith.muli %iota3A_14, %mul3A_16 : vector<4x1x128xi32>
    %iota3A_18 = tpu.iota {dimensions = array<i32: 2>} : vector<4x1x128xi32>
    %add3A_19 = arith.addi %mul3A_17, %iota3A_18 : vector<4x1x128xi32>
    %mul3A_20 = arith.constant 2048 : i32
    %mul3A_21 = arith.muli %arg1, %mul3A_20 : i32
    %add3A_22 = arith.constant 0 : i32
    %add3A_23 = arith.addi %mul3A_21, %add3A_22 : i32
    %add3A_24 = arith.constant 42 : i32
    %add3A_25 = arith.addi %add3A_23, %add3A_24 : i32
    %add3A_26 = vector.broadcast %add3A_25 : i32 to vector<4x1x128xi32>
    %add3A_27 = arith.addi %add3A_19, %add3A_26 : vector<4x1x128xi32>
    %add3A_28 = vector.broadcast %mul3A_6 : vector<1x512x1xi32> to vector<4x512x128xi32>
    %add3A_29 = vector.broadcast %add3A_27 : vector<4x1x128xi32> to vector<4x512x128xi32>
    %add3A_30 = arith.addi %add3A_28, %add3A_29 : vector<4x512x128xi32>
    %shift_left3A = arith.constant 13 : i32
    %shift_left3A_31 = vector.broadcast %shift_left3A : i32 to vector<4x512x128xi32>
    %shift_left3A_32 = arith.shli %add3A_30, %shift_left3A_31 : vector<4x512x128xi32>
    %shift_right_logical3A = arith.constant 19 : i32
    %shift_right_logical3A_33 = vector.broadcast %shift_right_logical3A : i32 to vector<4x512x128xi32>
    %shift_right_logical3A_34 = arith.shrui %add3A_30, %shift_right_logical3A_33 : vector<4x512x128xi32>
    %or3A = arith.ori %shift_left3A_32, %shift_right_logical3A_34 : vector<4x512x128xi32>
    %xor3A = arith.xori %add3A_30, %or3A : vector<4x512x128xi32>
    %add3A_35 = arith.addi %add3A_30, %xor3A : vector<4x512x128xi32>
    %shift_left3A_36 = arith.constant 15 : i32
    %shift_left3A_37 = vector.broadcast %shift_left3A_36 : i32 to vector<4x512x128xi32>
    %shift_left3A_38 = arith.shli %xor3A, %shift_left3A_37 : vector<4x512x128xi32>
    %shift_right_logical3A_39 = arith.constant 17 : i32
    %shift_right_logical3A_40 = vector.broadcast %shift_right_logical3A_39 : i32 to vector<4x512x128xi32>
    %shift_right_logical3A_41 = arith.shrui %xor3A, %shift_right_logical3A_40 : vector<4x512x128xi32>
    %or3A_42 = arith.ori %shift_left3A_38, %shift_right_logical3A_41 : vector<4x512x128xi32>
    %xor3A_43 = arith.xori %add3A_35, %or3A_42 : vector<4x512x128xi32>
    %add3A_44 = arith.addi %add3A_35, %xor3A_43 : vector<4x512x128xi32>
    %shift_left3A_45 = arith.constant 26 : i32
    %shift_left3A_46 = vector.broadcast %shift_left3A_45 : i32 to vector<4x512x128xi32>
    %shift_left3A_47 = arith.shli %xor3A_43, %shift_left3A_46 : vector<4x512x128xi32>
    %shift_right_logical3A_48 = arith.constant 6 : i32
    %shift_right_logical3A_49 = vector.broadcast %shift_right_logical3A_48 : i32 to vector<4x512x128xi32>
    %shift_right_logical3A_50 = arith.shrui %xor3A_43, %shift_right_logical3A_49 : vector<4x512x128xi32>
    %or3A_51 = arith.ori %shift_left3A_47, %shift_right_logical3A_50 : vector<4x512x128xi32>
    %xor3A_52 = arith.xori %add3A_44, %or3A_51 : vector<4x512x128xi32>
    %add3A_53 = arith.addi %add3A_44, %xor3A_52 : vector<4x512x128xi32>
    %shift_left3A_54 = arith.constant 6 : i32
    %shift_left3A_55 = vector.broadcast %shift_left3A_54 : i32 to vector<4x512x128xi32>
    %shift_left3A_56 = arith.shli %xor3A_52, %shift_left3A_55 : vector<4x512x128xi32>
    %shift_right_logical3A_57 = arith.constant 26 : i32
    %shift_right_logical3A_58 = vector.broadcast %shift_right_logical3A_57 : i32 to vector<4x512x128xi32>
    %shift_right_logical3A_59 = arith.shrui %xor3A_52, %shift_right_logical3A_58 : vector<4x512x128xi32>
    %or3A_60 = arith.ori %shift_left3A_56, %shift_right_logical3A_59 : vector<4x512x128xi32>
    %xor3A_61 = arith.xori %add3A_53, %or3A_60 : vector<4x512x128xi32>
    %add3A_62 = arith.constant 42 : i32
    %add3A_63 = vector.broadcast %add3A_62 : i32 to vector<4x512x128xi32>
    %add3A_64 = arith.addi %add3A_53, %add3A_63 : vector<4x512x128xi32>
    %add3A_65 = arith.constant 466689009 : i32
    %add3A_66 = vector.broadcast %add3A_65 : i32 to vector<4x512x128xi32>
    %add3A_67 = arith.addi %xor3A_61, %add3A_66 : vector<4x512x128xi32>
    %add3A_68 = arith.addi %add3A_64, %add3A_67 : vector<4x512x128xi32>
    %shift_left3A_69 = arith.constant 17 : i32
    %shift_left3A_70 = vector.broadcast %shift_left3A_69 : i32 to vector<4x512x128xi32>
    %shift_left3A_71 = arith.shli %add3A_67, %shift_left3A_70 : vector<4x512x128xi32>
    %shift_right_logical3A_72 = arith.constant 15 : i32
    %shift_right_logical3A_73 = vector.broadcast %shift_right_logical3A_72 : i32 to vector<4x512x128xi32>
    %shift_right_logical3A_74 = arith.shrui %add3A_67, %shift_right_logical3A_73 : vector<4x512x128xi32>
    %or3A_75 = arith.ori %shift_left3A_71, %shift_right_logical3A_74 : vector<4x512x128xi32>
    %xor3A_76 = arith.xori %add3A_68, %or3A_75 : vector<4x512x128xi32>
    %add3A_77 = arith.addi %add3A_68, %xor3A_76 : vector<4x512x128xi32>
    %shift_left3A_78 = arith.constant 29 : i32
    %shift_left3A_79 = vector.broadcast %shift_left3A_78 : i32 to vector<4x512x128xi32>
    %shift_left3A_80 = arith.shli %xor3A_76, %shift_left3A_79 : vector<4x512x128xi32>
    %shift_right_logical3A_81 = arith.constant 3 : i32
    %shift_right_logical3A_82 = vector.broadcast %shift_right_logical3A_81 : i32 to vector<4x512x128xi32>
    %shift_right_logical3A_83 = arith.shrui %xor3A_76, %shift_right_logical3A_82 : vector<4x512x128xi32>
    %or3A_84 = arith.ori %shift_left3A_80, %shift_right_logical3A_83 : vector<4x512x128xi32>
    %xor3A_85 = arith.xori %add3A_77, %or3A_84 : vector<4x512x128xi32>
    %add3A_86 = arith.addi %add3A_77, %xor3A_85 : vector<4x512x128xi32>
    %shift_left3A_87 = arith.constant 16 : i32
    %shift_left3A_88 = vector.broadcast %shift_left3A_87 : i32 to vector<4x512x128xi32>
    %shift_left3A_89 = arith.shli %xor3A_85, %shift_left3A_88 : vector<4x512x128xi32>
    %shift_right_logical3A_90 = arith.constant 16 : i32
    %shift_right_logical3A_91 = vector.broadcast %shift_right_logical3A_90 : i32 to vector<4x512x128xi32>
    %shift_right_logical3A_92 = arith.shrui %xor3A_85, %shift_right_logical3A_91 : vector<4x512x128xi32>
    %or3A_93 = arith.ori %shift_left3A_89, %shift_right_logical3A_92 : vector<4x512x128xi32>
    %xor3A_94 = arith.xori %add3A_86, %or3A_93 : vector<4x512x128xi32>
    %add3A_95 = arith.addi %add3A_86, %xor3A_94 : vector<4x512x128xi32>
    %shift_left3A_96 = arith.constant 24 : i32
    %shift_left3A_97 = vector.broadcast %shift_left3A_96 : i32 to vector<4x512x128xi32>
    %shift_left3A_98 = arith.shli %xor3A_94, %shift_left3A_97 : vector<4x512x128xi32>
    %shift_right_logical3A_99 = arith.constant 8 : i32
    %shift_right_logical3A_100 = vector.broadcast %shift_right_logical3A_99 : i32 to vector<4x512x128xi32>
    %shift_right_logical3A_101 = arith.shrui %xor3A_94, %shift_right_logical3A_100 : vector<4x512x128xi32>
    %or3A_102 = arith.ori %shift_left3A_98, %shift_right_logical3A_101 : vector<4x512x128xi32>
    %xor3A_103 = arith.xori %add3A_95, %or3A_102 : vector<4x512x128xi32>
    %add3A_104 = arith.constant 466689008 : i32
    %add3A_105 = vector.broadcast %add3A_104 : i32 to vector<4x512x128xi32>
    %add3A_106 = arith.addi %add3A_95, %add3A_105 : vector<4x512x128xi32>
    %add3A_107 = arith.constant 2 : i32
    %add3A_108 = vector.broadcast %add3A_107 : i32 to vector<4x512x128xi32>
    %add3A_109 = arith.addi %xor3A_103, %add3A_108 : vector<4x512x128xi32>
    %add3A_110 = arith.addi %add3A_106, %add3A_109 : vector<4x512x128xi32>
    %shift_left3A_111 = arith.constant 13 : i32
    %shift_left3A_112 = vector.broadcast %shift_left3A_111 : i32 to vector<4x512x128xi32>
    %shift_left3A_113 = arith.shli %add3A_109, %shift_left3A_112 : vector<4x512x128xi32>
    %shift_right_logical3A_114 = arith.constant 19 : i32
    %shift_right_logical3A_115 = vector.broadcast %shift_right_logical3A_114 : i32 to vector<4x512x128xi32>
    %shift_right_logical3A_116 = arith.shrui %add3A_109, %shift_right_logical3A_115 : vector<4x512x128xi32>
    %or3A_117 = arith.ori %shift_left3A_113, %shift_right_logical3A_116 : vector<4x512x128xi32>
    %xor3A_118 = arith.xori %add3A_110, %or3A_117 : vector<4x512x128xi32>
    %add3A_119 = arith.addi %add3A_110, %xor3A_118 : vector<4x512x128xi32>
    %shift_left3A_120 = arith.constant 15 : i32
    %shift_left3A_121 = vector.broadcast %shift_left3A_120 : i32 to vector<4x512x128xi32>
    %shift_left3A_122 = arith.shli %xor3A_118, %shift_left3A_121 : vector<4x512x128xi32>
    %shift_right_logical3A_123 = arith.constant 17 : i32
    %shift_right_logical3A_124 = vector.broadcast %shift_right_logical3A_123 : i32 to vector<4x512x128xi32>
    %shift_right_logical3A_125 = arith.shrui %xor3A_118, %shift_right_logical3A_124 : vector<4x512x128xi32>
    %or3A_126 = arith.ori %shift_left3A_122, %shift_right_logical3A_125 : vector<4x512x128xi32>
    %xor3A_127 = arith.xori %add3A_119, %or3A_126 : vector<4x512x128xi32>
    %add3A_128 = arith.addi %add3A_119, %xor3A_127 : vector<4x512x128xi32>
    %shift_left3A_129 = arith.constant 26 : i32
    %shift_left3A_130 = vector.broadcast %shift_left3A_129 : i32 to vector<4x512x128xi32>
    %shift_left3A_131 = arith.shli %xor3A_127, %shift_left3A_130 : vector<4x512x128xi32>
    %shift_right_logical3A_132 = arith.constant 6 : i32
    %shift_right_logical3A_133 = vector.broadcast %shift_right_logical3A_132 : i32 to vector<4x512x128xi32>
    %shift_right_logical3A_134 = arith.shrui %xor3A_127, %shift_right_logical3A_133 : vector<4x512x128xi32>
    %or3A_135 = arith.ori %shift_left3A_131, %shift_right_logical3A_134 : vector<4x512x128xi32>
    %xor3A_136 = arith.xori %add3A_128, %or3A_135 : vector<4x512x128xi32>
    %add3A_137 = arith.addi %add3A_128, %xor3A_136 : vector<4x512x128xi32>
    %shift_left3A_138 = arith.constant 6 : i32
    %shift_left3A_139 = vector.broadcast %shift_left3A_138 : i32 to vector<4x512x128xi32>
    %shift_left3A_140 = arith.shli %xor3A_136, %shift_left3A_139 : vector<4x512x128xi32>
    %shift_right_logical3A_141 = arith.constant 26 : i32
    %shift_right_logical3A_142 = vector.broadcast %shift_right_logical3A_141 : i32 to vector<4x512x128xi32>
    %shift_right_logical3A_143 = arith.shrui %xor3A_136, %shift_right_logical3A_142 : vector<4x512x128xi32>
    %or3A_144 = arith.ori %shift_left3A_140, %shift_right_logical3A_143 : vector<4x512x128xi32>
    %xor3A_145 = arith.xori %add3A_137, %or3A_144 : vector<4x512x128xi32>
    %add3A_146 = arith.constant 0 : i32
    %add3A_147 = vector.broadcast %add3A_146 : i32 to vector<4x512x128xi32>
    %add3A_148 = arith.addi %add3A_137, %add3A_147 : vector<4x512x128xi32>
    %add3A_149 = arith.constant 45 : i32
    %add3A_150 = vector.broadcast %add3A_149 : i32 to vector<4x512x128xi32>
    %add3A_151 = arith.addi %xor3A_145, %add3A_150 : vector<4x512x128xi32>
    %add3A_152 = arith.addi %add3A_148, %add3A_151 : vector<4x512x128xi32>
    %shift_left3A_153 = arith.constant 17 : i32
    %shift_left3A_154 = vector.broadcast %shift_left3A_153 : i32 to vector<4x512x128xi32>
    %shift_left3A_155 = arith.shli %add3A_151, %shift_left3A_154 : vector<4x512x128xi32>
    %shift_right_logical3A_156 = arith.constant 15 : i32
    %shift_right_logical3A_157 = vector.broadcast %shift_right_logical3A_156 : i32 to vector<4x512x128xi32>
    %shift_right_logical3A_158 = arith.shrui %add3A_151, %shift_right_logical3A_157 : vector<4x512x128xi32>
    %or3A_159 = arith.ori %shift_left3A_155, %shift_right_logical3A_158 : vector<4x512x128xi32>
    %xor3A_160 = arith.xori %add3A_152, %or3A_159 : vector<4x512x128xi32>
    %add3A_161 = arith.addi %add3A_152, %xor3A_160 : vector<4x512x128xi32>
    %shift_left3A_162 = arith.constant 29 : i32
    %shift_left3A_163 = vector.broadcast %shift_left3A_162 : i32 to vector<4x512x128xi32>
    %shift_left3A_164 = arith.shli %xor3A_160, %shift_left3A_163 : vector<4x512x128xi32>
    %shift_right_logical3A_165 = arith.constant 3 : i32
    %shift_right_logical3A_166 = vector.broadcast %shift_right_logical3A_165 : i32 to vector<4x512x128xi32>
    %shift_right_logical3A_167 = arith.shrui %xor3A_160, %shift_right_logical3A_166 : vector<4x512x128xi32>
    %or3A_168 = arith.ori %shift_left3A_164, %shift_right_logical3A_167 : vector<4x512x128xi32>
    %xor3A_169 = arith.xori %add3A_161, %or3A_168 : vector<4x512x128xi32>
    %add3A_170 = arith.addi %add3A_161, %xor3A_169 : vector<4x512x128xi32>
    %shift_left3A_171 = arith.constant 16 : i32
    %shift_left3A_172 = vector.broadcast %shift_left3A_171 : i32 to vector<4x512x128xi32>
    %shift_left3A_173 = arith.shli %xor3A_169, %shift_left3A_172 : vector<4x512x128xi32>
    %shift_right_logical3A_174 = arith.constant 16 : i32
    %shift_right_logical3A_175 = vector.broadcast %shift_right_logical3A_174 : i32 to vector<4x512x128xi32>
    %shift_right_logical3A_176 = arith.shrui %xor3A_169, %shift_right_logical3A_175 : vector<4x512x128xi32>
    %or3A_177 = arith.ori %shift_left3A_173, %shift_right_logical3A_176 : vector<4x512x128xi32>
    %xor3A_178 = arith.xori %add3A_170, %or3A_177 : vector<4x512x128xi32>
    %add3A_179 = arith.addi %add3A_170, %xor3A_178 : vector<4x512x128xi32>
    %shift_left3A_180 = arith.constant 24 : i32
    %shift_left3A_181 = vector.broadcast %shift_left3A_180 : i32 to vector<4x512x128xi32>
    %shift_left3A_182 = arith.shli %xor3A_178, %shift_left3A_181 : vector<4x512x128xi32>
    %shift_right_logical3A_183 = arith.constant 8 : i32
    %shift_right_logical3A_184 = vector.broadcast %shift_right_logical3A_183 : i32 to vector<4x512x128xi32>
    %shift_right_logical3A_185 = arith.shrui %xor3A_178, %shift_right_logical3A_184 : vector<4x512x128xi32>
    %or3A_186 = arith.ori %shift_left3A_182, %shift_right_logical3A_185 : vector<4x512x128xi32>
    %xor3A_187 = arith.xori %add3A_179, %or3A_186 : vector<4x512x128xi32>
    %add3A_188 = arith.constant 42 : i32
    %add3A_189 = vector.broadcast %add3A_188 : i32 to vector<4x512x128xi32>
    %add3A_190 = arith.addi %add3A_179, %add3A_189 : vector<4x512x128xi32>
    %add3A_191 = arith.constant 466689012 : i32
    %add3A_192 = vector.broadcast %add3A_191 : i32 to vector<4x512x128xi32>
    %add3A_193 = arith.addi %xor3A_187, %add3A_192 : vector<4x512x128xi32>
    %add3A_194 = arith.addi %add3A_190, %add3A_193 : vector<4x512x128xi32>
    %shift_left3A_195 = arith.constant 13 : i32
    %shift_left3A_196 = vector.broadcast %shift_left3A_195 : i32 to vector<4x512x128xi32>
    %shift_left3A_197 = arith.shli %add3A_193, %shift_left3A_196 : vector<4x512x128xi32>
    %shift_right_logical3A_198 = arith.constant 19 : i32
    %shift_right_logical3A_199 = vector.broadcast %shift_right_logical3A_198 : i32 to vector<4x512x128xi32>
    %shift_right_logical3A_200 = arith.shrui %add3A_193, %shift_right_logical3A_199 : vector<4x512x128xi32>
    %or3A_201 = arith.ori %shift_left3A_197, %shift_right_logical3A_200 : vector<4x512x128xi32>
    %xor3A_202 = arith.xori %add3A_194, %or3A_201 : vector<4x512x128xi32>
    %add3A_203 = arith.addi %add3A_194, %xor3A_202 : vector<4x512x128xi32>
    %shift_left3A_204 = arith.constant 15 : i32
    %shift_left3A_205 = vector.broadcast %shift_left3A_204 : i32 to vector<4x512x128xi32>
    %shift_left3A_206 = arith.shli %xor3A_202, %shift_left3A_205 : vector<4x512x128xi32>
    %shift_right_logical3A_207 = arith.constant 17 : i32
    %shift_right_logical3A_208 = vector.broadcast %shift_right_logical3A_207 : i32 to vector<4x512x128xi32>
    %shift_right_logical3A_209 = arith.shrui %xor3A_202, %shift_right_logical3A_208 : vector<4x512x128xi32>
    %or3A_210 = arith.ori %shift_left3A_206, %shift_right_logical3A_209 : vector<4x512x128xi32>
    %xor3A_211 = arith.xori %add3A_203, %or3A_210 : vector<4x512x128xi32>
    %add3A_212 = arith.addi %add3A_203, %xor3A_211 : vector<4x512x128xi32>
    %shift_left3A_213 = arith.constant 26 : i32
    %shift_left3A_214 = vector.broadcast %shift_left3A_213 : i32 to vector<4x512x128xi32>
    %shift_left3A_215 = arith.shli %xor3A_211, %shift_left3A_214 : vector<4x512x128xi32>
    %shift_right_logical3A_216 = arith.constant 6 : i32
    %shift_right_logical3A_217 = vector.broadcast %shift_right_logical3A_216 : i32 to vector<4x512x128xi32>
    %shift_right_logical3A_218 = arith.shrui %xor3A_211, %shift_right_logical3A_217 : vector<4x512x128xi32>
    %or3A_219 = arith.ori %shift_left3A_215, %shift_right_logical3A_218 : vector<4x512x128xi32>
    %xor3A_220 = arith.xori %add3A_212, %or3A_219 : vector<4x512x128xi32>
    %add3A_221 = arith.addi %add3A_212, %xor3A_220 : vector<4x512x128xi32>
    %shift_left3A_222 = arith.constant 6 : i32
    %shift_left3A_223 = vector.broadcast %shift_left3A_222 : i32 to vector<4x512x128xi32>
    %shift_left3A_224 = arith.shli %xor3A_220, %shift_left3A_223 : vector<4x512x128xi32>
    %shift_right_logical3A_225 = arith.constant 26 : i32
    %shift_right_logical3A_226 = vector.broadcast %shift_right_logical3A_225 : i32 to vector<4x512x128xi32>
    %shift_right_logical3A_227 = arith.shrui %xor3A_220, %shift_right_logical3A_226 : vector<4x512x128xi32>
    %or3A_228 = arith.ori %shift_left3A_224, %shift_right_logical3A_227 : vector<4x512x128xi32>
    %xor3A_229 = arith.xori %add3A_221, %or3A_228 : vector<4x512x128xi32>
    %add3A_230 = arith.constant 466689008 : i32
    %add3A_231 = vector.broadcast %add3A_230 : i32 to vector<4x512x128xi32>
    %add3A_232 = arith.addi %add3A_221, %add3A_231 : vector<4x512x128xi32>
    %add3A_233 = arith.constant 5 : i32
    %add3A_234 = vector.broadcast %add3A_233 : i32 to vector<4x512x128xi32>
    %add3A_235 = arith.addi %xor3A_229, %add3A_234 : vector<4x512x128xi32>
    %xor3A_236 = arith.xori %add3A_232, %add3A_235 : vector<4x512x128xi32>
    %shift_right_logical3A_237 = arith.constant 9 : i32
    %shift_right_logical3A_238 = vector.broadcast %shift_right_logical3A_237 : i32 to vector<4x512x128xi32>
    %shift_right_logical3A_239 = arith.shrui %xor3A_236, %shift_right_logical3A_238 : vector<4x512x128xi32>
    %convert_element_type3A_240 = arith.sitofp %shift_right_logical3A_239 : vector<4x512x128xi32> to vector<4x512x128xf32>
    %mul3A_241 = arith.constant 1.1920929E-7 : f32
    %mul3A_242 = vector.broadcast %mul3A_241 : f32 to vector<4x512x128xf32>
    %mul3A_243 = arith.mulf %convert_element_type3A_240, %mul3A_242 : vector<4x512x128xf32>
    %add3A_244 = arith.constant 1.17549435E-38 : f32
    %add3A_245 = vector.broadcast %add3A_244 : f32 to vector<4x512x128xf32>
    %add3A_246 = arith.addf %mul3A_243, %add3A_245 : vector<4x512x128xf32>
    %log3A = math.log %add3A_246 : vector<4x512x128xf32>
    %neg3A = arith.constant 0.000000e+00 : f32
    %neg3A_247 = vector.broadcast %neg3A : f32 to vector<4x512x128xf32>
    %neg3A_248 = arith.subf %neg3A_247, %log3A : vector<4x512x128xf32>
    %log3A_249 = math.log %neg3A_248 : vector<4x512x128xf32>
    %neg3A_250 = arith.constant 0.000000e+00 : f32
    %neg3A_251 = vector.broadcast %neg3A_250 : f32 to vector<4x512x128xf32>
    %neg3A_252 = arith.subf %neg3A_251, %log3A_249 : vector<4x512x128xf32>
    %get3A_253 = arith.constant 0 : index
    %get3A_254 = arith.constant 0 : index
    %get3A_255 = vector.load %arg2[%get3A_253, %get3A_254] : memref<16x128xf32, #tpu.memory_space<vmem>>, vector<4x128xf32>
    %broadcast_in_dim3A = vector.shape_cast %get3A_255 : vector<4x128xf32> to vector<4x1x128xf32>
    %add3A_256 = vector.broadcast %broadcast_in_dim3A : vector<4x1x128xf32> to vector<4x512x128xf32>
    %add3A_257 = arith.addf %neg3A_252, %add3A_256 : vector<4x512x128xf32>
    %slice3A = vector.extract_strided_slice %add3A_257 {offsets = [0, 0, 0], sizes = [1, 512, 128], strides = [1, 1, 1]} : vector<4x512x128xf32> to vector<1x512x128xf32>
    %squeeze3A = vector.shape_cast %slice3A : vector<1x512x128xf32> to vector<512x128xf32>
    %gt3A = arith.cmpf ogt, %squeeze3A, %get3A_8 : vector<512x128xf32>
    %select_n3A = arith.select %gt3A, %squeeze3A, %get3A_8 : vector<512x128xi1>, vector<512x128xf32>
    %add3A_258 = arith.constant 0 : i32
    %add3A_259 = arith.addi %mul3A_13, %add3A_258 : i32
    %add3A_260 = arith.constant 0 : i32
    %add3A_261 = arith.addi %add3A_259, %add3A_260 : i32
    %broadcast_in_dim3A_262 = vector.broadcast %add3A_261 : i32 to vector<512x128xi32>
    %select_n3A_263 = arith.select %gt3A, %broadcast_in_dim3A_262, %get3A_11 : vector<512x128xi1>, vector<512x128xi32>
    %slice3A_264 = vector.extract_strided_slice %add3A_257 {offsets = [1, 0, 0], sizes = [1, 512, 128], strides = [1, 1, 1]} : vector<4x512x128xf32> to vector<1x512x128xf32>
    %squeeze3A_265 = vector.shape_cast %slice3A_264 : vector<1x512x128xf32> to vector<512x128xf32>
    %gt3A_266 = arith.cmpf ogt, %squeeze3A_265, %select_n3A : vector<512x128xf32>
    %select_n3A_267 = arith.select %gt3A_266, %squeeze3A_265, %select_n3A : vector<512x128xi1>, vector<512x128xf32>
    %add3A_268 = arith.constant 0 : i32
    %add3A_269 = arith.addi %mul3A_13, %add3A_268 : i32
    %add3A_270 = arith.constant 1 : i32
    %add3A_271 = arith.addi %add3A_269, %add3A_270 : i32
    %broadcast_in_dim3A_272 = vector.broadcast %add3A_271 : i32 to vector<512x128xi32>
    %select_n3A_273 = arith.select %gt3A_266, %broadcast_in_dim3A_272, %select_n3A_263 : vector<512x128xi1>, vector<512x128xi32>
    %slice3A_274 = vector.extract_strided_slice %add3A_257 {offsets = [2, 0, 0], sizes = [1, 512, 128], strides = [1, 1, 1]} : vector<4x512x128xf32> to vector<1x512x128xf32>
    %squeeze3A_275 = vector.shape_cast %slice3A_274 : vector<1x512x128xf32> to vector<512x128xf32>
    %gt3A_276 = arith.cmpf ogt, %squeeze3A_275, %select_n3A_267 : vector<512x128xf32>
    %select_n3A_277 = arith.select %gt3A_276, %squeeze3A_275, %select_n3A_267 : vector<512x128xi1>, vector<512x128xf32>
    %add3A_278 = arith.constant 0 : i32
    %add3A_279 = arith.addi %mul3A_13, %add3A_278 : i32
    %add3A_280 = arith.constant 2 : i32
    %add3A_281 = arith.addi %add3A_279, %add3A_280 : i32
    %broadcast_in_dim3A_282 = vector.broadcast %add3A_281 : i32 to vector<512x128xi32>
    %select_n3A_283 = arith.select %gt3A_276, %broadcast_in_dim3A_282, %select_n3A_273 : vector<512x128xi1>, vector<512x128xi32>
    %slice3A_284 = vector.extract_strided_slice %add3A_257 {offsets = [3, 0, 0], sizes = [1, 512, 128], strides = [1, 1, 1]} : vector<4x512x128xf32> to vector<1x512x128xf32>
    %squeeze3A_285 = vector.shape_cast %slice3A_284 : vector<1x512x128xf32> to vector<512x128xf32>
    %gt3A_286 = arith.cmpf ogt, %squeeze3A_285, %select_n3A_277 : vector<512x128xf32>
    %select_n3A_287 = arith.select %gt3A_286, %squeeze3A_285, %select_n3A_277 : vector<512x128xi1>, vector<512x128xf32>
    %add3A_288 = arith.constant 0 : i32
    %add3A_289 = arith.addi %mul3A_13, %add3A_288 : i32
    %add3A_290 = arith.constant 3 : i32
    %add3A_291 = arith.addi %add3A_289, %add3A_290 : i32
    %broadcast_in_dim3A_292 = vector.broadcast %add3A_291 : i32 to vector<512x128xi32>
    %select_n3A_293 = arith.select %gt3A_286, %broadcast_in_dim3A_292, %select_n3A_283 : vector<512x128xi1>, vector<512x128xi32>
    %iota3A_294 = tpu.iota {dimensions = array<i32: 0>} : vector<4x1x128xi32>
    %mul3A_295 = arith.constant 128 : i32
    %mul3A_296 = vector.broadcast %mul3A_295 : i32 to vector<4x1x128xi32>
    %mul3A_297 = arith.muli %iota3A_294, %mul3A_296 : vector<4x1x128xi32>
    %iota3A_298 = tpu.iota {dimensions = array<i32: 2>} : vector<4x1x128xi32>
    %add3A_299 = arith.addi %mul3A_297, %iota3A_298 : vector<4x1x128xi32>
    %mul3A_300 = arith.constant 2048 : i32
    %mul3A_301 = arith.muli %arg1, %mul3A_300 : i32
    %add3A_302 = arith.constant 512 : i32
    %add3A_303 = arith.addi %mul3A_301, %add3A_302 : i32
    %add3A_304 = arith.constant 42 : i32
    %add3A_305 = arith.addi %add3A_303, %add3A_304 : i32
    %add3A_306 = vector.broadcast %add3A_305 : i32 to vector<4x1x128xi32>
    %add3A_307 = arith.addi %add3A_299, %add3A_306 : vector<4x1x128xi32>
    %add3A_308 = vector.broadcast %mul3A_6 : vector<1x512x1xi32> to vector<4x512x128xi32>
    %add3A_309 = vector.broadcast %add3A_307 : vector<4x1x128xi32> to vector<4x512x128xi32>
    %add3A_310 = arith.addi %add3A_308, %add3A_309 : vector<4x512x128xi32>
    %shift_left3A_311 = arith.constant 13 : i32
    %shift_left3A_312 = vector.broadcast %shift_left3A_311 : i32 to vector<4x512x128xi32>
    %shift_left3A_313 = arith.shli %add3A_310, %shift_left3A_312 : vector<4x512x128xi32>
    %shift_right_logical3A_314 = arith.constant 19 : i32
    %shift_right_logical3A_315 = vector.broadcast %shift_right_logical3A_314 : i32 to vector<4x512x128xi32>
    %shift_right_logical3A_316 = arith.shrui %add3A_310, %shift_right_logical3A_315 : vector<4x512x128xi32>
    %or3A_317 = arith.ori %shift_left3A_313, %shift_right_logical3A_316 : vector<4x512x128xi32>
    %xor3A_318 = arith.xori %add3A_310, %or3A_317 : vector<4x512x128xi32>
    %add3A_319 = arith.addi %add3A_310, %xor3A_318 : vector<4x512x128xi32>
    %shift_left3A_320 = arith.constant 15 : i32
    %shift_left3A_321 = vector.broadcast %shift_left3A_320 : i32 to vector<4x512x128xi32>
    %shift_left3A_322 = arith.shli %xor3A_318, %shift_left3A_321 : vector<4x512x128xi32>
    %shift_right_logical3A_323 = arith.constant 17 : i32
    %shift_right_logical3A_324 = vector.broadcast %shift_right_logical3A_323 : i32 to vector<4x512x128xi32>
    %shift_right_logical3A_325 = arith.shrui %xor3A_318, %shift_right_logical3A_324 : vector<4x512x128xi32>
    %or3A_326 = arith.ori %shift_left3A_322, %shift_right_logical3A_325 : vector<4x512x128xi32>
    %xor3A_327 = arith.xori %add3A_319, %or3A_326 : vector<4x512x128xi32>
    %add3A_328 = arith.addi %add3A_319, %xor3A_327 : vector<4x512x128xi32>
    %shift_left3A_329 = arith.constant 26 : i32
    %shift_left3A_330 = vector.broadcast %shift_left3A_329 : i32 to vector<4x512x128xi32>
    %shift_left3A_331 = arith.shli %xor3A_327, %shift_left3A_330 : vector<4x512x128xi32>
    %shift_right_logical3A_332 = arith.constant 6 : i32
    %shift_right_logical3A_333 = vector.broadcast %shift_right_logical3A_332 : i32 to vector<4x512x128xi32>
    %shift_right_logical3A_334 = arith.shrui %xor3A_327, %shift_right_logical3A_333 : vector<4x512x128xi32>
    %or3A_335 = arith.ori %shift_left3A_331, %shift_right_logical3A_334 : vector<4x512x128xi32>
    %xor3A_336 = arith.xori %add3A_328, %or3A_335 : vector<4x512x128xi32>
    %add3A_337 = arith.addi %add3A_328, %xor3A_336 : vector<4x512x128xi32>
    %shift_left3A_338 = arith.constant 6 : i32
    %shift_left3A_339 = vector.broadcast %shift_left3A_338 : i32 to vector<4x512x128xi32>
    %shift_left3A_340 = arith.shli %xor3A_336, %shift_left3A_339 : vector<4x512x128xi32>
    %shift_right_logical3A_341 = arith.constant 26 : i32
    %shift_right_logical3A_342 = vector.broadcast %shift_right_logical3A_341 : i32 to vector<4x512x128xi32>
    %shift_right_logical3A_343 = arith.shrui %xor3A_336, %shift_right_logical3A_342 : vector<4x512x128xi32>
    %or3A_344 = arith.ori %shift_left3A_340, %shift_right_logical3A_343 : vector<4x512x128xi32>
    %xor3A_345 = arith.xori %add3A_337, %or3A_344 : vector<4x512x128xi32>
    %add3A_346 = arith.constant 42 : i32
    %add3A_347 = vector.broadcast %add3A_346 : i32 to vector<4x512x128xi32>
    %add3A_348 = arith.addi %add3A_337, %add3A_347 : vector<4x512x128xi32>
    %add3A_349 = arith.constant 466689009 : i32
    %add3A_350 = vector.broadcast %add3A_349 : i32 to vector<4x512x128xi32>
    %add3A_351 = arith.addi %xor3A_345, %add3A_350 : vector<4x512x128xi32>
    %add3A_352 = arith.addi %add3A_348, %add3A_351 : vector<4x512x128xi32>
    %shift_left3A_353 = arith.constant 17 : i32
    %shift_left3A_354 = vector.broadcast %shift_left3A_353 : i32 to vector<4x512x128xi32>
    %shift_left3A_355 = arith.shli %add3A_351, %shift_left3A_354 : vector<4x512x128xi32>
    %shift_right_logical3A_356 = arith.constant 15 : i32
    %shift_right_logical3A_357 = vector.broadcast %shift_right_logical3A_356 : i32 to vector<4x512x128xi32>
    %shift_right_logical3A_358 = arith.shrui %add3A_351, %shift_right_logical3A_357 : vector<4x512x128xi32>
    %or3A_359 = arith.ori %shift_left3A_355, %shift_right_logical3A_358 : vector<4x512x128xi32>
    %xor3A_360 = arith.xori %add3A_352, %or3A_359 : vector<4x512x128xi32>
    %add3A_361 = arith.addi %add3A_352, %xor3A_360 : vector<4x512x128xi32>
    %shift_left3A_362 = arith.constant 29 : i32
    %shift_left3A_363 = vector.broadcast %shift_left3A_362 : i32 to vector<4x512x128xi32>
    %shift_left3A_364 = arith.shli %xor3A_360, %shift_left3A_363 : vector<4x512x128xi32>
    %shift_right_logical3A_365 = arith.constant 3 : i32
    %shift_right_logical3A_366 = vector.broadcast %shift_right_logical3A_365 : i32 to vector<4x512x128xi32>
    %shift_right_logical3A_367 = arith.shrui %xor3A_360, %shift_right_logical3A_366 : vector<4x512x128xi32>
    %or3A_368 = arith.ori %shift_left3A_364, %shift_right_logical3A_367 : vector<4x512x128xi32>
    %xor3A_369 = arith.xori %add3A_361, %or3A_368 : vector<4x512x128xi32>
    %add3A_370 = arith.addi %add3A_361, %xor3A_369 : vector<4x512x128xi32>
    %shift_left3A_371 = arith.constant 16 : i32
    %shift_left3A_372 = vector.broadcast %shift_left3A_371 : i32 to vector<4x512x128xi32>
    %shift_left3A_373 = arith.shli %xor3A_369, %shift_left3A_372 : vector<4x512x128xi32>
    %shift_right_logical3A_374 = arith.constant 16 : i32
    %shift_right_logical3A_375 = vector.broadcast %shift_right_logical3A_374 : i32 to vector<4x512x128xi32>
    %shift_right_logical3A_376 = arith.shrui %xor3A_369, %shift_right_logical3A_375 : vector<4x512x128xi32>
    %or3A_377 = arith.ori %shift_left3A_373, %shift_right_logical3A_376 : vector<4x512x128xi32>
    %xor3A_378 = arith.xori %add3A_370, %or3A_377 : vector<4x512x128xi32>
    %add3A_379 = arith.addi %add3A_370, %xor3A_378 : vector<4x512x128xi32>
    %shift_left3A_380 = arith.constant 24 : i32
    %shift_left3A_381 = vector.broadcast %shift_left3A_380 : i32 to vector<4x512x128xi32>
    %shift_left3A_382 = arith.shli %xor3A_378, %shift_left3A_381 : vector<4x512x128xi32>
    %shift_right_logical3A_383 = arith.constant 8 : i32
    %shift_right_logical3A_384 = vector.broadcast %shift_right_logical3A_383 : i32 to vector<4x512x128xi32>
    %shift_right_logical3A_385 = arith.shrui %xor3A_378, %shift_right_logical3A_384 : vector<4x512x128xi32>
    %or3A_386 = arith.ori %shift_left3A_382, %shift_right_logical3A_385 : vector<4x512x128xi32>
    %xor3A_387 = arith.xori %add3A_379, %or3A_386 : vector<4x512x128xi32>
    %add3A_388 = arith.constant 466689008 : i32
    %add3A_389 = vector.broadcast %add3A_388 : i32 to vector<4x512x128xi32>
    %add3A_390 = arith.addi %add3A_379, %add3A_389 : vector<4x512x128xi32>
    %add3A_391 = arith.constant 2 : i32
    %add3A_392 = vector.broadcast %add3A_391 : i32 to vector<4x512x128xi32>
    %add3A_393 = arith.addi %xor3A_387, %add3A_392 : vector<4x512x128xi32>
    %add3A_394 = arith.addi %add3A_390, %add3A_393 : vector<4x512x128xi32>
    %shift_left3A_395 = arith.constant 13 : i32
    %shift_left3A_396 = vector.broadcast %shift_left3A_395 : i32 to vector<4x512x128xi32>
    %shift_left3A_397 = arith.shli %add3A_393, %shift_left3A_396 : vector<4x512x128xi32>
    %shift_right_logical3A_398 = arith.constant 19 : i32
    %shift_right_logical3A_399 = vector.broadcast %shift_right_logical3A_398 : i32 to vector<4x512x128xi32>
    %shift_right_logical3A_400 = arith.shrui %add3A_393, %shift_right_logical3A_399 : vector<4x512x128xi32>
    %or3A_401 = arith.ori %shift_left3A_397, %shift_right_logical3A_400 : vector<4x512x128xi32>
    %xor3A_402 = arith.xori %add3A_394, %or3A_401 : vector<4x512x128xi32>
    %add3A_403 = arith.addi %add3A_394, %xor3A_402 : vector<4x512x128xi32>
    %shift_left3A_404 = arith.constant 15 : i32
    %shift_left3A_405 = vector.broadcast %shift_left3A_404 : i32 to vector<4x512x128xi32>
    %shift_left3A_406 = arith.shli %xor3A_402, %shift_left3A_405 : vector<4x512x128xi32>
    %shift_right_logical3A_407 = arith.constant 17 : i32
    %shift_right_logical3A_408 = vector.broadcast %shift_right_logical3A_407 : i32 to vector<4x512x128xi32>
    %shift_right_logical3A_409 = arith.shrui %xor3A_402, %shift_right_logical3A_408 : vector<4x512x128xi32>
    %or3A_410 = arith.ori %shift_left3A_406, %shift_right_logical3A_409 : vector<4x512x128xi32>
    %xor3A_411 = arith.xori %add3A_403, %or3A_410 : vector<4x512x128xi32>
    %add3A_412 = arith.addi %add3A_403, %xor3A_411 : vector<4x512x128xi32>
    %shift_left3A_413 = arith.constant 26 : i32
    %shift_left3A_414 = vector.broadcast %shift_left3A_413 : i32 to vector<4x512x128xi32>
    %shift_left3A_415 = arith.shli %xor3A_411, %shift_left3A_414 : vector<4x512x128xi32>
    %shift_right_logical3A_416 = arith.constant 6 : i32
    %shift_right_logical3A_417 = vector.broadcast %shift_right_logical3A_416 : i32 to vector<4x512x128xi32>
    %shift_right_logical3A_418 = arith.shrui %xor3A_411, %shift_right_logical3A_417 : vector<4x512x128xi32>
    %or3A_419 = arith.ori %shift_left3A_415, %shift_right_logical3A_418 : vector<4x512x128xi32>
    %xor3A_420 = arith.xori %add3A_412, %or3A_419 : vector<4x512x128xi32>
    %add3A_421 = arith.addi %add3A_412, %xor3A_420 : vector<4x512x128xi32>
    %shift_left3A_422 = arith.constant 6 : i32
    %shift_left3A_423 = vector.broadcast %shift_left3A_422 : i32 to vector<4x512x128xi32>
    %shift_left3A_424 = arith.shli %xor3A_420, %shift_left3A_423 : vector<4x512x128xi32>
    %shift_right_logical3A_425 = arith.constant 26 : i32
    %shift_right_logical3A_426 = vector.broadcast %shift_right_logical3A_425 : i32 to vector<4x512x128xi32>
    %shift_right_logical3A_427 = arith.shrui %xor3A_420, %shift_right_logical3A_426 : vector<4x512x128xi32>
    %or3A_428 = arith.ori %shift_left3A_424, %shift_right_logical3A_427 : vector<4x512x128xi32>
    %xor3A_429 = arith.xori %add3A_421, %or3A_428 : vector<4x512x128xi32>
    %add3A_430 = arith.constant 0 : i32
    %add3A_431 = vector.broadcast %add3A_430 : i32 to vector<4x512x128xi32>
    %add3A_432 = arith.addi %add3A_421, %add3A_431 : vector<4x512x128xi32>
    %add3A_433 = arith.constant 45 : i32
    %add3A_434 = vector.broadcast %add3A_433 : i32 to vector<4x512x128xi32>
    %add3A_435 = arith.addi %xor3A_429, %add3A_434 : vector<4x512x128xi32>
    %add3A_436 = arith.addi %add3A_432, %add3A_435 : vector<4x512x128xi32>
    %shift_left3A_437 = arith.constant 17 : i32
    %shift_left3A_438 = vector.broadcast %shift_left3A_437 : i32 to vector<4x512x128xi32>
    %shift_left3A_439 = arith.shli %add3A_435, %shift_left3A_438 : vector<4x512x128xi32>
    %shift_right_logical3A_440 = arith.constant 15 : i32
    %shift_right_logical3A_441 = vector.broadcast %shift_right_logical3A_440 : i32 to vector<4x512x128xi32>
    %shift_right_logical3A_442 = arith.shrui %add3A_435, %shift_right_logical3A_441 : vector<4x512x128xi32>
    %or3A_443 = arith.ori %shift_left3A_439, %shift_right_logical3A_442 : vector<4x512x128xi32>
    %xor3A_444 = arith.xori %add3A_436, %or3A_443 : vector<4x512x128xi32>
    %add3A_445 = arith.addi %add3A_436, %xor3A_444 : vector<4x512x128xi32>
    %shift_left3A_446 = arith.constant 29 : i32
    %shift_left3A_447 = vector.broadcast %shift_left3A_446 : i32 to vector<4x512x128xi32>
    %shift_left3A_448 = arith.shli %xor3A_444, %shift_left3A_447 : vector<4x512x128xi32>
    %shift_right_logical3A_449 = arith.constant 3 : i32
    %shift_right_logical3A_450 = vector.broadcast %shift_right_logical3A_449 : i32 to vector<4x512x128xi32>
    %shift_right_logical3A_451 = arith.shrui %xor3A_444, %shift_right_logical3A_450 : vector<4x512x128xi32>
    %or3A_452 = arith.ori %shift_left3A_448, %shift_right_logical3A_451 : vector<4x512x128xi32>
    %xor3A_453 = arith.xori %add3A_445, %or3A_452 : vector<4x512x128xi32>
    %add3A_454 = arith.addi %add3A_445, %xor3A_453 : vector<4x512x128xi32>
    %shift_left3A_455 = arith.constant 16 : i32
    %shift_left3A_456 = vector.broadcast %shift_left3A_455 : i32 to vector<4x512x128xi32>
    %shift_left3A_457 = arith.shli %xor3A_453, %shift_left3A_456 : vector<4x512x128xi32>
    %shift_right_logical3A_458 = arith.constant 16 : i32
    %shift_right_logical3A_459 = vector.broadcast %shift_right_logical3A_458 : i32 to vector<4x512x128xi32>
    %shift_right_logical3A_460 = arith.shrui %xor3A_453, %shift_right_logical3A_459 : vector<4x512x128xi32>
    %or3A_461 = arith.ori %shift_left3A_457, %shift_right_logical3A_460 : vector<4x512x128xi32>
    %xor3A_462 = arith.xori %add3A_454, %or3A_461 : vector<4x512x128xi32>
    %add3A_463 = arith.addi %add3A_454, %xor3A_462 : vector<4x512x128xi32>
    %shift_left3A_464 = arith.constant 24 : i32
    %shift_left3A_465 = vector.broadcast %shift_left3A_464 : i32 to vector<4x512x128xi32>
    %shift_left3A_466 = arith.shli %xor3A_462, %shift_left3A_465 : vector<4x512x128xi32>
    %shift_right_logical3A_467 = arith.constant 8 : i32
    %shift_right_logical3A_468 = vector.broadcast %shift_right_logical3A_467 : i32 to vector<4x512x128xi32>
    %shift_right_logical3A_469 = arith.shrui %xor3A_462, %shift_right_logical3A_468 : vector<4x512x128xi32>
    %or3A_470 = arith.ori %shift_left3A_466, %shift_right_logical3A_469 : vector<4x512x128xi32>
    %xor3A_471 = arith.xori %add3A_463, %or3A_470 : vector<4x512x128xi32>
    %add3A_472 = arith.constant 42 : i32
    %add3A_473 = vector.broadcast %add3A_472 : i32 to vector<4x512x128xi32>
    %add3A_474 = arith.addi %add3A_463, %add3A_473 : vector<4x512x128xi32>
    %add3A_475 = arith.constant 466689012 : i32
    %add3A_476 = vector.broadcast %add3A_475 : i32 to vector<4x512x128xi32>
    %add3A_477 = arith.addi %xor3A_471, %add3A_476 : vector<4x512x128xi32>
    %add3A_478 = arith.addi %add3A_474, %add3A_477 : vector<4x512x128xi32>
    %shift_left3A_479 = arith.constant 13 : i32
    %shift_left3A_480 = vector.broadcast %shift_left3A_479 : i32 to vector<4x512x128xi32>
    %shift_left3A_481 = arith.shli %add3A_477, %shift_left3A_480 : vector<4x512x128xi32>
    %shift_right_logical3A_482 = arith.constant 19 : i32
    %shift_right_logical3A_483 = vector.broadcast %shift_right_logical3A_482 : i32 to vector<4x512x128xi32>
    %shift_right_logical3A_484 = arith.shrui %add3A_477, %shift_right_logical3A_483 : vector<4x512x128xi32>
    %or3A_485 = arith.ori %shift_left3A_481, %shift_right_logical3A_484 : vector<4x512x128xi32>
    %xor3A_486 = arith.xori %add3A_478, %or3A_485 : vector<4x512x128xi32>
    %add3A_487 = arith.addi %add3A_478, %xor3A_486 : vector<4x512x128xi32>
    %shift_left3A_488 = arith.constant 15 : i32
    %shift_left3A_489 = vector.broadcast %shift_left3A_488 : i32 to vector<4x512x128xi32>
    %shift_left3A_490 = arith.shli %xor3A_486, %shift_left3A_489 : vector<4x512x128xi32>
    %shift_right_logical3A_491 = arith.constant 17 : i32
    %shift_right_logical3A_492 = vector.broadcast %shift_right_logical3A_491 : i32 to vector<4x512x128xi32>
    %shift_right_logical3A_493 = arith.shrui %xor3A_486, %shift_right_logical3A_492 : vector<4x512x128xi32>
    %or3A_494 = arith.ori %shift_left3A_490, %shift_right_logical3A_493 : vector<4x512x128xi32>
    %xor3A_495 = arith.xori %add3A_487, %or3A_494 : vector<4x512x128xi32>
    %add3A_496 = arith.addi %add3A_487, %xor3A_495 : vector<4x512x128xi32>
    %shift_left3A_497 = arith.constant 26 : i32
    %shift_left3A_498 = vector.broadcast %shift_left3A_497 : i32 to vector<4x512x128xi32>
    %shift_left3A_499 = arith.shli %xor3A_495, %shift_left3A_498 : vector<4x512x128xi32>
    %shift_right_logical3A_500 = arith.constant 6 : i32
    %shift_right_logical3A_501 = vector.broadcast %shift_right_logical3A_500 : i32 to vector<4x512x128xi32>
    %shift_right_logical3A_502 = arith.shrui %xor3A_495, %shift_right_logical3A_501 : vector<4x512x128xi32>
    %or3A_503 = arith.ori %shift_left3A_499, %shift_right_logical3A_502 : vector<4x512x128xi32>
    %xor3A_504 = arith.xori %add3A_496, %or3A_503 : vector<4x512x128xi32>
    %add3A_505 = arith.addi %add3A_496, %xor3A_504 : vector<4x512x128xi32>
    %shift_left3A_506 = arith.constant 6 : i32
    %shift_left3A_507 = vector.broadcast %shift_left3A_506 : i32 to vector<4x512x128xi32>
    %shift_left3A_508 = arith.shli %xor3A_504, %shift_left3A_507 : vector<4x512x128xi32>
    %shift_right_logical3A_509 = arith.constant 26 : i32
    %shift_right_logical3A_510 = vector.broadcast %shift_right_logical3A_509 : i32 to vector<4x512x128xi32>
    %shift_right_logical3A_511 = arith.shrui %xor3A_504, %shift_right_logical3A_510 : vector<4x512x128xi32>
    %or3A_512 = arith.ori %shift_left3A_508, %shift_right_logical3A_511 : vector<4x512x128xi32>
    %xor3A_513 = arith.xori %add3A_505, %or3A_512 : vector<4x512x128xi32>
    %add3A_514 = arith.constant 466689008 : i32
    %add3A_515 = vector.broadcast %add3A_514 : i32 to vector<4x512x128xi32>
    %add3A_516 = arith.addi %add3A_505, %add3A_515 : vector<4x512x128xi32>
    %add3A_517 = arith.constant 5 : i32
    %add3A_518 = vector.broadcast %add3A_517 : i32 to vector<4x512x128xi32>
    %add3A_519 = arith.addi %xor3A_513, %add3A_518 : vector<4x512x128xi32>
    %xor3A_520 = arith.xori %add3A_516, %add3A_519 : vector<4x512x128xi32>
    %shift_right_logical3A_521 = arith.constant 9 : i32
    %shift_right_logical3A_522 = vector.broadcast %shift_right_logical3A_521 : i32 to vector<4x512x128xi32>
    %shift_right_logical3A_523 = arith.shrui %xor3A_520, %shift_right_logical3A_522 : vector<4x512x128xi32>
    %convert_element_type3A_524 = arith.sitofp %shift_right_logical3A_523 : vector<4x512x128xi32> to vector<4x512x128xf32>
    %mul3A_525 = arith.constant 1.1920929E-7 : f32
    %mul3A_526 = vector.broadcast %mul3A_525 : f32 to vector<4x512x128xf32>
    %mul3A_527 = arith.mulf %convert_element_type3A_524, %mul3A_526 : vector<4x512x128xf32>
    %add3A_528 = arith.constant 1.17549435E-38 : f32
    %add3A_529 = vector.broadcast %add3A_528 : f32 to vector<4x512x128xf32>
    %add3A_530 = arith.addf %mul3A_527, %add3A_529 : vector<4x512x128xf32>
    %log3A_531 = math.log %add3A_530 : vector<4x512x128xf32>
    %neg3A_532 = arith.constant 0.000000e+00 : f32
    %neg3A_533 = vector.broadcast %neg3A_532 : f32 to vector<4x512x128xf32>
    %neg3A_534 = arith.subf %neg3A_533, %log3A_531 : vector<4x512x128xf32>
    %log3A_535 = math.log %neg3A_534 : vector<4x512x128xf32>
    %neg3A_536 = arith.constant 0.000000e+00 : f32
    %neg3A_537 = vector.broadcast %neg3A_536 : f32 to vector<4x512x128xf32>
    %neg3A_538 = arith.subf %neg3A_537, %log3A_535 : vector<4x512x128xf32>
    %get3A_539 = arith.constant 4 : index
    %get3A_540 = arith.constant 0 : index
    %get3A_541 = vector.load %arg2[%get3A_539, %get3A_540] : memref<16x128xf32, #tpu.memory_space<vmem>>, vector<4x128xf32>
    %broadcast_in_dim3A_542 = vector.shape_cast %get3A_541 : vector<4x128xf32> to vector<4x1x128xf32>
    %add3A_543 = vector.broadcast %broadcast_in_dim3A_542 : vector<4x1x128xf32> to vector<4x512x128xf32>
    %add3A_544 = arith.addf %neg3A_538, %add3A_543 : vector<4x512x128xf32>
    %slice3A_545 = vector.extract_strided_slice %add3A_544 {offsets = [0, 0, 0], sizes = [1, 512, 128], strides = [1, 1, 1]} : vector<4x512x128xf32> to vector<1x512x128xf32>
    %squeeze3A_546 = vector.shape_cast %slice3A_545 : vector<1x512x128xf32> to vector<512x128xf32>
    %gt3A_547 = arith.cmpf ogt, %squeeze3A_546, %select_n3A_287 : vector<512x128xf32>
    %select_n3A_548 = arith.select %gt3A_547, %squeeze3A_546, %select_n3A_287 : vector<512x128xi1>, vector<512x128xf32>
    %add3A_549 = arith.constant 4 : i32
    %add3A_550 = arith.addi %mul3A_13, %add3A_549 : i32
    %add3A_551 = arith.constant 0 : i32
    %add3A_552 = arith.addi %add3A_550, %add3A_551 : i32
    %broadcast_in_dim3A_553 = vector.broadcast %add3A_552 : i32 to vector<512x128xi32>
    %select_n3A_554 = arith.select %gt3A_547, %broadcast_in_dim3A_553, %select_n3A_293 : vector<512x128xi1>, vector<512x128xi32>
    %slice3A_555 = vector.extract_strided_slice %add3A_544 {offsets = [1, 0, 0], sizes = [1, 512, 128], strides = [1, 1, 1]} : vector<4x512x128xf32> to vector<1x512x128xf32>
    %squeeze3A_556 = vector.shape_cast %slice3A_555 : vector<1x512x128xf32> to vector<512x128xf32>
    %gt3A_557 = arith.cmpf ogt, %squeeze3A_556, %select_n3A_548 : vector<512x128xf32>
    %select_n3A_558 = arith.select %gt3A_557, %squeeze3A_556, %select_n3A_548 : vector<512x128xi1>, vector<512x128xf32>
    %add3A_559 = arith.constant 4 : i32
    %add3A_560 = arith.addi %mul3A_13, %add3A_559 : i32
    %add3A_561 = arith.constant 1 : i32
    %add3A_562 = arith.addi %add3A_560, %add3A_561 : i32
    %broadcast_in_dim3A_563 = vector.broadcast %add3A_562 : i32 to vector<512x128xi32>
    %select_n3A_564 = arith.select %gt3A_557, %broadcast_in_dim3A_563, %select_n3A_554 : vector<512x128xi1>, vector<512x128xi32>
    %slice3A_565 = vector.extract_strided_slice %add3A_544 {offsets = [2, 0, 0], sizes = [1, 512, 128], strides = [1, 1, 1]} : vector<4x512x128xf32> to vector<1x512x128xf32>
    %squeeze3A_566 = vector.shape_cast %slice3A_565 : vector<1x512x128xf32> to vector<512x128xf32>
    %gt3A_567 = arith.cmpf ogt, %squeeze3A_566, %select_n3A_558 : vector<512x128xf32>
    %select_n3A_568 = arith.select %gt3A_567, %squeeze3A_566, %select_n3A_558 : vector<512x128xi1>, vector<512x128xf32>
    %add3A_569 = arith.constant 4 : i32
    %add3A_570 = arith.addi %mul3A_13, %add3A_569 : i32
    %add3A_571 = arith.constant 2 : i32
    %add3A_572 = arith.addi %add3A_570, %add3A_571 : i32
    %broadcast_in_dim3A_573 = vector.broadcast %add3A_572 : i32 to vector<512x128xi32>
    %select_n3A_574 = arith.select %gt3A_567, %broadcast_in_dim3A_573, %select_n3A_564 : vector<512x128xi1>, vector<512x128xi32>
    %slice3A_575 = vector.extract_strided_slice %add3A_544 {offsets = [3, 0, 0], sizes = [1, 512, 128], strides = [1, 1, 1]} : vector<4x512x128xf32> to vector<1x512x128xf32>
    %squeeze3A_576 = vector.shape_cast %slice3A_575 : vector<1x512x128xf32> to vector<512x128xf32>
    %gt3A_577 = arith.cmpf ogt, %squeeze3A_576, %select_n3A_568 : vector<512x128xf32>
    %select_n3A_578 = arith.select %gt3A_577, %squeeze3A_576, %select_n3A_568 : vector<512x128xi1>, vector<512x128xf32>
    %add3A_579 = arith.constant 4 : i32
    %add3A_580 = arith.addi %mul3A_13, %add3A_579 : i32
    %add3A_581 = arith.constant 3 : i32
    %add3A_582 = arith.addi %add3A_580, %add3A_581 : i32
    %broadcast_in_dim3A_583 = vector.broadcast %add3A_582 : i32 to vector<512x128xi32>
    %select_n3A_584 = arith.select %gt3A_577, %broadcast_in_dim3A_583, %select_n3A_574 : vector<512x128xi1>, vector<512x128xi32>
    %iota3A_585 = tpu.iota {dimensions = array<i32: 0>} : vector<4x1x128xi32>
    %mul3A_586 = arith.constant 128 : i32
    %mul3A_587 = vector.broadcast %mul3A_586 : i32 to vector<4x1x128xi32>
    %mul3A_588 = arith.muli %iota3A_585, %mul3A_587 : vector<4x1x128xi32>
    %iota3A_589 = tpu.iota {dimensions = array<i32: 2>} : vector<4x1x128xi32>
    %add3A_590 = arith.addi %mul3A_588, %iota3A_589 : vector<4x1x128xi32>
    %mul3A_591 = arith.constant 2048 : i32
    %mul3A_592 = arith.muli %arg1, %mul3A_591 : i32
    %add3A_593 = arith.constant 1024 : i32
    %add3A_594 = arith.addi %mul3A_592, %add3A_593 : i32
    %add3A_595 = arith.constant 42 : i32
    %add3A_596 = arith.addi %add3A_594, %add3A_595 : i32
    %add3A_597 = vector.broadcast %add3A_596 : i32 to vector<4x1x128xi32>
    %add3A_598 = arith.addi %add3A_590, %add3A_597 : vector<4x1x128xi32>
    %add3A_599 = vector.broadcast %mul3A_6 : vector<1x512x1xi32> to vector<4x512x128xi32>
    %add3A_600 = vector.broadcast %add3A_598 : vector<4x1x128xi32> to vector<4x512x128xi32>
    %add3A_601 = arith.addi %add3A_599, %add3A_600 : vector<4x512x128xi32>
    %shift_left3A_602 = arith.constant 13 : i32
    %shift_left3A_603 = vector.broadcast %shift_left3A_602 : i32 to vector<4x512x128xi32>
    %shift_left3A_604 = arith.shli %add3A_601, %shift_left3A_603 : vector<4x512x128xi32>
    %shift_right_logical3A_605 = arith.constant 19 : i32
    %shift_right_logical3A_606 = vector.broadcast %shift_right_logical3A_605 : i32 to vector<4x512x128xi32>
    %shift_right_logical3A_607 = arith.shrui %add3A_601, %shift_right_logical3A_606 : vector<4x512x128xi32>
    %or3A_608 = arith.ori %shift_left3A_604, %shift_right_logical3A_607 : vector<4x512x128xi32>
    %xor3A_609 = arith.xori %add3A_601, %or3A_608 : vector<4x512x128xi32>
    %add3A_610 = arith.addi %add3A_601, %xor3A_609 : vector<4x512x128xi32>
    %shift_left3A_611 = arith.constant 15 : i32
    %shift_left3A_612 = vector.broadcast %shift_left3A_611 : i32 to vector<4x512x128xi32>
    %shift_left3A_613 = arith.shli %xor3A_609, %shift_left3A_612 : vector<4x512x128xi32>
    %shift_right_logical3A_614 = arith.constant 17 : i32
    %shift_right_logical3A_615 = vector.broadcast %shift_right_logical3A_614 : i32 to vector<4x512x128xi32>
    %shift_right_logical3A_616 = arith.shrui %xor3A_609, %shift_right_logical3A_615 : vector<4x512x128xi32>
    %or3A_617 = arith.ori %shift_left3A_613, %shift_right_logical3A_616 : vector<4x512x128xi32>
    %xor3A_618 = arith.xori %add3A_610, %or3A_617 : vector<4x512x128xi32>
    %add3A_619 = arith.addi %add3A_610, %xor3A_618 : vector<4x512x128xi32>
    %shift_left3A_620 = arith.constant 26 : i32
    %shift_left3A_621 = vector.broadcast %shift_left3A_620 : i32 to vector<4x512x128xi32>
    %shift_left3A_622 = arith.shli %xor3A_618, %shift_left3A_621 : vector<4x512x128xi32>
    %shift_right_logical3A_623 = arith.constant 6 : i32
    %shift_right_logical3A_624 = vector.broadcast %shift_right_logical3A_623 : i32 to vector<4x512x128xi32>
    %shift_right_logical3A_625 = arith.shrui %xor3A_618, %shift_right_logical3A_624 : vector<4x512x128xi32>
    %or3A_626 = arith.ori %shift_left3A_622, %shift_right_logical3A_625 : vector<4x512x128xi32>
    %xor3A_627 = arith.xori %add3A_619, %or3A_626 : vector<4x512x128xi32>
    %add3A_628 = arith.addi %add3A_619, %xor3A_627 : vector<4x512x128xi32>
    %shift_left3A_629 = arith.constant 6 : i32
    %shift_left3A_630 = vector.broadcast %shift_left3A_629 : i32 to vector<4x512x128xi32>
    %shift_left3A_631 = arith.shli %xor3A_627, %shift_left3A_630 : vector<4x512x128xi32>
    %shift_right_logical3A_632 = arith.constant 26 : i32
    %shift_right_logical3A_633 = vector.broadcast %shift_right_logical3A_632 : i32 to vector<4x512x128xi32>
    %shift_right_logical3A_634 = arith.shrui %xor3A_627, %shift_right_logical3A_633 : vector<4x512x128xi32>
    %or3A_635 = arith.ori %shift_left3A_631, %shift_right_logical3A_634 : vector<4x512x128xi32>
    %xor3A_636 = arith.xori %add3A_628, %or3A_635 : vector<4x512x128xi32>
    %add3A_637 = arith.constant 42 : i32
    %add3A_638 = vector.broadcast %add3A_637 : i32 to vector<4x512x128xi32>
    %add3A_639 = arith.addi %add3A_628, %add3A_638 : vector<4x512x128xi32>
    %add3A_640 = arith.constant 466689009 : i32
    %add3A_641 = vector.broadcast %add3A_640 : i32 to vector<4x512x128xi32>
    %add3A_642 = arith.addi %xor3A_636, %add3A_641 : vector<4x512x128xi32>
    %add3A_643 = arith.addi %add3A_639, %add3A_642 : vector<4x512x128xi32>
    %shift_left3A_644 = arith.constant 17 : i32
    %shift_left3A_645 = vector.broadcast %shift_left3A_644 : i32 to vector<4x512x128xi32>
    %shift_left3A_646 = arith.shli %add3A_642, %shift_left3A_645 : vector<4x512x128xi32>
    %shift_right_logical3A_647 = arith.constant 15 : i32
    %shift_right_logical3A_648 = vector.broadcast %shift_right_logical3A_647 : i32 to vector<4x512x128xi32>
    %shift_right_logical3A_649 = arith.shrui %add3A_642, %shift_right_logical3A_648 : vector<4x512x128xi32>
    %or3A_650 = arith.ori %shift_left3A_646, %shift_right_logical3A_649 : vector<4x512x128xi32>
    %xor3A_651 = arith.xori %add3A_643, %or3A_650 : vector<4x512x128xi32>
    %add3A_652 = arith.addi %add3A_643, %xor3A_651 : vector<4x512x128xi32>
    %shift_left3A_653 = arith.constant 29 : i32
    %shift_left3A_654 = vector.broadcast %shift_left3A_653 : i32 to vector<4x512x128xi32>
    %shift_left3A_655 = arith.shli %xor3A_651, %shift_left3A_654 : vector<4x512x128xi32>
    %shift_right_logical3A_656 = arith.constant 3 : i32
    %shift_right_logical3A_657 = vector.broadcast %shift_right_logical3A_656 : i32 to vector<4x512x128xi32>
    %shift_right_logical3A_658 = arith.shrui %xor3A_651, %shift_right_logical3A_657 : vector<4x512x128xi32>
    %or3A_659 = arith.ori %shift_left3A_655, %shift_right_logical3A_658 : vector<4x512x128xi32>
    %xor3A_660 = arith.xori %add3A_652, %or3A_659 : vector<4x512x128xi32>
    %add3A_661 = arith.addi %add3A_652, %xor3A_660 : vector<4x512x128xi32>
    %shift_left3A_662 = arith.constant 16 : i32
    %shift_left3A_663 = vector.broadcast %shift_left3A_662 : i32 to vector<4x512x128xi32>
    %shift_left3A_664 = arith.shli %xor3A_660, %shift_left3A_663 : vector<4x512x128xi32>
    %shift_right_logical3A_665 = arith.constant 16 : i32
    %shift_right_logical3A_666 = vector.broadcast %shift_right_logical3A_665 : i32 to vector<4x512x128xi32>
    %shift_right_logical3A_667 = arith.shrui %xor3A_660, %shift_right_logical3A_666 : vector<4x512x128xi32>
    %or3A_668 = arith.ori %shift_left3A_664, %shift_right_logical3A_667 : vector<4x512x128xi32>
    %xor3A_669 = arith.xori %add3A_661, %or3A_668 : vector<4x512x128xi32>
    %add3A_670 = arith.addi %add3A_661, %xor3A_669 : vector<4x512x128xi32>
    %shift_left3A_671 = arith.constant 24 : i32
    %shift_left3A_672 = vector.broadcast %shift_left3A_671 : i32 to vector<4x512x128xi32>
    %shift_left3A_673 = arith.shli %xor3A_669, %shift_left3A_672 : vector<4x512x128xi32>
    %shift_right_logical3A_674 = arith.constant 8 : i32
    %shift_right_logical3A_675 = vector.broadcast %shift_right_logical3A_674 : i32 to vector<4x512x128xi32>
    %shift_right_logical3A_676 = arith.shrui %xor3A_669, %shift_right_logical3A_675 : vector<4x512x128xi32>
    %or3A_677 = arith.ori %shift_left3A_673, %shift_right_logical3A_676 : vector<4x512x128xi32>
    %xor3A_678 = arith.xori %add3A_670, %or3A_677 : vector<4x512x128xi32>
    %add3A_679 = arith.constant 466689008 : i32
    %add3A_680 = vector.broadcast %add3A_679 : i32 to vector<4x512x128xi32>
    %add3A_681 = arith.addi %add3A_670, %add3A_680 : vector<4x512x128xi32>
    %add3A_682 = arith.constant 2 : i32
    %add3A_683 = vector.broadcast %add3A_682 : i32 to vector<4x512x128xi32>
    %add3A_684 = arith.addi %xor3A_678, %add3A_683 : vector<4x512x128xi32>
    %add3A_685 = arith.addi %add3A_681, %add3A_684 : vector<4x512x128xi32>
    %shift_left3A_686 = arith.constant 13 : i32
    %shift_left3A_687 = vector.broadcast %shift_left3A_686 : i32 to vector<4x512x128xi32>
    %shift_left3A_688 = arith.shli %add3A_684, %shift_left3A_687 : vector<4x512x128xi32>
    %shift_right_logical3A_689 = arith.constant 19 : i32
    %shift_right_logical3A_690 = vector.broadcast %shift_right_logical3A_689 : i32 to vector<4x512x128xi32>
    %shift_right_logical3A_691 = arith.shrui %add3A_684, %shift_right_logical3A_690 : vector<4x512x128xi32>
    %or3A_692 = arith.ori %shift_left3A_688, %shift_right_logical3A_691 : vector<4x512x128xi32>
    %xor3A_693 = arith.xori %add3A_685, %or3A_692 : vector<4x512x128xi32>
    %add3A_694 = arith.addi %add3A_685, %xor3A_693 : vector<4x512x128xi32>
    %shift_left3A_695 = arith.constant 15 : i32
    %shift_left3A_696 = vector.broadcast %shift_left3A_695 : i32 to vector<4x512x128xi32>
    %shift_left3A_697 = arith.shli %xor3A_693, %shift_left3A_696 : vector<4x512x128xi32>
    %shift_right_logical3A_698 = arith.constant 17 : i32
    %shift_right_logical3A_699 = vector.broadcast %shift_right_logical3A_698 : i32 to vector<4x512x128xi32>
    %shift_right_logical3A_700 = arith.shrui %xor3A_693, %shift_right_logical3A_699 : vector<4x512x128xi32>
    %or3A_701 = arith.ori %shift_left3A_697, %shift_right_logical3A_700 : vector<4x512x128xi32>
    %xor3A_702 = arith.xori %add3A_694, %or3A_701 : vector<4x512x128xi32>
    %add3A_703 = arith.addi %add3A_694, %xor3A_702 : vector<4x512x128xi32>
    %shift_left3A_704 = arith.constant 26 : i32
    %shift_left3A_705 = vector.broadcast %shift_left3A_704 : i32 to vector<4x512x128xi32>
    %shift_left3A_706 = arith.shli %xor3A_702, %shift_left3A_705 : vector<4x512x128xi32>
    %shift_right_logical3A_707 = arith.constant 6 : i32
    %shift_right_logical3A_708 = vector.broadcast %shift_right_logical3A_707 : i32 to vector<4x512x128xi32>
    %shift_right_logical3A_709 = arith.shrui %xor3A_702, %shift_right_logical3A_708 : vector<4x512x128xi32>
    %or3A_710 = arith.ori %shift_left3A_706, %shift_right_logical3A_709 : vector<4x512x128xi32>
    %xor3A_711 = arith.xori %add3A_703, %or3A_710 : vector<4x512x128xi32>
    %add3A_712 = arith.addi %add3A_703, %xor3A_711 : vector<4x512x128xi32>
    %shift_left3A_713 = arith.constant 6 : i32
    %shift_left3A_714 = vector.broadcast %shift_left3A_713 : i32 to vector<4x512x128xi32>
    %shift_left3A_715 = arith.shli %xor3A_711, %shift_left3A_714 : vector<4x512x128xi32>
    %shift_right_logical3A_716 = arith.constant 26 : i32
    %shift_right_logical3A_717 = vector.broadcast %shift_right_logical3A_716 : i32 to vector<4x512x128xi32>
    %shift_right_logical3A_718 = arith.shrui %xor3A_711, %shift_right_logical3A_717 : vector<4x512x128xi32>
    %or3A_719 = arith.ori %shift_left3A_715, %shift_right_logical3A_718 : vector<4x512x128xi32>
    %xor3A_720 = arith.xori %add3A_712, %or3A_719 : vector<4x512x128xi32>
    %add3A_721 = arith.constant 0 : i32
    %add3A_722 = vector.broadcast %add3A_721 : i32 to vector<4x512x128xi32>
    %add3A_723 = arith.addi %add3A_712, %add3A_722 : vector<4x512x128xi32>
    %add3A_724 = arith.constant 45 : i32
    %add3A_725 = vector.broadcast %add3A_724 : i32 to vector<4x512x128xi32>
    %add3A_726 = arith.addi %xor3A_720, %add3A_725 : vector<4x512x128xi32>
    %add3A_727 = arith.addi %add3A_723, %add3A_726 : vector<4x512x128xi32>
    %shift_left3A_728 = arith.constant 17 : i32
    %shift_left3A_729 = vector.broadcast %shift_left3A_728 : i32 to vector<4x512x128xi32>
    %shift_left3A_730 = arith.shli %add3A_726, %shift_left3A_729 : vector<4x512x128xi32>
    %shift_right_logical3A_731 = arith.constant 15 : i32
    %shift_right_logical3A_732 = vector.broadcast %shift_right_logical3A_731 : i32 to vector<4x512x128xi32>
    %shift_right_logical3A_733 = arith.shrui %add3A_726, %shift_right_logical3A_732 : vector<4x512x128xi32>
    %or3A_734 = arith.ori %shift_left3A_730, %shift_right_logical3A_733 : vector<4x512x128xi32>
    %xor3A_735 = arith.xori %add3A_727, %or3A_734 : vector<4x512x128xi32>
    %add3A_736 = arith.addi %add3A_727, %xor3A_735 : vector<4x512x128xi32>
    %shift_left3A_737 = arith.constant 29 : i32
    %shift_left3A_738 = vector.broadcast %shift_left3A_737 : i32 to vector<4x512x128xi32>
    %shift_left3A_739 = arith.shli %xor3A_735, %shift_left3A_738 : vector<4x512x128xi32>
    %shift_right_logical3A_740 = arith.constant 3 : i32
    %shift_right_logical3A_741 = vector.broadcast %shift_right_logical3A_740 : i32 to vector<4x512x128xi32>
    %shift_right_logical3A_742 = arith.shrui %xor3A_735, %shift_right_logical3A_741 : vector<4x512x128xi32>
    %or3A_743 = arith.ori %shift_left3A_739, %shift_right_logical3A_742 : vector<4x512x128xi32>
    %xor3A_744 = arith.xori %add3A_736, %or3A_743 : vector<4x512x128xi32>
    %add3A_745 = arith.addi %add3A_736, %xor3A_744 : vector<4x512x128xi32>
    %shift_left3A_746 = arith.constant 16 : i32
    %shift_left3A_747 = vector.broadcast %shift_left3A_746 : i32 to vector<4x512x128xi32>
    %shift_left3A_748 = arith.shli %xor3A_744, %shift_left3A_747 : vector<4x512x128xi32>
    %shift_right_logical3A_749 = arith.constant 16 : i32
    %shift_right_logical3A_750 = vector.broadcast %shift_right_logical3A_749 : i32 to vector<4x512x128xi32>
    %shift_right_logical3A_751 = arith.shrui %xor3A_744, %shift_right_logical3A_750 : vector<4x512x128xi32>
    %or3A_752 = arith.ori %shift_left3A_748, %shift_right_logical3A_751 : vector<4x512x128xi32>
    %xor3A_753 = arith.xori %add3A_745, %or3A_752 : vector<4x512x128xi32>
    %add3A_754 = arith.addi %add3A_745, %xor3A_753 : vector<4x512x128xi32>
    %shift_left3A_755 = arith.constant 24 : i32
    %shift_left3A_756 = vector.broadcast %shift_left3A_755 : i32 to vector<4x512x128xi32>
    %shift_left3A_757 = arith.shli %xor3A_753, %shift_left3A_756 : vector<4x512x128xi32>
    %shift_right_logical3A_758 = arith.constant 8 : i32
    %shift_right_logical3A_759 = vector.broadcast %shift_right_logical3A_758 : i32 to vector<4x512x128xi32>
    %shift_right_logical3A_760 = arith.shrui %xor3A_753, %shift_right_logical3A_759 : vector<4x512x128xi32>
    %or3A_761 = arith.ori %shift_left3A_757, %shift_right_logical3A_760 : vector<4x512x128xi32>
    %xor3A_762 = arith.xori %add3A_754, %or3A_761 : vector<4x512x128xi32>
    %add3A_763 = arith.constant 42 : i32
    %add3A_764 = vector.broadcast %add3A_763 : i32 to vector<4x512x128xi32>
    %add3A_765 = arith.addi %add3A_754, %add3A_764 : vector<4x512x128xi32>
    %add3A_766 = arith.constant 466689012 : i32
    %add3A_767 = vector.broadcast %add3A_766 : i32 to vector<4x512x128xi32>
    %add3A_768 = arith.addi %xor3A_762, %add3A_767 : vector<4x512x128xi32>
    %add3A_769 = arith.addi %add3A_765, %add3A_768 : vector<4x512x128xi32>
    %shift_left3A_770 = arith.constant 13 : i32
    %shift_left3A_771 = vector.broadcast %shift_left3A_770 : i32 to vector<4x512x128xi32>
    %shift_left3A_772 = arith.shli %add3A_768, %shift_left3A_771 : vector<4x512x128xi32>
    %shift_right_logical3A_773 = arith.constant 19 : i32
    %shift_right_logical3A_774 = vector.broadcast %shift_right_logical3A_773 : i32 to vector<4x512x128xi32>
    %shift_right_logical3A_775 = arith.shrui %add3A_768, %shift_right_logical3A_774 : vector<4x512x128xi32>
    %or3A_776 = arith.ori %shift_left3A_772, %shift_right_logical3A_775 : vector<4x512x128xi32>
    %xor3A_777 = arith.xori %add3A_769, %or3A_776 : vector<4x512x128xi32>
    %add3A_778 = arith.addi %add3A_769, %xor3A_777 : vector<4x512x128xi32>
    %shift_left3A_779 = arith.constant 15 : i32
    %shift_left3A_780 = vector.broadcast %shift_left3A_779 : i32 to vector<4x512x128xi32>
    %shift_left3A_781 = arith.shli %xor3A_777, %shift_left3A_780 : vector<4x512x128xi32>
    %shift_right_logical3A_782 = arith.constant 17 : i32
    %shift_right_logical3A_783 = vector.broadcast %shift_right_logical3A_782 : i32 to vector<4x512x128xi32>
    %shift_right_logical3A_784 = arith.shrui %xor3A_777, %shift_right_logical3A_783 : vector<4x512x128xi32>
    %or3A_785 = arith.ori %shift_left3A_781, %shift_right_logical3A_784 : vector<4x512x128xi32>
    %xor3A_786 = arith.xori %add3A_778, %or3A_785 : vector<4x512x128xi32>
    %add3A_787 = arith.addi %add3A_778, %xor3A_786 : vector<4x512x128xi32>
    %shift_left3A_788 = arith.constant 26 : i32
    %shift_left3A_789 = vector.broadcast %shift_left3A_788 : i32 to vector<4x512x128xi32>
    %shift_left3A_790 = arith.shli %xor3A_786, %shift_left3A_789 : vector<4x512x128xi32>
    %shift_right_logical3A_791 = arith.constant 6 : i32
    %shift_right_logical3A_792 = vector.broadcast %shift_right_logical3A_791 : i32 to vector<4x512x128xi32>
    %shift_right_logical3A_793 = arith.shrui %xor3A_786, %shift_right_logical3A_792 : vector<4x512x128xi32>
    %or3A_794 = arith.ori %shift_left3A_790, %shift_right_logical3A_793 : vector<4x512x128xi32>
    %xor3A_795 = arith.xori %add3A_787, %or3A_794 : vector<4x512x128xi32>
    %add3A_796 = arith.addi %add3A_787, %xor3A_795 : vector<4x512x128xi32>
    %shift_left3A_797 = arith.constant 6 : i32
    %shift_left3A_798 = vector.broadcast %shift_left3A_797 : i32 to vector<4x512x128xi32>
    %shift_left3A_799 = arith.shli %xor3A_795, %shift_left3A_798 : vector<4x512x128xi32>
    %shift_right_logical3A_800 = arith.constant 26 : i32
    %shift_right_logical3A_801 = vector.broadcast %shift_right_logical3A_800 : i32 to vector<4x512x128xi32>
    %shift_right_logical3A_802 = arith.shrui %xor3A_795, %shift_right_logical3A_801 : vector<4x512x128xi32>
    %or3A_803 = arith.ori %shift_left3A_799, %shift_right_logical3A_802 : vector<4x512x128xi32>
    %xor3A_804 = arith.xori %add3A_796, %or3A_803 : vector<4x512x128xi32>
    %add3A_805 = arith.constant 466689008 : i32
    %add3A_806 = vector.broadcast %add3A_805 : i32 to vector<4x512x128xi32>
    %add3A_807 = arith.addi %add3A_796, %add3A_806 : vector<4x512x128xi32>
    %add3A_808 = arith.constant 5 : i32
    %add3A_809 = vector.broadcast %add3A_808 : i32 to vector<4x512x128xi32>
    %add3A_810 = arith.addi %xor3A_804, %add3A_809 : vector<4x512x128xi32>
    %xor3A_811 = arith.xori %add3A_807, %add3A_810 : vector<4x512x128xi32>
    %shift_right_logical3A_812 = arith.constant 9 : i32
    %shift_right_logical3A_813 = vector.broadcast %shift_right_logical3A_812 : i32 to vector<4x512x128xi32>
    %shift_right_logical3A_814 = arith.shrui %xor3A_811, %shift_right_logical3A_813 : vector<4x512x128xi32>
    %convert_element_type3A_815 = arith.sitofp %shift_right_logical3A_814 : vector<4x512x128xi32> to vector<4x512x128xf32>
    %mul3A_816 = arith.constant 1.1920929E-7 : f32
    %mul3A_817 = vector.broadcast %mul3A_816 : f32 to vector<4x512x128xf32>
    %mul3A_818 = arith.mulf %convert_element_type3A_815, %mul3A_817 : vector<4x512x128xf32>
    %add3A_819 = arith.constant 1.17549435E-38 : f32
    %add3A_820 = vector.broadcast %add3A_819 : f32 to vector<4x512x128xf32>
    %add3A_821 = arith.addf %mul3A_818, %add3A_820 : vector<4x512x128xf32>
    %log3A_822 = math.log %add3A_821 : vector<4x512x128xf32>
    %neg3A_823 = arith.constant 0.000000e+00 : f32
    %neg3A_824 = vector.broadcast %neg3A_823 : f32 to vector<4x512x128xf32>
    %neg3A_825 = arith.subf %neg3A_824, %log3A_822 : vector<4x512x128xf32>
    %log3A_826 = math.log %neg3A_825 : vector<4x512x128xf32>
    %neg3A_827 = arith.constant 0.000000e+00 : f32
    %neg3A_828 = vector.broadcast %neg3A_827 : f32 to vector<4x512x128xf32>
    %neg3A_829 = arith.subf %neg3A_828, %log3A_826 : vector<4x512x128xf32>
    %get3A_830 = arith.constant 8 : index
    %get3A_831 = arith.constant 0 : index
    %get3A_832 = vector.load %arg2[%get3A_830, %get3A_831] : memref<16x128xf32, #tpu.memory_space<vmem>>, vector<4x128xf32>
    %broadcast_in_dim3A_833 = vector.shape_cast %get3A_832 : vector<4x128xf32> to vector<4x1x128xf32>
    %add3A_834 = vector.broadcast %broadcast_in_dim3A_833 : vector<4x1x128xf32> to vector<4x512x128xf32>
    %add3A_835 = arith.addf %neg3A_829, %add3A_834 : vector<4x512x128xf32>
    %slice3A_836 = vector.extract_strided_slice %add3A_835 {offsets = [0, 0, 0], sizes = [1, 512, 128], strides = [1, 1, 1]} : vector<4x512x128xf32> to vector<1x512x128xf32>
    %squeeze3A_837 = vector.shape_cast %slice3A_836 : vector<1x512x128xf32> to vector<512x128xf32>
    %gt3A_838 = arith.cmpf ogt, %squeeze3A_837, %select_n3A_578 : vector<512x128xf32>
    %select_n3A_839 = arith.select %gt3A_838, %squeeze3A_837, %select_n3A_578 : vector<512x128xi1>, vector<512x128xf32>
    %add3A_840 = arith.constant 8 : i32
    %add3A_841 = arith.addi %mul3A_13, %add3A_840 : i32
    %add3A_842 = arith.constant 0 : i32
    %add3A_843 = arith.addi %add3A_841, %add3A_842 : i32
    %broadcast_in_dim3A_844 = vector.broadcast %add3A_843 : i32 to vector<512x128xi32>
    %select_n3A_845 = arith.select %gt3A_838, %broadcast_in_dim3A_844, %select_n3A_584 : vector<512x128xi1>, vector<512x128xi32>
    %slice3A_846 = vector.extract_strided_slice %add3A_835 {offsets = [1, 0, 0], sizes = [1, 512, 128], strides = [1, 1, 1]} : vector<4x512x128xf32> to vector<1x512x128xf32>
    %squeeze3A_847 = vector.shape_cast %slice3A_846 : vector<1x512x128xf32> to vector<512x128xf32>
    %gt3A_848 = arith.cmpf ogt, %squeeze3A_847, %select_n3A_839 : vector<512x128xf32>
    %select_n3A_849 = arith.select %gt3A_848, %squeeze3A_847, %select_n3A_839 : vector<512x128xi1>, vector<512x128xf32>
    %add3A_850 = arith.constant 8 : i32
    %add3A_851 = arith.addi %mul3A_13, %add3A_850 : i32
    %add3A_852 = arith.constant 1 : i32
    %add3A_853 = arith.addi %add3A_851, %add3A_852 : i32
    %broadcast_in_dim3A_854 = vector.broadcast %add3A_853 : i32 to vector<512x128xi32>
    %select_n3A_855 = arith.select %gt3A_848, %broadcast_in_dim3A_854, %select_n3A_845 : vector<512x128xi1>, vector<512x128xi32>
    %slice3A_856 = vector.extract_strided_slice %add3A_835 {offsets = [2, 0, 0], sizes = [1, 512, 128], strides = [1, 1, 1]} : vector<4x512x128xf32> to vector<1x512x128xf32>
    %squeeze3A_857 = vector.shape_cast %slice3A_856 : vector<1x512x128xf32> to vector<512x128xf32>
    %gt3A_858 = arith.cmpf ogt, %squeeze3A_857, %select_n3A_849 : vector<512x128xf32>
    %select_n3A_859 = arith.select %gt3A_858, %squeeze3A_857, %select_n3A_849 : vector<512x128xi1>, vector<512x128xf32>
    %add3A_860 = arith.constant 8 : i32
    %add3A_861 = arith.addi %mul3A_13, %add3A_860 : i32
    %add3A_862 = arith.constant 2 : i32
    %add3A_863 = arith.addi %add3A_861, %add3A_862 : i32
    %broadcast_in_dim3A_864 = vector.broadcast %add3A_863 : i32 to vector<512x128xi32>
    %select_n3A_865 = arith.select %gt3A_858, %broadcast_in_dim3A_864, %select_n3A_855 : vector<512x128xi1>, vector<512x128xi32>
    %slice3A_866 = vector.extract_strided_slice %add3A_835 {offsets = [3, 0, 0], sizes = [1, 512, 128], strides = [1, 1, 1]} : vector<4x512x128xf32> to vector<1x512x128xf32>
    %squeeze3A_867 = vector.shape_cast %slice3A_866 : vector<1x512x128xf32> to vector<512x128xf32>
    %gt3A_868 = arith.cmpf ogt, %squeeze3A_867, %select_n3A_859 : vector<512x128xf32>
    %select_n3A_869 = arith.select %gt3A_868, %squeeze3A_867, %select_n3A_859 : vector<512x128xi1>, vector<512x128xf32>
    %add3A_870 = arith.constant 8 : i32
    %add3A_871 = arith.addi %mul3A_13, %add3A_870 : i32
    %add3A_872 = arith.constant 3 : i32
    %add3A_873 = arith.addi %add3A_871, %add3A_872 : i32
    %broadcast_in_dim3A_874 = vector.broadcast %add3A_873 : i32 to vector<512x128xi32>
    %select_n3A_875 = arith.select %gt3A_868, %broadcast_in_dim3A_874, %select_n3A_865 : vector<512x128xi1>, vector<512x128xi32>
    %iota3A_876 = tpu.iota {dimensions = array<i32: 0>} : vector<4x1x128xi32>
    %mul3A_877 = arith.constant 128 : i32
    %mul3A_878 = vector.broadcast %mul3A_877 : i32 to vector<4x1x128xi32>
    %mul3A_879 = arith.muli %iota3A_876, %mul3A_878 : vector<4x1x128xi32>
    %iota3A_880 = tpu.iota {dimensions = array<i32: 2>} : vector<4x1x128xi32>
    %add3A_881 = arith.addi %mul3A_879, %iota3A_880 : vector<4x1x128xi32>
    %mul3A_882 = arith.constant 2048 : i32
    %mul3A_883 = arith.muli %arg1, %mul3A_882 : i32
    %add3A_884 = arith.constant 1536 : i32
    %add3A_885 = arith.addi %mul3A_883, %add3A_884 : i32
    %add3A_886 = arith.constant 42 : i32
    %add3A_887 = arith.addi %add3A_885, %add3A_886 : i32
    %add3A_888 = vector.broadcast %add3A_887 : i32 to vector<4x1x128xi32>
    %add3A_889 = arith.addi %add3A_881, %add3A_888 : vector<4x1x128xi32>
    %add3A_890 = vector.broadcast %mul3A_6 : vector<1x512x1xi32> to vector<4x512x128xi32>
    %add3A_891 = vector.broadcast %add3A_889 : vector<4x1x128xi32> to vector<4x512x128xi32>
    %add3A_892 = arith.addi %add3A_890, %add3A_891 : vector<4x512x128xi32>
    %shift_left3A_893 = arith.constant 13 : i32
    %shift_left3A_894 = vector.broadcast %shift_left3A_893 : i32 to vector<4x512x128xi32>
    %shift_left3A_895 = arith.shli %add3A_892, %shift_left3A_894 : vector<4x512x128xi32>
    %shift_right_logical3A_896 = arith.constant 19 : i32
    %shift_right_logical3A_897 = vector.broadcast %shift_right_logical3A_896 : i32 to vector<4x512x128xi32>
    %shift_right_logical3A_898 = arith.shrui %add3A_892, %shift_right_logical3A_897 : vector<4x512x128xi32>
    %or3A_899 = arith.ori %shift_left3A_895, %shift_right_logical3A_898 : vector<4x512x128xi32>
    %xor3A_900 = arith.xori %add3A_892, %or3A_899 : vector<4x512x128xi32>
    %add3A_901 = arith.addi %add3A_892, %xor3A_900 : vector<4x512x128xi32>
    %shift_left3A_902 = arith.constant 15 : i32
    %shift_left3A_903 = vector.broadcast %shift_left3A_902 : i32 to vector<4x512x128xi32>
    %shift_left3A_904 = arith.shli %xor3A_900, %shift_left3A_903 : vector<4x512x128xi32>
    %shift_right_logical3A_905 = arith.constant 17 : i32
    %shift_right_logical3A_906 = vector.broadcast %shift_right_logical3A_905 : i32 to vector<4x512x128xi32>
    %shift_right_logical3A_907 = arith.shrui %xor3A_900, %shift_right_logical3A_906 : vector<4x512x128xi32>
    %or3A_908 = arith.ori %shift_left3A_904, %shift_right_logical3A_907 : vector<4x512x128xi32>
    %xor3A_909 = arith.xori %add3A_901, %or3A_908 : vector<4x512x128xi32>
    %add3A_910 = arith.addi %add3A_901, %xor3A_909 : vector<4x512x128xi32>
    %shift_left3A_911 = arith.constant 26 : i32
    %shift_left3A_912 = vector.broadcast %shift_left3A_911 : i32 to vector<4x512x128xi32>
    %shift_left3A_913 = arith.shli %xor3A_909, %shift_left3A_912 : vector<4x512x128xi32>
    %shift_right_logical3A_914 = arith.constant 6 : i32
    %shift_right_logical3A_915 = vector.broadcast %shift_right_logical3A_914 : i32 to vector<4x512x128xi32>
    %shift_right_logical3A_916 = arith.shrui %xor3A_909, %shift_right_logical3A_915 : vector<4x512x128xi32>
    %or3A_917 = arith.ori %shift_left3A_913, %shift_right_logical3A_916 : vector<4x512x128xi32>
    %xor3A_918 = arith.xori %add3A_910, %or3A_917 : vector<4x512x128xi32>
    %add3A_919 = arith.addi %add3A_910, %xor3A_918 : vector<4x512x128xi32>
    %shift_left3A_920 = arith.constant 6 : i32
    %shift_left3A_921 = vector.broadcast %shift_left3A_920 : i32 to vector<4x512x128xi32>
    %shift_left3A_922 = arith.shli %xor3A_918, %shift_left3A_921 : vector<4x512x128xi32>
    %shift_right_logical3A_923 = arith.constant 26 : i32
    %shift_right_logical3A_924 = vector.broadcast %shift_right_logical3A_923 : i32 to vector<4x512x128xi32>
    %shift_right_logical3A_925 = arith.shrui %xor3A_918, %shift_right_logical3A_924 : vector<4x512x128xi32>
    %or3A_926 = arith.ori %shift_left3A_922, %shift_right_logical3A_925 : vector<4x512x128xi32>
    %xor3A_927 = arith.xori %add3A_919, %or3A_926 : vector<4x512x128xi32>
    %add3A_928 = arith.constant 42 : i32
    %add3A_929 = vector.broadcast %add3A_928 : i32 to vector<4x512x128xi32>
    %add3A_930 = arith.addi %add3A_919, %add3A_929 : vector<4x512x128xi32>
    %add3A_931 = arith.constant 466689009 : i32
    %add3A_932 = vector.broadcast %add3A_931 : i32 to vector<4x512x128xi32>
    %add3A_933 = arith.addi %xor3A_927, %add3A_932 : vector<4x512x128xi32>
    %add3A_934 = arith.addi %add3A_930, %add3A_933 : vector<4x512x128xi32>
    %shift_left3A_935 = arith.constant 17 : i32
    %shift_left3A_936 = vector.broadcast %shift_left3A_935 : i32 to vector<4x512x128xi32>
    %shift_left3A_937 = arith.shli %add3A_933, %shift_left3A_936 : vector<4x512x128xi32>
    %shift_right_logical3A_938 = arith.constant 15 : i32
    %shift_right_logical3A_939 = vector.broadcast %shift_right_logical3A_938 : i32 to vector<4x512x128xi32>
    %shift_right_logical3A_940 = arith.shrui %add3A_933, %shift_right_logical3A_939 : vector<4x512x128xi32>
    %or3A_941 = arith.ori %shift_left3A_937, %shift_right_logical3A_940 : vector<4x512x128xi32>
    %xor3A_942 = arith.xori %add3A_934, %or3A_941 : vector<4x512x128xi32>
    %add3A_943 = arith.addi %add3A_934, %xor3A_942 : vector<4x512x128xi32>
    %shift_left3A_944 = arith.constant 29 : i32
    %shift_left3A_945 = vector.broadcast %shift_left3A_944 : i32 to vector<4x512x128xi32>
    %shift_left3A_946 = arith.shli %xor3A_942, %shift_left3A_945 : vector<4x512x128xi32>
    %shift_right_logical3A_947 = arith.constant 3 : i32
    %shift_right_logical3A_948 = vector.broadcast %shift_right_logical3A_947 : i32 to vector<4x512x128xi32>
    %shift_right_logical3A_949 = arith.shrui %xor3A_942, %shift_right_logical3A_948 : vector<4x512x128xi32>
    %or3A_950 = arith.ori %shift_left3A_946, %shift_right_logical3A_949 : vector<4x512x128xi32>
    %xor3A_951 = arith.xori %add3A_943, %or3A_950 : vector<4x512x128xi32>
    %add3A_952 = arith.addi %add3A_943, %xor3A_951 : vector<4x512x128xi32>
    %shift_left3A_953 = arith.constant 16 : i32
    %shift_left3A_954 = vector.broadcast %shift_left3A_953 : i32 to vector<4x512x128xi32>
    %shift_left3A_955 = arith.shli %xor3A_951, %shift_left3A_954 : vector<4x512x128xi32>
    %shift_right_logical3A_956 = arith.constant 16 : i32
    %shift_right_logical3A_957 = vector.broadcast %shift_right_logical3A_956 : i32 to vector<4x512x128xi32>
    %shift_right_logical3A_958 = arith.shrui %xor3A_951, %shift_right_logical3A_957 : vector<4x512x128xi32>
    %or3A_959 = arith.ori %shift_left3A_955, %shift_right_logical3A_958 : vector<4x512x128xi32>
    %xor3A_960 = arith.xori %add3A_952, %or3A_959 : vector<4x512x128xi32>
    %add3A_961 = arith.addi %add3A_952, %xor3A_960 : vector<4x512x128xi32>
    %shift_left3A_962 = arith.constant 24 : i32
    %shift_left3A_963 = vector.broadcast %shift_left3A_962 : i32 to vector<4x512x128xi32>
    %shift_left3A_964 = arith.shli %xor3A_960, %shift_left3A_963 : vector<4x512x128xi32>
    %shift_right_logical3A_965 = arith.constant 8 : i32
    %shift_right_logical3A_966 = vector.broadcast %shift_right_logical3A_965 : i32 to vector<4x512x128xi32>
    %shift_right_logical3A_967 = arith.shrui %xor3A_960, %shift_right_logical3A_966 : vector<4x512x128xi32>
    %or3A_968 = arith.ori %shift_left3A_964, %shift_right_logical3A_967 : vector<4x512x128xi32>
    %xor3A_969 = arith.xori %add3A_961, %or3A_968 : vector<4x512x128xi32>
    %add3A_970 = arith.constant 466689008 : i32
    %add3A_971 = vector.broadcast %add3A_970 : i32 to vector<4x512x128xi32>
    %add3A_972 = arith.addi %add3A_961, %add3A_971 : vector<4x512x128xi32>
    %add3A_973 = arith.constant 2 : i32
    %add3A_974 = vector.broadcast %add3A_973 : i32 to vector<4x512x128xi32>
    %add3A_975 = arith.addi %xor3A_969, %add3A_974 : vector<4x512x128xi32>
    %add3A_976 = arith.addi %add3A_972, %add3A_975 : vector<4x512x128xi32>
    %shift_left3A_977 = arith.constant 13 : i32
    %shift_left3A_978 = vector.broadcast %shift_left3A_977 : i32 to vector<4x512x128xi32>
    %shift_left3A_979 = arith.shli %add3A_975, %shift_left3A_978 : vector<4x512x128xi32>
    %shift_right_logical3A_980 = arith.constant 19 : i32
    %shift_right_logical3A_981 = vector.broadcast %shift_right_logical3A_980 : i32 to vector<4x512x128xi32>
    %shift_right_logical3A_982 = arith.shrui %add3A_975, %shift_right_logical3A_981 : vector<4x512x128xi32>
    %or3A_983 = arith.ori %shift_left3A_979, %shift_right_logical3A_982 : vector<4x512x128xi32>
    %xor3A_984 = arith.xori %add3A_976, %or3A_983 : vector<4x512x128xi32>
    %add3A_985 = arith.addi %add3A_976, %xor3A_984 : vector<4x512x128xi32>
    %shift_left3A_986 = arith.constant 15 : i32
    %shift_left3A_987 = vector.broadcast %shift_left3A_986 : i32 to vector<4x512x128xi32>
    %shift_left3A_988 = arith.shli %xor3A_984, %shift_left3A_987 : vector<4x512x128xi32>
    %shift_right_logical3A_989 = arith.constant 17 : i32
    %shift_right_logical3A_990 = vector.broadcast %shift_right_logical3A_989 : i32 to vector<4x512x128xi32>
    %shift_right_logical3A_991 = arith.shrui %xor3A_984, %shift_right_logical3A_990 : vector<4x512x128xi32>
    %or3A_992 = arith.ori %shift_left3A_988, %shift_right_logical3A_991 : vector<4x512x128xi32>
    %xor3A_993 = arith.xori %add3A_985, %or3A_992 : vector<4x512x128xi32>
    %add3A_994 = arith.addi %add3A_985, %xor3A_993 : vector<4x512x128xi32>
    %shift_left3A_995 = arith.constant 26 : i32
    %shift_left3A_996 = vector.broadcast %shift_left3A_995 : i32 to vector<4x512x128xi32>
    %shift_left3A_997 = arith.shli %xor3A_993, %shift_left3A_996 : vector<4x512x128xi32>
    %shift_right_logical3A_998 = arith.constant 6 : i32
    %shift_right_logical3A_999 = vector.broadcast %shift_right_logical3A_998 : i32 to vector<4x512x128xi32>
    %shift_right_logical3A_1000 = arith.shrui %xor3A_993, %shift_right_logical3A_999 : vector<4x512x128xi32>
    %or3A_1001 = arith.ori %shift_left3A_997, %shift_right_logical3A_1000 : vector<4x512x128xi32>
    %xor3A_1002 = arith.xori %add3A_994, %or3A_1001 : vector<4x512x128xi32>
    %add3A_1003 = arith.addi %add3A_994, %xor3A_1002 : vector<4x512x128xi32>
    %shift_left3A_1004 = arith.constant 6 : i32
    %shift_left3A_1005 = vector.broadcast %shift_left3A_1004 : i32 to vector<4x512x128xi32>
    %shift_left3A_1006 = arith.shli %xor3A_1002, %shift_left3A_1005 : vector<4x512x128xi32>
    %shift_right_logical3A_1007 = arith.constant 26 : i32
    %shift_right_logical3A_1008 = vector.broadcast %shift_right_logical3A_1007 : i32 to vector<4x512x128xi32>
    %shift_right_logical3A_1009 = arith.shrui %xor3A_1002, %shift_right_logical3A_1008 : vector<4x512x128xi32>
    %or3A_1010 = arith.ori %shift_left3A_1006, %shift_right_logical3A_1009 : vector<4x512x128xi32>
    %xor3A_1011 = arith.xori %add3A_1003, %or3A_1010 : vector<4x512x128xi32>
    %add3A_1012 = arith.constant 0 : i32
    %add3A_1013 = vector.broadcast %add3A_1012 : i32 to vector<4x512x128xi32>
    %add3A_1014 = arith.addi %add3A_1003, %add3A_1013 : vector<4x512x128xi32>
    %add3A_1015 = arith.constant 45 : i32
    %add3A_1016 = vector.broadcast %add3A_1015 : i32 to vector<4x512x128xi32>
    %add3A_1017 = arith.addi %xor3A_1011, %add3A_1016 : vector<4x512x128xi32>
    %add3A_1018 = arith.addi %add3A_1014, %add3A_1017 : vector<4x512x128xi32>
    %shift_left3A_1019 = arith.constant 17 : i32
    %shift_left3A_1020 = vector.broadcast %shift_left3A_1019 : i32 to vector<4x512x128xi32>
    %shift_left3A_1021 = arith.shli %add3A_1017, %shift_left3A_1020 : vector<4x512x128xi32>
    %shift_right_logical3A_1022 = arith.constant 15 : i32
    %shift_right_logical3A_1023 = vector.broadcast %shift_right_logical3A_1022 : i32 to vector<4x512x128xi32>
    %shift_right_logical3A_1024 = arith.shrui %add3A_1017, %shift_right_logical3A_1023 : vector<4x512x128xi32>
    %or3A_1025 = arith.ori %shift_left3A_1021, %shift_right_logical3A_1024 : vector<4x512x128xi32>
    %xor3A_1026 = arith.xori %add3A_1018, %or3A_1025 : vector<4x512x128xi32>
    %add3A_1027 = arith.addi %add3A_1018, %xor3A_1026 : vector<4x512x128xi32>
    %shift_left3A_1028 = arith.constant 29 : i32
    %shift_left3A_1029 = vector.broadcast %shift_left3A_1028 : i32 to vector<4x512x128xi32>
    %shift_left3A_1030 = arith.shli %xor3A_1026, %shift_left3A_1029 : vector<4x512x128xi32>
    %shift_right_logical3A_1031 = arith.constant 3 : i32
    %shift_right_logical3A_1032 = vector.broadcast %shift_right_logical3A_1031 : i32 to vector<4x512x128xi32>
    %shift_right_logical3A_1033 = arith.shrui %xor3A_1026, %shift_right_logical3A_1032 : vector<4x512x128xi32>
    %or3A_1034 = arith.ori %shift_left3A_1030, %shift_right_logical3A_1033 : vector<4x512x128xi32>
    %xor3A_1035 = arith.xori %add3A_1027, %or3A_1034 : vector<4x512x128xi32>
    %add3A_1036 = arith.addi %add3A_1027, %xor3A_1035 : vector<4x512x128xi32>
    %shift_left3A_1037 = arith.constant 16 : i32
    %shift_left3A_1038 = vector.broadcast %shift_left3A_1037 : i32 to vector<4x512x128xi32>
    %shift_left3A_1039 = arith.shli %xor3A_1035, %shift_left3A_1038 : vector<4x512x128xi32>
    %shift_right_logical3A_1040 = arith.constant 16 : i32
    %shift_right_logical3A_1041 = vector.broadcast %shift_right_logical3A_1040 : i32 to vector<4x512x128xi32>
    %shift_right_logical3A_1042 = arith.shrui %xor3A_1035, %shift_right_logical3A_1041 : vector<4x512x128xi32>
    %or3A_1043 = arith.ori %shift_left3A_1039, %shift_right_logical3A_1042 : vector<4x512x128xi32>
    %xor3A_1044 = arith.xori %add3A_1036, %or3A_1043 : vector<4x512x128xi32>
    %add3A_1045 = arith.addi %add3A_1036, %xor3A_1044 : vector<4x512x128xi32>
    %shift_left3A_1046 = arith.constant 24 : i32
    %shift_left3A_1047 = vector.broadcast %shift_left3A_1046 : i32 to vector<4x512x128xi32>
    %shift_left3A_1048 = arith.shli %xor3A_1044, %shift_left3A_1047 : vector<4x512x128xi32>
    %shift_right_logical3A_1049 = arith.constant 8 : i32
    %shift_right_logical3A_1050 = vector.broadcast %shift_right_logical3A_1049 : i32 to vector<4x512x128xi32>
    %shift_right_logical3A_1051 = arith.shrui %xor3A_1044, %shift_right_logical3A_1050 : vector<4x512x128xi32>
    %or3A_1052 = arith.ori %shift_left3A_1048, %shift_right_logical3A_1051 : vector<4x512x128xi32>
    %xor3A_1053 = arith.xori %add3A_1045, %or3A_1052 : vector<4x512x128xi32>
    %add3A_1054 = arith.constant 42 : i32
    %add3A_1055 = vector.broadcast %add3A_1054 : i32 to vector<4x512x128xi32>
    %add3A_1056 = arith.addi %add3A_1045, %add3A_1055 : vector<4x512x128xi32>
    %add3A_1057 = arith.constant 466689012 : i32
    %add3A_1058 = vector.broadcast %add3A_1057 : i32 to vector<4x512x128xi32>
    %add3A_1059 = arith.addi %xor3A_1053, %add3A_1058 : vector<4x512x128xi32>
    %add3A_1060 = arith.addi %add3A_1056, %add3A_1059 : vector<4x512x128xi32>
    %shift_left3A_1061 = arith.constant 13 : i32
    %shift_left3A_1062 = vector.broadcast %shift_left3A_1061 : i32 to vector<4x512x128xi32>
    %shift_left3A_1063 = arith.shli %add3A_1059, %shift_left3A_1062 : vector<4x512x128xi32>
    %shift_right_logical3A_1064 = arith.constant 19 : i32
    %shift_right_logical3A_1065 = vector.broadcast %shift_right_logical3A_1064 : i32 to vector<4x512x128xi32>
    %shift_right_logical3A_1066 = arith.shrui %add3A_1059, %shift_right_logical3A_1065 : vector<4x512x128xi32>
    %or3A_1067 = arith.ori %shift_left3A_1063, %shift_right_logical3A_1066 : vector<4x512x128xi32>
    %xor3A_1068 = arith.xori %add3A_1060, %or3A_1067 : vector<4x512x128xi32>
    %add3A_1069 = arith.addi %add3A_1060, %xor3A_1068 : vector<4x512x128xi32>
    %shift_left3A_1070 = arith.constant 15 : i32
    %shift_left3A_1071 = vector.broadcast %shift_left3A_1070 : i32 to vector<4x512x128xi32>
    %shift_left3A_1072 = arith.shli %xor3A_1068, %shift_left3A_1071 : vector<4x512x128xi32>
    %shift_right_logical3A_1073 = arith.constant 17 : i32
    %shift_right_logical3A_1074 = vector.broadcast %shift_right_logical3A_1073 : i32 to vector<4x512x128xi32>
    %shift_right_logical3A_1075 = arith.shrui %xor3A_1068, %shift_right_logical3A_1074 : vector<4x512x128xi32>
    %or3A_1076 = arith.ori %shift_left3A_1072, %shift_right_logical3A_1075 : vector<4x512x128xi32>
    %xor3A_1077 = arith.xori %add3A_1069, %or3A_1076 : vector<4x512x128xi32>
    %add3A_1078 = arith.addi %add3A_1069, %xor3A_1077 : vector<4x512x128xi32>
    %shift_left3A_1079 = arith.constant 26 : i32
    %shift_left3A_1080 = vector.broadcast %shift_left3A_1079 : i32 to vector<4x512x128xi32>
    %shift_left3A_1081 = arith.shli %xor3A_1077, %shift_left3A_1080 : vector<4x512x128xi32>
    %shift_right_logical3A_1082 = arith.constant 6 : i32
    %shift_right_logical3A_1083 = vector.broadcast %shift_right_logical3A_1082 : i32 to vector<4x512x128xi32>
    %shift_right_logical3A_1084 = arith.shrui %xor3A_1077, %shift_right_logical3A_1083 : vector<4x512x128xi32>
    %or3A_1085 = arith.ori %shift_left3A_1081, %shift_right_logical3A_1084 : vector<4x512x128xi32>
    %xor3A_1086 = arith.xori %add3A_1078, %or3A_1085 : vector<4x512x128xi32>
    %add3A_1087 = arith.addi %add3A_1078, %xor3A_1086 : vector<4x512x128xi32>
    %shift_left3A_1088 = arith.constant 6 : i32
    %shift_left3A_1089 = vector.broadcast %shift_left3A_1088 : i32 to vector<4x512x128xi32>
    %shift_left3A_1090 = arith.shli %xor3A_1086, %shift_left3A_1089 : vector<4x512x128xi32>
    %shift_right_logical3A_1091 = arith.constant 26 : i32
    %shift_right_logical3A_1092 = vector.broadcast %shift_right_logical3A_1091 : i32 to vector<4x512x128xi32>
    %shift_right_logical3A_1093 = arith.shrui %xor3A_1086, %shift_right_logical3A_1092 : vector<4x512x128xi32>
    %or3A_1094 = arith.ori %shift_left3A_1090, %shift_right_logical3A_1093 : vector<4x512x128xi32>
    %xor3A_1095 = arith.xori %add3A_1087, %or3A_1094 : vector<4x512x128xi32>
    %add3A_1096 = arith.constant 466689008 : i32
    %add3A_1097 = vector.broadcast %add3A_1096 : i32 to vector<4x512x128xi32>
    %add3A_1098 = arith.addi %add3A_1087, %add3A_1097 : vector<4x512x128xi32>
    %add3A_1099 = arith.constant 5 : i32
    %add3A_1100 = vector.broadcast %add3A_1099 : i32 to vector<4x512x128xi32>
    %add3A_1101 = arith.addi %xor3A_1095, %add3A_1100 : vector<4x512x128xi32>
    %xor3A_1102 = arith.xori %add3A_1098, %add3A_1101 : vector<4x512x128xi32>
    %shift_right_logical3A_1103 = arith.constant 9 : i32
    %shift_right_logical3A_1104 = vector.broadcast %shift_right_logical3A_1103 : i32 to vector<4x512x128xi32>
    %shift_right_logical3A_1105 = arith.shrui %xor3A_1102, %shift_right_logical3A_1104 : vector<4x512x128xi32>
    %convert_element_type3A_1106 = arith.sitofp %shift_right_logical3A_1105 : vector<4x512x128xi32> to vector<4x512x128xf32>
    %mul3A_1107 = arith.constant 1.1920929E-7 : f32
    %mul3A_1108 = vector.broadcast %mul3A_1107 : f32 to vector<4x512x128xf32>
    %mul3A_1109 = arith.mulf %convert_element_type3A_1106, %mul3A_1108 : vector<4x512x128xf32>
    %add3A_1110 = arith.constant 1.17549435E-38 : f32
    %add3A_1111 = vector.broadcast %add3A_1110 : f32 to vector<4x512x128xf32>
    %add3A_1112 = arith.addf %mul3A_1109, %add3A_1111 : vector<4x512x128xf32>
    %log3A_1113 = math.log %add3A_1112 : vector<4x512x128xf32>
    %neg3A_1114 = arith.constant 0.000000e+00 : f32
    %neg3A_1115 = vector.broadcast %neg3A_1114 : f32 to vector<4x512x128xf32>
    %neg3A_1116 = arith.subf %neg3A_1115, %log3A_1113 : vector<4x512x128xf32>
    %log3A_1117 = math.log %neg3A_1116 : vector<4x512x128xf32>
    %neg3A_1118 = arith.constant 0.000000e+00 : f32
    %neg3A_1119 = vector.broadcast %neg3A_1118 : f32 to vector<4x512x128xf32>
    %neg3A_1120 = arith.subf %neg3A_1119, %log3A_1117 : vector<4x512x128xf32>
    %get3A_1121 = arith.constant 12 : index
    %get3A_1122 = arith.constant 0 : index
    %get3A_1123 = vector.load %arg2[%get3A_1121, %get3A_1122] : memref<16x128xf32, #tpu.memory_space<vmem>>, vector<4x128xf32>
    %broadcast_in_dim3A_1124 = vector.shape_cast %get3A_1123 : vector<4x128xf32> to vector<4x1x128xf32>
    %add3A_1125 = vector.broadcast %broadcast_in_dim3A_1124 : vector<4x1x128xf32> to vector<4x512x128xf32>
    %add3A_1126 = arith.addf %neg3A_1120, %add3A_1125 : vector<4x512x128xf32>
    %slice3A_1127 = vector.extract_strided_slice %add3A_1126 {offsets = [0, 0, 0], sizes = [1, 512, 128], strides = [1, 1, 1]} : vector<4x512x128xf32> to vector<1x512x128xf32>
    %squeeze3A_1128 = vector.shape_cast %slice3A_1127 : vector<1x512x128xf32> to vector<512x128xf32>
    %gt3A_1129 = arith.cmpf ogt, %squeeze3A_1128, %select_n3A_869 : vector<512x128xf32>
    %select_n3A_1130 = arith.select %gt3A_1129, %squeeze3A_1128, %select_n3A_869 : vector<512x128xi1>, vector<512x128xf32>
    %add3A_1131 = arith.constant 12 : i32
    %add3A_1132 = arith.addi %mul3A_13, %add3A_1131 : i32
    %add3A_1133 = arith.constant 0 : i32
    %add3A_1134 = arith.addi %add3A_1132, %add3A_1133 : i32
    %broadcast_in_dim3A_1135 = vector.broadcast %add3A_1134 : i32 to vector<512x128xi32>
    %select_n3A_1136 = arith.select %gt3A_1129, %broadcast_in_dim3A_1135, %select_n3A_875 : vector<512x128xi1>, vector<512x128xi32>
    %slice3A_1137 = vector.extract_strided_slice %add3A_1126 {offsets = [1, 0, 0], sizes = [1, 512, 128], strides = [1, 1, 1]} : vector<4x512x128xf32> to vector<1x512x128xf32>
    %squeeze3A_1138 = vector.shape_cast %slice3A_1137 : vector<1x512x128xf32> to vector<512x128xf32>
    %gt3A_1139 = arith.cmpf ogt, %squeeze3A_1138, %select_n3A_1130 : vector<512x128xf32>
    %select_n3A_1140 = arith.select %gt3A_1139, %squeeze3A_1138, %select_n3A_1130 : vector<512x128xi1>, vector<512x128xf32>
    %add3A_1141 = arith.constant 12 : i32
    %add3A_1142 = arith.addi %mul3A_13, %add3A_1141 : i32
    %add3A_1143 = arith.constant 1 : i32
    %add3A_1144 = arith.addi %add3A_1142, %add3A_1143 : i32
    %broadcast_in_dim3A_1145 = vector.broadcast %add3A_1144 : i32 to vector<512x128xi32>
    %select_n3A_1146 = arith.select %gt3A_1139, %broadcast_in_dim3A_1145, %select_n3A_1136 : vector<512x128xi1>, vector<512x128xi32>
    %slice3A_1147 = vector.extract_strided_slice %add3A_1126 {offsets = [2, 0, 0], sizes = [1, 512, 128], strides = [1, 1, 1]} : vector<4x512x128xf32> to vector<1x512x128xf32>
    %squeeze3A_1148 = vector.shape_cast %slice3A_1147 : vector<1x512x128xf32> to vector<512x128xf32>
    %gt3A_1149 = arith.cmpf ogt, %squeeze3A_1148, %select_n3A_1140 : vector<512x128xf32>
    %select_n3A_1150 = arith.select %gt3A_1149, %squeeze3A_1148, %select_n3A_1140 : vector<512x128xi1>, vector<512x128xf32>
    %add3A_1151 = arith.constant 12 : i32
    %add3A_1152 = arith.addi %mul3A_13, %add3A_1151 : i32
    %add3A_1153 = arith.constant 2 : i32
    %add3A_1154 = arith.addi %add3A_1152, %add3A_1153 : i32
    %broadcast_in_dim3A_1155 = vector.broadcast %add3A_1154 : i32 to vector<512x128xi32>
    %select_n3A_1156 = arith.select %gt3A_1149, %broadcast_in_dim3A_1155, %select_n3A_1146 : vector<512x128xi1>, vector<512x128xi32>
    %slice3A_1157 = vector.extract_strided_slice %add3A_1126 {offsets = [3, 0, 0], sizes = [1, 512, 128], strides = [1, 1, 1]} : vector<4x512x128xf32> to vector<1x512x128xf32>
    %squeeze3A_1158 = vector.shape_cast %slice3A_1157 : vector<1x512x128xf32> to vector<512x128xf32>
    %gt3A_1159 = arith.cmpf ogt, %squeeze3A_1158, %select_n3A_1150 : vector<512x128xf32>
    %select_n3A_1160 = arith.select %gt3A_1159, %squeeze3A_1158, %select_n3A_1150 : vector<512x128xi1>, vector<512x128xf32>
    %add3A_1161 = arith.constant 12 : i32
    %add3A_1162 = arith.addi %mul3A_13, %add3A_1161 : i32
    %add3A_1163 = arith.constant 3 : i32
    %add3A_1164 = arith.addi %add3A_1162, %add3A_1163 : i32
    %broadcast_in_dim3A_1165 = vector.broadcast %add3A_1164 : i32 to vector<512x128xi32>
    %select_n3A_1166 = arith.select %gt3A_1159, %broadcast_in_dim3A_1165, %select_n3A_1156 : vector<512x128xi1>, vector<512x128xi32>
    %swap3A = arith.constant 0 : index
    %swap3A_1167 = arith.constant 0 : index
    %swap3A_1168 = vector.load %arg4[%swap3A, %swap3A_1167] : memref<512x128xf32, #tpu.memory_space<vmem>>, vector<512x128xf32>
    tpu.vector_store %arg4[%swap3A, %swap3A_1167], %select_n3A_1160 {strides = array<i32>} : memref<512x128xf32, #tpu.memory_space<vmem>>, vector<512x128xf32>,
    %swap3A_1169 = arith.constant 0 : index
    %swap3A_1170 = arith.constant 0 : index
    %swap3A_1171 = vector.load %arg5[%swap3A_1169, %swap3A_1170] : memref<512x128xi32, #tpu.memory_space<vmem>>, vector<512x128xi32>
    tpu.vector_store %arg5[%swap3A_1169, %swap3A_1170], %select_n3A_1166 {strides = array<i32>} : memref<512x128xi32, #tpu.memory_space<vmem>>, vector<512x128xi32>,
    %eq3A_1172 = arith.constant 48 : i32
    %eq3A_1173 = arith.cmpi eq, %arg1, %eq3A_1172 : i32
    %convert_element_type3A_1174 = arith.extui %eq3A_1173 : i1 to i32
    %cond3A_1175 = arith.constant 0 : i32
    %cond3A_1176 = arith.cmpi ne, %convert_element_type3A_1174, %cond3A_1175 : i32
    scf.if %cond3A_1176 {
      %get3A_1177 = arith.constant 0 : index
      %get3A_1178 = arith.constant 0 : index
      %get3A_1179 = vector.load %arg4[%get3A_1177, %get3A_1178] : memref<512x128xf32, #tpu.memory_space<vmem>>, vector<512x128xf32>
      %reduce_max3A = arith.constant dense<0xFF800000> : vector<512xf32>
      %reduce_max3A_1180 = vector.multi_reduction <maximumf>, %get3A_1179, %reduce_max3A [1] : vector<512x128xf32> to vector<512xf32>
      %iota3A_1181 = tpu.iota {dimensions = array<i32: 1>} : vector<512x128xi32>
      %get3A_1182 = arith.constant 0 : index
      %get3A_1183 = arith.constant 0 : index
      %get3A_1184 = vector.load %arg5[%get3A_1182, %get3A_1183] : memref<512x128xi32, #tpu.memory_space<vmem>>, vector<512x128xi32>
      %mul3A_1185 = arith.constant 128 : i32
      %mul3A_1186 = vector.broadcast %mul3A_1185 : i32 to vector<512x128xi32>
      %mul3A_1187 = arith.muli %get3A_1184, %mul3A_1186 : vector<512x128xi32>
      %add3A_1188 = arith.addi %mul3A_1187, %iota3A_1181 : vector<512x128xi32>
      %broadcast_in_dim3A_1189 = vector.shape_cast %reduce_max3A_1180 : vector<512xf32> to vector<512x1xf32>
      %eq3A_1190 = vector.broadcast %broadcast_in_dim3A_1189 : vector<512x1xf32> to vector<512x128xf32>
      %eq3A_1191 = arith.cmpf oeq, %get3A_1179, %eq3A_1190 : vector<512x128xf32>
      %jit3A = arith.constant 2147483647 : i32
      %broadcast_in_dim3A_1192 = vector.broadcast %jit3A : i32 to vector<512x128xi32>
      %select_n3A_1193 = arith.select %eq3A_1191, %add3A_1188, %broadcast_in_dim3A_1192 : vector<512x128xi1>, vector<512x128xi32>
      %reduce_min3A = arith.constant dense<2147483647> : vector<512xi32>
      %reduce_min3A_1194 = vector.multi_reduction <minsi>, %select_n3A_1193, %reduce_min3A [1] : vector<512x128xi32> to vector<512xi32>
      %swap3A_1195 = arith.constant 0 : index
      %swap3A_1196 = vector.load %arg3[%swap3A_1195] : memref<512xi32, #tpu.memory_space<vmem>>, vector<512xi32>
      tpu.vector_store %arg3[%swap3A_1195], %reduce_min3A_1194 {strides = array<i32>} : memref<512xi32, #tpu.memory_space<vmem>>, vector<512xi32>,
    } else {
    }
    return
  }
  func.func @transform_0(%arg0: i32, %arg1: i32) -> (i32, i32) {
    %c0_i32 = arith.constant 0 : i32
    %c0_i32_0 = arith.constant 0 : i32
    return %arg1, %c0_i32 : i32, i32
  }
  func.func @transform_1(%arg0: i32, %arg1: i32) -> i32 {
    %c0_i32 = arith.constant 0 : i32
    return %arg0 : i32
  }
}

</mosaic_0001>

<sc_bundles>
// kernel: kernel.6.cloned.1.call-start
scs
__scs_entry_jumppad:
0x0: {  	(pc) =	sbr.rel $0x88, $3  }
0x1: {  	(tag) =	ssettag $0x0;
	lr =	simm.s32 $0x1  }
0x2: {  	[smem:$0x3F98] =	sst lr;
	_ =	strace $0xD0000000  }
0x3: {  	_ = 	snop  }
0x4: {  	_ = 	snop  }
0x5: {  	_ = 	snop  }
0x6: {  	_ = 	snop  }
0x7: {  	_ = 	snop  }
__scs_overlays_trampoline_lowered:
0x8: {  	[smem:$0x3FA7] =	sst s0  }
0x9: {  	[smem:$0x3FA8] =	sst s1  }
0xa: {  	[smem:$0x3FA9] =	sst s2  }
0xb: {  	[smem:$0x3FAA] =	sst s3  }
0xc: {  	[smem:$0x3FAB] =	sst s4  }
0xd: {  	[smem:$0x3FAC] =	sst s5  }
0xe: {  	[smem:$0x3FAD] =	sst s6  }
0xf: {  	[smem:$0x3FAE] =	sst s7  }
0x10: {  	[smem:$0x3FAF] =	sst s8  }
0x11: {  	[smem:$0x3FB0] =	sst s9;
	s0 =	simm.s32 @!p0 $0x0  }
0x12: {  	s1 =	sld [smem:$0x3F96];
	s0 =	simm.s32 @p0 $0x1  }
0x13: {  	[smem:$0x3FB1] =	sst s0;
	s0 =	simm.s32 @!p1 $0x0  }
0x14: {  	s2 =	sld [smem:$0x3F95];
	s0 =	simm.s32 @p1 $0x1  }
0x15: {  	[smem:$0x3FB2] =	sst s0;
	s0 =	simm.s32 @!p2 $0x0  }
0x16: {  	s3 =	sld [smem:$0x3FDB];
	s0 =	simm.s32 @p2 $0x1  }
0x17: {  	s4 =	simm.s32 $0x1BF5;
	[smem:$0x3FB4] =	sst s0  }
0x18: {  	s0 =	sld [smem:$0x3F97];
	_ =	swait.ge [sflag:s4], $0x0  }
0x19: {  	s7 =	sld [smem:$0x3F98]  }
0x1a: {  	s8 =	sadd.s32 $0xFFFFE003, lr  }
0x1b: {  	s9 =	sadd.s32 $0xFFFFFEF7, lr;
	s5 =	simm.s32 $0xFFFFFFFF;
	p2 =	slt.u32 s8, $0xFFFFF086  }
0x1c: {  	p1 =	slt.u32 s9, $0xF7A;
	s5 =	simm.s32 @!p2 $0x0  }
0x1d: {  	s5 =	simm.s32 @p1 $0x1;
	p0 =	seq.s32 s7, s2  }
0x1e: {  	s7 =	smul.u32 @!p0 $0xF7A, s2;
	p2 =	seq.s32 @!p0 s5, $0x0  }
0x1f: {  	s9 =	smul.u32 $0xF7A, s1;
	s8 =	simm.s32 @!p0 $0x1BF5;
	p2 =	por !p2, p0  }
0x20: {  	[sflag:s8] =	ssyncset.s32 @!p0 $0xFFFFF086;
	s6 =	sadd.s32 @!p0 s3, s7;
	s7 =	simm.s32 @!p0 $0x108  }
0x21: {  	s3 =	sadd.s32 s3, s9;
	s6 =	sadd.s32 @!p0 $0x88, s6;
	s7 =	simm.s32 @p2 $0x1082  }
0x22: {  	[simem:s7], [sflag:s8] =	dma.local @!p0 [hbm:s6], $0xF7A  }
0x23: {  	s9 =	sor.u32 $0xD0000000, s2;
	s6 =	simm.s32 $0x108;
	_ =	swait.ge @!p0 [sflag:s8], $0x0  }
0x24: {  	s3 =	sadd.s32 $0x88, s3;
	s6 =	simm.s32 @!p1 $0x1082;
	[sflag:s4] =	ssyncset.s32 $0xFFFFF086  }
0x25: {  	[simem:s6], [sflag:s4] =	dma.local [hbm:s3], $0xF7A  }
0x26: {  	[smem:$0x3F98] =	sst s1;
	(tag) =	ssettag s2;
	_ =	strace s9  }
0x27: {  	s1 =	sld [smem:$0x3FA8]  }
0x28: {  	s2 =	sld [smem:$0x3FA9]  }
0x29: {  	s4 =	sld [smem:$0x3FAB]  }
0x2a: {  	p0 =	seq.s32 s5, $0x0;
	s5 =	sld [smem:$0x3FAC]  }
0x2b: {  	s6 =	sld [smem:$0x3FAD]  }
0x2c: {  	s7 =	sld [smem:$0x3FAE]  }
0x2d: {  	s3 =	simm.s32 $0x108;
	s8 =	sld [smem:$0x3FAF]  }
0x2e: {  	s3 =	simm.s32 @!p0 $0x1082;
	s9 =	sld [smem:$0x3FB0]  }
0x2f: {  	lr =	sadd.s32 s0, s3;
	s0 =	sld [smem:$0x3FA7]  }
0x30: {  	s3 =	sld [smem:$0x3FAA]  }
0x31: {  	[smem:$0x3FB3] =	sst s10  }
0x32: {  	s10 =	sld [smem:$0x3FB1];
	_ =	sdelay $0x3  }
0x33: {  	p0 =	seq.s32 s10, $0x1;
	s10 =	sld [smem:$0x3FB3];
	_ =	sdelay $0x3  }
0x34: {  	[smem:$0x3FB3] =	sst s10  }
0x35: {  	s10 =	sld [smem:$0x3FB2];
	_ =	sdelay $0x3  }
0x36: {  	p1 =	seq.s32 s10, $0x1;
	s10 =	sld [smem:$0x3FB3];
	_ =	sdelay $0x3  }
0x37: {  	[smem:$0x3FB3] =	sst s10  }
0x38: {  	s10 =	sld [smem:$0x3FB4]  }
0x39: {  	_ = 	snop;
	(pc) =	sbr.ind lr, $3  }
0x3a: {  	_ = 	snop  }
0x3b: {  	_ = 	snop  }
0x3c: {  	p2 =	seq.s32 s10, $0x1;
	s10 =	sld [smem:$0x3FB3]  }
0x3d: {  	_ =	shalt  }
0x3e: {  	_ =	shalt  }
0x3f: {  	_ =	shalt  }
0x40: {  	_ =	shalt  }
0x41: {  	_ =	shalt  }
0x42: {  	_ =	shalt  }
0x43: {  	_ =	shalt  }
0x44: {  	_ =	shalt  }
0x45: {  	_ =	shalt  }
0x46: {  	_ =	shalt  }
0x47: {  	_ =	shalt  }
0x48: {  	_ =	shalt  }
0x49: {  	_ =	shalt  }
0x4a: {  	_ =	shalt  }
0x4b: {  	_ =	shalt  }
0x4c: {  	_ =	shalt  }
0x4d: {  	_ =	shalt  }
0x4e: {  	_ =	shalt  }
0x4f: {  	_ =	shalt  }
0x50: {  	_ =	shalt  }
0x51: {  	_ =	shalt  }
0x52: {  	_ =	shalt  }
0x53: {  	_ =	shalt  }
0x54: {  	_ =	shalt  }
0x55: {  	_ =	shalt  }
0x56: {  	_ =	shalt  }
0x57: {  	_ =	shalt  }
0x58: {  	_ =	shalt  }
0x59: {  	_ =	shalt  }
0x5a: {  	_ =	shalt  }
0x5b: {  	_ =	shalt  }
0x5c: {  	_ =	shalt  }
0x5d: {  	_ =	shalt  }
0x5e: {  	_ =	shalt  }
0x5f: {  	_ =	shalt  }
0x60: {  	_ =	shalt  }
0x61: {  	_ =	shalt  }
0x62: {  	_ =	shalt  }
0x63: {  	_ =	shalt  }
0x64: {  	_ =	shalt  }
0x65: {  	_ =	shalt  }
0x66: {  	_ =	shalt  }
0x67: {  	_ =	shalt  }
0x68: {  	_ =	shalt  }
0x69: {  	_ =	shalt  }
0x6a: {  	_ =	shalt  }
0x6b: {  	_ =	shalt  }
0x6c: {  	_ =	shalt  }
0x6d: {  	_ =	shalt  }
0x6e: {  	_ =	shalt  }
0x6f: {  	_ =	shalt  }
0x70: {  	_ =	shalt  }
0x71: {  	_ =	shalt  }
0x72: {  	_ =	shalt  }
0x73: {  	_ =	shalt  }
0x74: {  	_ =	shalt  }
0x75: {  	_ =	shalt  }
0x76: {  	_ =	shalt  }
0x77: {  	_ =	shalt  }
0x78: {  	_ =	shalt  }
0x79: {  	_ =	shalt  }
0x7a: {  	_ =	shalt  }
0x7b: {  	_ =	shalt  }
0x7c: {  	_ =	shalt  }
0x7d: {  	_ =	shalt  }
0x7e: {  	_ =	shalt  }
0x7f: {  	_ =	shalt  }
0x80: {  	_ =	shalt  }
0x81: {  	_ =	shalt  }
0x82: {  	_ =	shalt  }
0x83: {  	_ =	shalt  }
0x84: {  	_ =	shalt  }
0x85: {  	_ =	shalt  }
0x86: {  	_ =	shalt  }
0x87: {  	_ =	shalt  }
.Lfunc_end0:
.L_simem_size_0:
called_computation_lowered:
.L_overlay_start_0:
0x88: {  	s2 =	sld [smem:$0x3FD9]  }
0x89: {  	s3 =	sld [smem:$0x3FFE];
	_ =	sdelay $0x1  }
0x8a: {  	s1 =	srdreg.scid  }
0x8b: {  	s0 =	sand.u32 $0x1, s1  }
0x8c: {  	s14 =	sshll.u32 s0, $0xA;
	s2 =	sadd.s32 s3, s2  }
0x8d: {  	s2 =	sadd.s32 s2, s14  }
0x8e: {  	[smem:$0x3FBF] =	sst s2  }
0x8f: {  	_ = 	snop  }
0x90: {  	s2 =	sld [smem:$0x3FD0];
	_ =	sdelay $0x2  }
0x91: {  	s15 =	simm.s32 $0xA;
	s4 =	simm.s32 $0x10  }
0x92: {  	[smem:s4], [sflag:s15] =	dma.local [hbm:s2], $0x1  }
0x93: {  	_ =	swait.eq [sflag:s15], $0x1  }
0x94: {  	[sflag:s15] =	ssyncset.done $0x0  }
0x95: {  	[sflag:s15] =	ssyncadd.s32 $0xFFFFFFFF  }
0x96: {  	s16 =	sld [smem:$0x15];
	(tm) =	ssettm $0x1  }
0x97: {  	s17 =	sld [smem:$0x3FFB];
	_ =	sdelay $0x3  }
0x98: {  	_ =	strace s17  }
0x99: {  	s3 =	sld [smem:$0x3FFC];
	_ =	sdelay $0x3  }
0x9a: {  	_ =	strace s3  }
0x9b: {  	s3 =	sld [smem:$0x3FFD];
	_ =	sdelay $0x3  }
0x9c: {  	_ =	strace s3  }
0x9d: {  	_ =	strace $0x8FFFFFFF  }
0x9e: {  	s18 =	sld [smem:$0x3FDB];
	_ =	sdelay $0x1  }
0x9f: {  	s19 =	simm.s32 $_scs_section_size  }
0xa0: {  	s5 =	simm.s32 $_size__tile_overlayer_lowered;
	s6 =	simm.s32 $_tile_overlayer_lowered  }
0xa1: {  	s22 =	simm.s32 $0x1BFF;
	s21 =	sshll.u32 s6, $0x1;
	s3 =	sadd.s32 s19, s18  }
0xa2: {  	s7 =	simm.s32 $0x0;
	s20 =	sshll.u32 s5, $0x1;
	s5 =	sadd.s32 s21, s3  }
0xa3: {  	[timem:s7], [sflag:s22] =	dma.local [hbm:s5], s20  }
0xa4: {  	_ =	swait.ge [sflag:s22], s20  }
0xa5: {  	s4 =	ssub.s32 $0x0, s20;
	[sflag:s22] =	ssyncset.done $0x0  }
0xa6: {  	[sflag:s22] =	ssyncadd.s32 s4;
	_ =	sdelay $0x1  }
0xa7: {  	s23 =	simm.s32 $0x1B8B  }
0xa8: {  	_ =	swait.ge [sflag:s23], $0x1  }
0xa9: {  	[sflag:s23] =	ssyncset.done $0x0  }
0xaa: {  	s25 =	simm.s32 $0x1B8E;
	s24 =	sld [smem:$0x3FFE];
	[sflag:s23] =	ssyncadd.s32 $0xFFFFFFFF  }
0xab: {  	s26 =	simm.s32 $execute0_lowered;
	[smem:$0x3FD2] =	sst s25  }
0xac: {  	s5 =	sshll.u32 s26, $0x1;
	_ =	strace $0x80000046;
	[dreg:$0x1] =	wrdreg $0xFFFFFFFF  }
0xad: {  	s28 =	simm.s32 $_size_execute0_lowered;
	s3 =	sadd.s32 s3, s5;
	[dreg:$0x0] =	wrdreg $0x0  }
0xae: {  	s5 =	sshll.u32 s28, $0x1;
	[dreg:$0x2] =	wrdreg s3  }
0xaf: {  	[dreg:$0x3] =	wrdreg s5  }
0xb0: {  	[dreg:$0x4] =	wrdreg $0xC0  }
0xb1: {  	_ =	task [dreg:s7], $0x5FFFF  }
0xb2: {  	[dreg:$0x1] =	wrdreg $0xFFFFFFFF  }
0xb3: {  	[dreg:$0x0] =	wrdreg $0x60  }
0xb4: {  	[dreg:$0x2] =	wrdreg s16  }
0xb5: {  	[dreg:$0x3] =	wrdreg s24  }
0xb6: {  	[dreg:$0x4] =	wrdreg $0x9  }
0xb7: {  	_ =	task.clear_ibuf [dreg:s7], $0x5FFFF;
	_ =	strace $0x90000046  }
0xb8: {  	s29 =	simm.s32 $0x9;
	_ =	strace $0x80000048  }
0xb9: {  	_ =	swait.ge [sflag:s29], $0x1  }
0xba: {  	[sflag:s29] =	ssyncadd.s32 $0xFFFFFFFF  }
0xbb: {  	_ =	strace $0x90000048  }
0xbc: {  	_ =	sfence  }
0xbd: {  	s30 =	sld [smem:$0x0];
	_ =	sdelay $0x2  }
0xbe: {  	s31 =	sshll.u32 s1, $0xD;
	s1 =	sshrl.u32 s1, $0x2  }
0xbf: {  	s3 =	sand.u32 $0x4000, s31;
	s1 =	sadd.s32 s1, s30  }
0xc0: {  	s0 =	sor.u32 s3, s0;
	s1 =	sshll.u32 s1, $0x11  }
0xc1: {  	s0 =	sor.u32 s1, s0  }
0xc2: {  	s0 =	sadd.s32 $0x8F2B, s0  }
0xc3: {  	[sflag:s0] =	ssyncadd.remote.s32 $0x1  }
0xc4: {  	_ =	sfence.sel $0xFFFF  }
0xc5: {  	[dreg:$0x0] =	wrdreg $0xFFFFFFFF;
	(pc) =	sbr.abs _section_cstart, $3  }
0xc6: {  	[dreg:$0x1] =	wrdreg $0xFFFFFFFF  }
0xc7: {  	_ =	task.clear_ibuf [dreg:s7], $0x2FFFF;
	_ =	strace $0x9FFFFFFF  }
0xc8: {  	(tm) =	ssettm $0x7FFFFFFF  }
0xc9: {  	_ =	shalt  }
tec
execute0_lowered:
.L_overlay_start_1:
0x0: {  	(tag) =	ssettag $0x1  }
0x1: {  	s0 =	rddreg [dreg:$0x0]  }
0x2: {  	s4 =	rddreg [dreg:$0x1];
	s1 =	srdreg.scid  }
0x3: {  	s2 =	stileid.u32;
	s5 =	simm.s32 $0x0;
	s1 =	sand.u32 $0x1, s1  }
0x4: {  	v0 =	vimm.s32 $0xECA86420;
	vm0 =	vcmask $0xB08;
	vm1 =	vcmask $0x1310;
	s2 =	sshll.u32 s2, $0x8;
	[smem:$0x7FF] =	sst s5;
	s3 =	sshll.u32 s1, $0x7  }
0x5: {  	vm2 =	vcmask $0x1B18;
	vm3 =	vcmask $0x300;
	vm4 =	vcmask $0x2320;
	s31 =	simm.s32 $0x100;
	_ =	strace $0x80000047;
	s2 =	sor.u32 s3, s2  }
0x6: {  	vm5 =	vcmask $0x2B28;
	vm6 =	vcmask $0x3330;
	vm7 =	vcmask $0x3B38;
	s1 =	ssub.s32 $0x2, s1;
	s3 =	sshll.u32 s2, $0x4;
	s2 =	sshrl.u32 s2, $0x3  }
0x7: {  	v1 =	vlaneseq.u32;
	vm8 =	vmmov $0xff;
	vm9 =	vcmask $0x704;
	[dreg:$0x4] =	wrdreg s31;
	s3 =	sadd.s32 s3, s4;
	s0 =	sadd.s32 s0, s2  }
0x8: {  	vm10 =	vcmask $0xF0C;
	vm11 =	vcmask $0x1714;
	v0 =	vunpack.c.l.s4.s8 v0;
	s28 =	sshrl.u32 s1, $0x1;
	[dreg:$0x3] =	wrdreg s0;
	s29 =	sadd.s32 $0x1400, s3  }
0x9: {  	vm12 =	vcmask $0x1F1C;
	vm13 =	vcmask $0x2724;
	vm14 =	vcmask $0x2F2C;
	s1 =	ssub.s32 s1, s28;
	s30 =	sadd.s32 $0x11400, s3;
	[dreg:$0x5] =	wrdreg s29  }
0xa: {  	vm15 =	vcmask $0x3734;
	v1 =	vmul.u32 $0x2, v1;
	v0 =	vunpack.c.0.s8.s32 v0;
	s1 =	smax.u32 s1, $0x1;
	[dreg:$0x6] =	wrdreg s30  }
.LBB2_1:
0xb: {  	[dreg:$0x7] =	wrdreg s1  }
0xc: {  	s0 =	rddreg [dreg:$0x3];
	s19 =	simm.s32 $0x0;
	s20 =	simm.s32 $0x2  }
0xd: {  	[tilespmem:s19], [sflag:$0x2] =	stream.linear.gather [hbm4b:s0+s19], $0x80, $0x38;
	[tilespmem:$0x8180] =	vst v63  }
0xe: {  	_ =	swait.ge [sflag:s20], $0x80  }
0xf: {  	[sflag:s20] =	ssyncset.done $0x0  }
0x10: {  	[sflag:s20] =	ssyncadd.s32 $0xFFFFFF80  }
0x11: {  	v2 =	vld [tilespmem:$0x0];
	_ =	sdelay $0x4  }
0x12: {  	(v2sf) =	vpush v2, $0xD;
	_ =	sdelay $0x1  }
0x13: {  	(v2sf) =	vpush v2, $0xC;
	_ =	sdelay $0x1  }
0x14: {  	(v2sf) =	vpush v2, $0xE;
	_ =	sdelay $0x1  }
0x15: {  	(v2sf) =	vpush v2, $0xF;
	_ =	sdelay $0x1  }
0x16: {  	(v2sf) =	vpush v2, $0x9;
	_ =	sdelay $0x1  }
0x17: {  	(v2sf) =	vpush v2, $0x8;
	_ =	sdelay $0x1  }
0x18: {  	(v2sf) =	vpush v2, $0xA;
	_ =	sdelay $0x1  }
0x19: {  	(v2sf) =	vpush v2, $0xB  }
0x1a: {  	s21 =	spop (v2sf)  }
0x1b: {  	(v2sf) =	vpush v2, $0x0;
	s22 =	smulhi.u32 $0x67B23A55, s21;
	s0 =	sshra.s32 s21, $0x1F  }
0x1c: {  	s23 =	spop (v2sf);
	s13 =	smul.u32 $0x67B23A55, s0  }
0x1d: {  	(v2sf) =	vpush v2, $0x1;
	s12 =	smulhi.u32 $0x67B23A55, s23;
	s0 =	sshra.s32 s23, $0x1F  }
0x1e: {  	s24 =	spop (v2sf);
	s15 =	smul.u32 $0x67B23A55, s0  }
0x1f: {  	(v2sf) =	vpush v2, $0x2;
	s14 =	smulhi.u32 $0x67B23A55, s24;
	s0 =	sshra.s32 s24, $0x1F  }
0x20: {  	s25 =	spop (v2sf);
	s17 =	smul.u32 $0x67B23A55, s0  }
0x21: {  	(v2sf) =	vpush v2, $0x3;
	s16 =	smulhi.u32 $0x67B23A55, s25;
	s0 =	sshra.s32 s25, $0x1F  }
0x22: {  	s26 =	spop (v2sf);
	s19 =	smul.u32 $0x67B23A55, s0  }
0x23: {  	(v2sf) =	vpush v2, $0x4;
	s18 =	smulhi.u32 $0x67B23A55, s26;
	s0 =	sshra.s32 s26, $0x1F  }
0x24: {  	s28 =	spop (v2sf);
	s21 =	smul.u32 $0x67B23A55, s0  }
0x25: {  	v3 =	vld [tilespmem:$0x10];
	(v2sf) =	vpush v2, $0x5;
	s20 =	smulhi.u32 $0x67B23A55, s28;
	s0 =	sshra.s32 s28, $0x1F  }
0x26: {  	s29 =	spop (v2sf);
	(v2sf) =	vpush v2, $0x6;
	s23 =	smul.u32 $0x67B23A55, s0  }
0x27: {  	[smem:$0x73E] =	sst s22;
	s22 =	smulhi.u32 $0x67B23A55, s29;
	s0 =	sshra.s32 s29, $0x1F  }
0x28: {  	s30 =	spop (v2sf);
	(v2sf) =	vpush v2, $0x7;
	s25 =	smul.u32 $0x67B23A55, s0  }
0x29: {  	s24 =	smulhi.u32 $0x67B23A55, s30;
	s0 =	sshra.s32 s30, $0x1F  }
0x2a: {  	s31 =	spop (v2sf);
	(v2sf) =	vpush v3, $0xD;
	s28 =	smul.u32 $0x67B23A55, s0  }
0x2b: {  	s26 =	smulhi.u32 $0x67B23A55, s31;
	s0 =	sshra.s32 s31, $0x1F  }
0x2c: {  	s1 =	spop (v2sf);
	(v2sf) =	vpush v3, $0xC;
	s6 =	smul.u32 $0x67B23A55, s0  }
0x2d: {  	s29 =	smulhi.u32 $0x67B23A55, s1;
	s0 =	sshra.s32 s1, $0x1F  }
0x2e: {  	s2 =	spop (v2sf);
	s1 =	smul.u32 $0x67B23A55, s0  }
0x2f: {  	s30 =	smulhi.u32 $0x67B23A55, s2;
	s0 =	sshra.s32 s2, $0x1F  }
0x30: {  	(v2sf) =	vpush v3, $0xE;
	s3 =	spop (v2sf);
	s2 =	smul.u32 $0x67B23A55, s0  }
0x31: {  	s31 =	smulhi.u32 $0x67B23A55, s3;
	s0 =	sshra.s32 s3, $0x1F  }
0x32: {  	s5 =	smul.u32 $0x67B23A55, s0;
	s4 =	spop (v2sf)  }
0x33: {  	(v2sf) =	vpush v3, $0xF;
	s3 =	smulhi.u32 $0x67B23A55, s4;
	s0 =	sshra.s32 s4, $0x1F  }
0x34: {  	s7 =	spop (v2sf);
	s8 =	smul.u32 $0x67B23A55, s0  }
0x35: {  	s9 =	smulhi.u32 $0x67B23A55, s7;
	s0 =	sshra.s32 s7, $0x1F;
	s10 =	spop (v2sf)  }
0x36: {  	(v2sf) =	vpush v3, $0x9;
	[smem:$0x73F] =	sst s3;
	s3 =	smul.u32 $0x67B23A55, s0  }
0x37: {  	s4 =	smulhi.u32 $0x67B23A55, s10;
	s0 =	sshra.s32 s10, $0x1F;
	s11 =	spop (v2sf)  }
0x38: {  	[smem:$0x740] =	sst s9;
	s7 =	smul.u32 $0x67B23A55, s0  }
0x39: {  	(v2sf) =	vpush v3, $0x8;
	s9 =	smulhi.u32 $0x67B23A55, s11;
	s0 =	sshra.s32 s11, $0x1F;
	s10 =	spop (v2sf)  }
0x3a: {  	[smem:$0x741] =	sst s4;
	s4 =	smul.u32 $0x67B23A55, s0;
	s0 =	sshra.s32 s10, $0x1F  }
0x3b: {  	s11 =	spop (v2sf);
	s0 =	smul.u32 $0x67B23A55, s0  }
0x3c: {  	(v2sf) =	vpush v3, $0xA;
	[smem:$0x742] =	sst s9;
	s9 =	smulhi.u32 $0x67B23A55, s10  }
0x3d: {  	s10 =	smulhi.u32 $0x67B23A55, s11;
	[smem:$0x744] =	sst s0;
	s0 =	sshra.s32 s11, $0x1F  }
0x3e: {  	s0 =	smul.u32 $0x67B23A55, s0  }
0x3f: {  	(v2sf) =	vpush v3, $0xB;
	[smem:$0x745] =	sst s10;
	s11 =	spop (v2sf)  }
0x40: {  	s10 =	smulhi.u32 $0x67B23A55, s11;
	[smem:$0x746] =	sst s0;
	s0 =	sshra.s32 s11, $0x1F  }
0x41: {  	(v2sf) =	vpush v3, $0x0;
	s0 =	smul.u32 $0x67B23A55, s0  }
0x42: {  	[smem:$0x747] =	sst s10;
	s11 =	spop (v2sf)  }
0x43: {  	(v2sf) =	vpush v3, $0x1;
	s10 =	smulhi.u32 $0x67B23A55, s11;
	[smem:$0x748] =	sst s0;
	s0 =	sshra.s32 s11, $0x1F  }
0x44: {  	s0 =	smul.u32 $0x67B23A55, s0  }
0x45: {  	[smem:$0x749] =	sst s10;
	s11 =	spop (v2sf)  }
0x46: {  	s10 =	smulhi.u32 $0x67B23A55, s11;
	[smem:$0x74A] =	sst s0;
	s0 =	sshra.s32 s11, $0x1F  }
0x47: {  	(v2sf) =	vpush v3, $0x2;
	s0 =	smul.u32 $0x67B23A55, s0  }
0x48: {  	s11 =	spop (v2sf);
	[smem:$0x74B] =	sst s10  }
0x49: {  	s10 =	smulhi.u32 $0x67B23A55, s11;
	[smem:$0x74C] =	sst s0;
	s0 =	sshra.s32 s11, $0x1F  }
0x4a: {  	s0 =	smul.u32 $0x67B23A55, s0  }
0x4b: {  	(v2sf) =	vpush v3, $0x3;
	[smem:$0x74D] =	sst s10;
	s11 =	spop (v2sf)  }
0x4c: {  	s10 =	smulhi.u32 $0x67B23A55, s11;
	[smem:$0x74E] =	sst s0;
	s0 =	sshra.s32 s11, $0x1F  }
0x4d: {  	(v2sf) =	vpush v3, $0x4;
	s0 =	smul.u32 $0x67B23A55, s0  }
0x4e: {  	[smem:$0x74F] =	sst s10;
	s11 =	spop (v2sf)  }
0x4f: {  	s10 =	smulhi.u32 $0x67B23A55, s11;
	[smem:$0x750] =	sst s0;
	s0 =	sshra.s32 s11, $0x1F  }
0x50: {  	s11 =	spop (v2sf);
	s0 =	smul.u32 $0x67B23A55, s0  }
0x51: {  	(v2sf) =	vpush v3, $0x5;
	[smem:$0x751] =	sst s10;
	s10 =	smulhi.u32 $0x67B23A55, s11  }
0x52: {  	[smem:$0x752] =	sst s0;
	s0 =	sshra.s32 s11, $0x1F;
	s11 =	spop (v2sf)  }
0x53: {  	[smem:$0x743] =	sst s9;
	s9 =	smul.u32 $0x67B23A55, s0;
	s0 =	sshra.s32 s11, $0x1F  }
0x54: {  	s0 =	smul.u32 $0x67B23A55, s0  }
0x55: {  	(v2sf) =	vpush v3, $0x6;
	[smem:$0x753] =	sst s10;
	s10 =	smulhi.u32 $0x67B23A55, s11  }
0x56: {  	[smem:$0x755] =	sst s0;
	s0 =	spop (v2sf)  }
0x57: {  	s11 =	smulhi.u32 $0x67B23A55, s0;
	s0 =	sshra.s32 s0, $0x1F  }
0x58: {  	v4 =	vld [tilespmem:$0x20];
	s0 =	smul.u32 $0x67B23A55, s0  }
0x59: {  	(v2sf) =	vpush v3, $0x7  }
0x5a: {  	[smem:$0x757] =	sst s0;
	s0 =	spop (v2sf)  }
0x5b: {  	[smem:$0x756] =	sst s11;
	s11 =	smulhi.u32 $0x67B23A55, s0  }
0x5c: {  	[smem:$0x754] =	sst s10;
	s10 =	spop (v2sf)  }
0x5d: {  	(v2sf) =	vpush v4, $0xD;
	[smem:$0x758] =	sst s11;
	s11 =	smulhi.u32 $0x67B23A55, s10;
	s10 =	sshra.s32 s10, $0x1F  }
0x5e: {  	s10 =	smul.u32 $0x67B23A55, s10;
	_ =	sdelay $0x1  }
0x5f: {  	[smem:$0x75A] =	sst s10;
	s10 =	spop (v2sf)  }
0x60: {  	(v2sf) =	vpush v4, $0xC;
	[smem:$0x759] =	sst s11;
	s11 =	smulhi.u32 $0x67B23A55, s10;
	s10 =	sshra.s32 s10, $0x1F  }
0x61: {  	s10 =	smul.u32 $0x67B23A55, s10;
	_ =	sdelay $0x1  }
0x62: {  	[smem:$0x75C] =	sst s10;
	s10 =	spop (v2sf)  }
0x63: {  	(v2sf) =	vpush v4, $0xE;
	[smem:$0x75B] =	sst s11;
	s11 =	smulhi.u32 $0x67B23A55, s10;
	s10 =	sshra.s32 s10, $0x1F  }
0x64: {  	s10 =	smul.u32 $0x67B23A55, s10;
	_ =	sdelay $0x1  }
0x65: {  	[smem:$0x75E] =	sst s10;
	s10 =	spop (v2sf)  }
0x66: {  	(v2sf) =	vpush v4, $0xF;
	[smem:$0x75D] =	sst s11;
	s11 =	smulhi.u32 $0x67B23A55, s10;
	s10 =	sshra.s32 s10, $0x1F  }
0x67: {  	s10 =	smul.u32 $0x67B23A55, s10;
	_ =	sdelay $0x1  }
0x68: {  	[smem:$0x760] =	sst s10;
	s10 =	spop (v2sf)  }
0x69: {  	(v2sf) =	vpush v4, $0x9;
	[smem:$0x75F] =	sst s11;
	s11 =	smulhi.u32 $0x67B23A55, s10;
	s10 =	sshra.s32 s10, $0x1F  }
0x6a: {  	s10 =	smul.u32 $0x67B23A55, s10;
	_ =	sdelay $0x1  }
0x6b: {  	[smem:$0x762] =	sst s10;
	s10 =	spop (v2sf)  }
0x6c: {  	(v2sf) =	vpush v4, $0x8;
	[smem:$0x761] =	sst s11;
	s11 =	smulhi.u32 $0x67B23A55, s10;
	s10 =	sshra.s32 s10, $0x1F  }
0x6d: {  	s10 =	smul.u32 $0x67B23A55, s10;
	_ =	sdelay $0x1  }
0x6e: {  	[smem:$0x764] =	sst s10;
	s10 =	spop (v2sf)  }
0x6f: {  	(v2sf) =	vpush v4, $0xA;
	[smem:$0x763] =	sst s11;
	s11 =	smulhi.u32 $0x67B23A55, s10;
	s10 =	sshra.s32 s10, $0x1F  }
0x70: {  	s10 =	smul.u32 $0x67B23A55, s10;
	_ =	sdelay $0x1  }
0x71: {  	[smem:$0x766] =	sst s10;
	s10 =	spop (v2sf)  }
0x72: {  	(v2sf) =	vpush v4, $0xB;
	[smem:$0x765] =	sst s11;
	s11 =	smulhi.u32 $0x67B23A55, s10;
	s10 =	sshra.s32 s10, $0x1F  }
0x73: {  	s10 =	smul.u32 $0x67B23A55, s10;
	_ =	sdelay $0x1  }
0x74: {  	[smem:$0x768] =	sst s10;
	s10 =	spop (v2sf)  }
0x75: {  	(v2sf) =	vpush v4, $0x0;
	[smem:$0x767] =	sst s11;
	s11 =	smulhi.u32 $0x67B23A55, s10;
	s10 =	sshra.s32 s10, $0x1F  }
0x76: {  	s10 =	smul.u32 $0x67B23A55, s10;
	_ =	sdelay $0x1  }
0x77: {  	[smem:$0x76A] =	sst s10;
	s10 =	spop (v2sf)  }
0x78: {  	(v2sf) =	vpush v4, $0x1;
	[smem:$0x769] =	sst s11;
	s11 =	smulhi.u32 $0x67B23A55, s10;
	s10 =	sshra.s32 s10, $0x1F  }
0x79: {  	s10 =	smul.u32 $0x67B23A55, s10;
	_ =	sdelay $0x1  }
0x7a: {  	[smem:$0x76C] =	sst s10;
	s10 =	spop (v2sf)  }
0x7b: {  	(v2sf) =	vpush v4, $0x2;
	[smem:$0x76B] =	sst s11;
	s11 =	smulhi.u32 $0x67B23A55, s10;
	s10 =	sshra.s32 s10, $0x1F  }
0x7c: {  	s10 =	smul.u32 $0x67B23A55, s10;
	_ =	sdelay $0x1  }
0x7d: {  	[smem:$0x76E] =	sst s10;
	s10 =	spop (v2sf)  }
0x7e: {  	(v2sf) =	vpush v4, $0x3;
	[smem:$0x76D] =	sst s11;
	s11 =	smulhi.u32 $0x67B23A55, s10;
	s10 =	sshra.s32 s10, $0x1F  }
0x7f: {  	s10 =	smul.u32 $0x67B23A55, s10;
	_ =	sdelay $0x1  }
0x80: {  	[smem:$0x770] =	sst s10;
	s10 =	spop (v2sf)  }
0x81: {  	(v2sf) =	vpush v4, $0x4;
	[smem:$0x76F] =	sst s11;
	s11 =	smulhi.u32 $0x67B23A55, s10;
	s10 =	sshra.s32 s10, $0x1F  }
0x82: {  	s10 =	smul.u32 $0x67B23A55, s10;
	_ =	sdelay $0x1  }
0x83: {  	[smem:$0x772] =	sst s10;
	s10 =	spop (v2sf)  }
0x84: {  	(v2sf) =	vpush v4, $0x5;
	[smem:$0x771] =	sst s11;
	s11 =	smulhi.u32 $0x67B23A55, s10;
	s10 =	sshra.s32 s10, $0x1F  }
0x85: {  	s10 =	smul.u32 $0x67B23A55, s10;
	_ =	sdelay $0x1  }
0x86: {  	[smem:$0x774] =	sst s10;
	s10 =	spop (v2sf)  }
0x87: {  	(v2sf) =	vpush v4, $0x6;
	[smem:$0x773] =	sst s11;
	s11 =	smulhi.u32 $0x67B23A55, s10;
	s10 =	sshra.s32 s10, $0x1F  }
0x88: {  	s10 =	smul.u32 $0x67B23A55, s10;
	_ =	sdelay $0x1  }
0x89: {  	v5 =	vld [tilespmem:$0x30];
	[smem:$0x776] =	sst s10;
	s10 =	spop (v2sf)  }
0x8a: {  	(v2sf) =	vpush v4, $0x7;
	[smem:$0x775] =	sst s11;
	s11 =	smulhi.u32 $0x67B23A55, s10;
	s10 =	sshra.s32 s10, $0x1F  }
0x8b: {  	s10 =	smul.u32 $0x67B23A55, s10;
	_ =	sdelay $0x1  }
0x8c: {  	[smem:$0x778] =	sst s10;
	s10 =	spop (v2sf)  }
0x8d: {  	(v2sf) =	vpush v5, $0xD;
	[smem:$0x777] =	sst s11;
	s11 =	smulhi.u32 $0x67B23A55, s10;
	s10 =	sshra.s32 s10, $0x1F  }
0x8e: {  	s10 =	smul.u32 $0x67B23A55, s10;
	_ =	sdelay $0x1  }
0x8f: {  	[smem:$0x77A] =	sst s10;
	s10 =	spop (v2sf)  }
0x90: {  	(v2sf) =	vpush v5, $0xC;
	[smem:$0x779] =	sst s11;
	s11 =	smulhi.u32 $0x67B23A55, s10;
	s10 =	sshra.s32 s10, $0x1F  }
0x91: {  	s10 =	smul.u32 $0x67B23A55, s10;
	_ =	sdelay $0x1  }
0x92: {  	[smem:$0x77C] =	sst s10;
	s10 =	spop (v2sf)  }
0x93: {  	(v2sf) =	vpush v5, $0xE;
	[smem:$0x77B] =	sst s11;
	s11 =	smulhi.u32 $0x67B23A55, s10;
	s10 =	sshra.s32 s10, $0x1F  }
0x94: {  	s10 =	smul.u32 $0x67B23A55, s10;
	_ =	sdelay $0x1  }
0x95: {  	[smem:$0x77E] =	sst s10;
	s10 =	spop (v2sf)  }
0x96: {  	(v2sf) =	vpush v5, $0xF;
	[smem:$0x77D] =	sst s11;
	s11 =	smulhi.u32 $0x67B23A55, s10;
	s10 =	sshra.s32 s10, $0x1F  }
0x97: {  	s10 =	smul.u32 $0x67B23A55, s10;
	_ =	sdelay $0x1  }
0x98: {  	[smem:$0x780] =	sst s10;
	s10 =	spop (v2sf)  }
0x99: {  	(v2sf) =	vpush v5, $0x9;
	[smem:$0x77F] =	sst s11;
	s11 =	smulhi.u32 $0x67B23A55, s10;
	s10 =	sshra.s32 s10, $0x1F  }
0x9a: {  	s10 =	smul.u32 $0x67B23A55, s10;
	_ =	sdelay $0x1  }
0x9b: {  	[smem:$0x782] =	sst s10;
	s10 =	spop (v2sf)  }
0x9c: {  	(v2sf) =	vpush v5, $0x8;
	[smem:$0x781] =	sst s11;
	s11 =	smulhi.u32 $0x67B23A55, s10;
	s10 =	sshra.s32 s10, $0x1F  }
0x9d: {  	s10 =	smul.u32 $0x67B23A55, s10;
	_ =	sdelay $0x1  }
0x9e: {  	[smem:$0x784] =	sst s10;
	s10 =	spop (v2sf)  }
0x9f: {  	(v2sf) =	vpush v5, $0xA;
	[smem:$0x783] =	sst s11;
	s11 =	smulhi.u32 $0x67B23A55, s10;
	s10 =	sshra.s32 s10, $0x1F  }
0xa0: {  	s10 =	smul.u32 $0x67B23A55, s10;
	_ =	sdelay $0x1  }
0xa1: {  	[smem:$0x786] =	sst s10;
	s10 =	spop (v2sf)  }
0xa2: {  	(v2sf) =	vpush v5, $0xB;
	[smem:$0x785] =	sst s11;
	s11 =	smulhi.u32 $0x67B23A55, s10;
	s10 =	sshra.s32 s10, $0x1F  }
0xa3: {  	s10 =	smul.u32 $0x67B23A55, s10;
	_ =	sdelay $0x1  }
0xa4: {  	[smem:$0x788] =	sst s10;
	s10 =	spop (v2sf)  }
0xa5: {  	(v2sf) =	vpush v5, $0x0;
	[smem:$0x787] =	sst s11;
	s11 =	smulhi.u32 $0x67B23A55, s10;
	s10 =	sshra.s32 s10, $0x1F  }
0xa6: {  	s10 =	smul.u32 $0x67B23A55, s10;
	_ =	sdelay $0x1  }
0xa7: {  	[smem:$0x78A] =	sst s10;
	s10 =	spop (v2sf)  }
0xa8: {  	[smem:$0x789] =	sst s11;
	s11 =	smulhi.u32 $0x67B23A55, s10;
	s10 =	sshra.s32 s10, $0x1F  }
0xa9: {  	s10 =	smul.u32 $0x67B23A55, s10;
	_ =	sdelay $0x1  }
0xaa: {  	(v2sf) =	vpush v5, $0x1;
	[smem:$0x78C] =	sst s10;
	s10 =	spop (v2sf)  }
0xab: {  	[smem:$0x78B] =	sst s11;
	s11 =	smulhi.u32 $0x67B23A55, s10;
	s10 =	sshra.s32 s10, $0x1F  }
0xac: {  	s12 =	sadd.s32 s15, s12;
	(v2sf) =	vpush v5, $0x2;
	s10 =	smul.u32 $0x67B23A55, s10  }
0xad: {  	[smem:$0x7B8] =	sst s12;
	(v2sf) =	vpush v5, $0x3  }
0xae: {  	s15 =	sadd.s32 s17, s14;
	(v2sf) =	vpush v5, $0x4;
	[smem:$0x78E] =	sst s10;
	s10 =	spop (v2sf)  }
0xaf: {  	(v2sf) =	vpush v5, $0x5;
	[smem:$0x78D] =	sst s11;
	s11 =	smulhi.u32 $0x67B23A55, s10;
	s10 =	sshra.s32 s10, $0x1F  }
0xb0: {  	[smem:$0x7BA] =	sst s15;
	s17 =	sadd.s32 s19, s16;
	s10 =	smul.u32 $0x67B23A55, s10  }
0xb1: {  	[smem:$0x7BC] =	sst s17  }
0xb2: {  	[smem:$0x790] =	sst s10;
	s10 =	spop (v2sf)  }
0xb3: {  	s18 =	sadd.s32 s21, s18;
	[smem:$0x78F] =	sst s11;
	s11 =	smulhi.u32 $0x67B23A55, s10  }
0xb4: {  	v7 =	vld [tilespmem:$0x40];
	[smem:$0x7C0] =	sst s18  }
0xb5: {  	[smem:$0x791] =	sst s11  }
0xb6: {  	s21 =	sadd.s32 s23, s20;
	s11 =	sld [smem:$0x73E]  }
0xb7: {  	[smem:$0x7BE] =	sst s21;
	s22 =	sadd.s32 s25, s22;
	(v2sf) =	vpush v5, $0x6  }
0xb8: {  	[smem:$0x7C2] =	sst s22;
	s25 =	sadd.s32 s28, s24;
	(v2sf) =	vpush v5, $0x7;
	s10 =	sshra.s32 s10, $0x1F  }
0xb9: {  	(v2sf) =	vpush v7, $0xD;
	s11 =	sadd.s32 s13, s11;
	s13 =	smul.u32 $0x67B23A55, s10;
	s10 =	spop (v2sf)  }
0xba: {  	[smem:$0x7C4] =	sst s25;
	(v2sf) =	vpush v7, $0xC;
	s12 =	smulhi.u32 $0x67B23A55, s10;
	s10 =	sshra.s32 s10, $0x1F  }
0xbb: {  	s6 =	sadd.s32 s6, s26;
	s15 =	smul.u32 $0x67B23A55, s10;
	s10 =	spop (v2sf);
	(v2sf) =	vpush v7, $0xE  }
0xbc: {  	[smem:$0x7B9] =	sst s6;
	s19 =	spop (v2sf);
	(v2sf) =	vpush v7, $0xF  }
0xbd: {  	s1 =	sadd.s32 s1, s29;
	[smem:$0x7B6] =	sst s11;
	s23 =	spop (v2sf);
	(v2sf) =	vpush v7, $0x9  }
0xbe: {  	s2 =	sadd.s32 s2, s30;
	s6 =	spop (v2sf);
	[smem:$0x7BB] =	sst s1  }
0xbf: {  	s30 =	sadd.s32 s5, s31;
	s14 =	smulhi.u32 $0x67B23A55, s10;
	[smem:$0x7BD] =	sst s2  }
0xc0: {  	s10 =	sshra.s32 s10, $0x1F;
	s15 =	sadd.s32 s15, s12;
	[smem:$0x7BF] =	sst s30  }
0xc1: {  	s17 =	smul.u32 $0x67B23A55, s10;
	[smem:$0x7EA] =	sst s15  }
0xc2: {  	s16 =	smulhi.u32 $0x67B23A55, s19;
	s10 =	sshra.s32 s19, $0x1F;
	s31 =	sld [smem:$0x73F]  }
0xc3: {  	s18 =	smul.u32 $0x67B23A55, s10;
	s21 =	sld [smem:$0x740]  }
0xc4: {  	s11 =	smulhi.u32 $0x67B23A55, s23;
	s10 =	sshra.s32 s23, $0x1F;
	s23 =	sld [smem:$0x741]  }
0xc5: {  	s19 =	smulhi.u32 $0x67B23A55, s6;
	s25 =	sld [smem:$0x742]  }
0xc6: {  	s28 =	sshra.s32 s6, $0x1F;
	s29 =	spop (v2sf);
	s26 =	sld [smem:$0x743]  }
0xc7: {  	s30 =	sld [smem:$0x745];
	s6 =	smul.u32 $0x67B23A55, s28  }
0xc8: {  	s1 =	sshra.s32 s29, $0x1F;
	s20 =	spop (v2sf);
	s28 =	sld [smem:$0x744]  }
0xc9: {  	s22 =	smulhi.u32 $0x67B23A55, s20;
	s2 =	sadd.s32 s8, s31;
	s31 =	sld [smem:$0x746]  }
0xca: {  	s8 =	smul.u32 $0x67B23A55, s1;
	s1 =	sshra.s32 s20, $0x1F;
	s20 =	sld [smem:$0x747]  }
0xcb: {  	[smem:$0x7C1] =	sst s2  }
0xcc: {  	[smem:$0x792] =	sst s22  }
0xcd: {  	s2 =	sadd.s32 s3, s21;
	s21 =	sld [smem:$0x748]  }
0xce: {  	[smem:$0x7C3] =	sst s2  }
0xcf: {  	s24 =	spop (v2sf);
	s2 =	sadd.s32 s7, s23;
	s23 =	sld [smem:$0x749]  }
0xd0: {  	s7 =	smul.u32 $0x67B23A55, s1;
	s1 =	sshra.s32 s24, $0x1F;
	[smem:$0x7C5] =	sst s2  }
0xd1: {  	s2 =	sadd.s32 s4, s25;
	s4 =	smulhi.u32 $0x67B23A55, s24;
	s24 =	sld [smem:$0x74A]  }
0xd2: {  	[smem:$0x7B7] =	sst s2  }
0xd3: {  	s2 =	sadd.s32 s28, s26;
	s26 =	sld [smem:$0x74B]  }
0xd4: {  	s1 =	smul.u32 $0x67B23A55, s1;
	s28 =	sld [smem:$0x74C]  }
0xd5: {  	[smem:$0x7C7] =	sst s2  }
0xd6: {  	[smem:$0x793] =	sst s1  }
0xd7: {  	s2 =	sadd.s32 s31, s30;
	s30 =	sld [smem:$0x74D]  }
0xd8: {  	s31 =	sld [smem:$0x74E]  }
0xd9: {  	[smem:$0x7C9] =	sst s2  }
0xda: {  	s2 =	sadd.s32 s21, s20;
	s21 =	sld [smem:$0x74F]  }
0xdb: {  	s5 =	smulhi.u32 $0x67B23A55, s29;
	[smem:$0x7CA] =	sst s2  }
0xdc: {  	s29 =	spop (v2sf);
	s2 =	sadd.s32 s24, s23;
	s24 =	sld [smem:$0x751]  }
0xdd: {  	s3 =	smulhi.u32 $0x67B23A55, s29;
	[smem:$0x7CC] =	sst s2  }
0xde: {  	s2 =	sadd.s32 s28, s26;
	s28 =	sld [smem:$0x753]  }
0xdf: {  	[smem:$0x794] =	sst s3  }
0xe0: {  	s1 =	sshra.s32 s29, $0x1F;
	[smem:$0x7CF] =	sst s2  }
0xe1: {  	(v2sf) =	vpush v7, $0x8;
	s1 =	smul.u32 $0x67B23A55, s1;
	s2 =	sadd.s32 s31, s30;
	s30 =	sld [smem:$0x754]  }
0xe2: {  	s31 =	sld [smem:$0x755]  }
0xe3: {  	s22 =	spop (v2sf);
	[smem:$0x795] =	sst s1  }
0xe4: {  	s25 =	smulhi.u32 $0x67B23A55, s22;
	[smem:$0x7CE] =	sst s2  }
0xe5: {  	s29 =	spop (v2sf);
	s1 =	sshra.s32 s22, $0x1F;
	s22 =	sld [smem:$0x750]  }
0xe6: {  	(v2sf) =	vpush v7, $0xA;
	s20 =	smulhi.u32 $0x67B23A55, s29;
	[smem:$0x796] =	sst s25  }
0xe7: {  	s23 =	spop (v2sf);
	s25 =	sld [smem:$0x752]  }
0xe8: {  	s1 =	smul.u32 $0x67B23A55, s1;
	[smem:$0x798] =	sst s20  }
0xe9: {  	s26 =	smulhi.u32 $0x67B23A55, s23;
	s20 =	sld [smem:$0x756]  }
0xea: {  	[smem:$0x797] =	sst s1  }
0xeb: {  	[smem:$0x79A] =	sst s26  }
0xec: {  	s2 =	sadd.s32 s22, s21;
	s21 =	sld [smem:$0x757]  }
0xed: {  	s26 =	sld [smem:$0x759]  }
0xee: {  	s1 =	sshra.s32 s29, $0x1F;
	[smem:$0x7D1] =	sst s2;
	s2 =	sadd.s32 s25, s24  }
0xef: {  	s1 =	smul.u32 $0x67B23A55, s1;
	[smem:$0x7D3] =	sst s2  }
0xf0: {  	s29 =	spop (v2sf);
	s2 =	sadd.s32 s9, s28;
	s28 =	sld [smem:$0x75A]  }
0xf1: {  	s3 =	smulhi.u32 $0x67B23A55, s29;
	[smem:$0x799] =	sst s1  }
0xf2: {  	[smem:$0x7C8] =	sst s2  }
0xf3: {  	(v2sf) =	vpush v7, $0xB;
	[smem:$0x79B] =	sst s3  }
0xf4: {  	s1 =	sshra.s32 s23, $0x1F;
	s23 =	sld [smem:$0x758]  }
0xf5: {  	s22 =	spop (v2sf);
	s2 =	sadd.s32 s31, s30;
	s30 =	sld [smem:$0x75B]  }
0xf6: {  	s24 =	smulhi.u32 $0x67B23A55, s22;
	s31 =	sld [smem:$0x75C]  }
0xf7: {  	(v2sf) =	vpush v7, $0x0;
	[smem:$0x7CB] =	sst s2  }
0xf8: {  	[smem:$0x79C] =	sst s24  }
0xf9: {  	s2 =	sadd.s32 s21, s20;
	s20 =	sld [smem:$0x75D]  }
0xfa: {  	s21 =	sld [smem:$0x75E]  }
0xfb: {  	s0 =	sshra.s32 s0, $0x1F;
	s24 =	sld [smem:$0x760]  }
0xfc: {  	s9 =	smul.u32 $0x67B23A55, s1;
	s1 =	sshra.s32 s29, $0x1F;
	[smem:$0x7CD] =	sst s2  }
0xfd: {  	s3 =	smul.u32 $0x67B23A55, s1;
	s1 =	sadd.s32 s28, s26;
	s26 =	sld [smem:$0x761]  }
0xfe: {  	s0 =	smul.u32 $0x67B23A55, s0;
	s28 =	sld [smem:$0x762]  }
0xff: {  	[smem:$0x7D2] =	sst s1  }
0x100: {  	s0 =	sadd.s32 s0, s23;
	s23 =	sld [smem:$0x75F]  }
0x101: {  	s1 =	sadd.s32 s31, s30;
	s30 =	sld [smem:$0x763]  }
0x102: {  	s29 =	spop (v2sf);
	s31 =	sld [smem:$0x764]  }
0x103: {  	(v2sf) =	vpush v7, $0x1;
	s2 =	smulhi.u32 $0x67B23A55, s29;
	[smem:$0x7D0] =	sst s0  }
0x104: {  	[smem:$0x7D4] =	sst s1  }
0x105: {  	s25 =	sshra.s32 s22, $0x1F;
	[smem:$0x79E] =	sst s2  }
0x106: {  	s22 =	spop (v2sf);
	s1 =	sadd.s32 s21, s20;
	s20 =	sld [smem:$0x765]  }
0x107: {  	s0 =	smul.u32 $0x67B23A55, s25;
	s21 =	sld [smem:$0x766]  }
0x108: {  	s25 =	smulhi.u32 $0x67B23A55, s22;
	[smem:$0x7D5] =	sst s1  }
0x109: {  	[smem:$0x79D] =	sst s0  }
0x10a: {  	[smem:$0x7A0] =	sst s25  }
0x10b: {  	s1 =	sadd.s32 s24, s23;
	s23 =	sld [smem:$0x767]  }
0x10c: {  	(v2sf) =	vpush v7, $0x2;
	s24 =	sld [smem:$0x768]  }
0x10d: {  	[smem:$0x7C6] =	sst s1  }
0x10e: {  	s1 =	sadd.s32 s28, s26;
	s26 =	sld [smem:$0x769]  }
0x10f: {  	s28 =	sld [smem:$0x76A]  }
0x110: {  	s0 =	sshra.s32 s29, $0x1F;
	[smem:$0x7D9] =	sst s1  }
0x111: {  	s0 =	smul.u32 $0x67B23A55, s0;
	s1 =	sadd.s32 s31, s30;
	s30 =	sld [smem:$0x76B]  }
0x112: {  	s29 =	spop (v2sf);
	s31 =	sld [smem:$0x76C]  }
0x113: {  	s2 =	smulhi.u32 $0x67B23A55, s29;
	[smem:$0x79F] =	sst s0  }
0x114: {  	[smem:$0x7D8] =	sst s1  }
0x115: {  	[smem:$0x7A2] =	sst s2  }
0x116: {  	s1 =	sadd.s32 s21, s20;
	s20 =	sld [smem:$0x76D]  }
0x117: {  	(v2sf) =	vpush v7, $0x3;
	s21 =	sld [smem:$0x76E]  }
0x118: {  	[smem:$0x7DB] =	sst s1  }
0x119: {  	s1 =	sadd.s32 s24, s23;
	s23 =	sld [smem:$0x76F]  }
0x11a: {  	s24 =	sld [smem:$0x770]  }
0x11b: {  	s0 =	sshra.s32 s22, $0x1F;
	s22 =	spop (v2sf);
	[smem:$0x7DC] =	sst s1  }
0x11c: {  	s0 =	smul.u32 $0x67B23A55, s0;
	s1 =	sadd.s32 s28, s26;
	s26 =	sld [smem:$0x771]  }
0x11d: {  	s25 =	smulhi.u32 $0x67B23A55, s22;
	s28 =	sld [smem:$0x772]  }
0x11e: {  	[smem:$0x7A1] =	sst s0  }
0x11f: {  	[smem:$0x7A4] =	sst s25  }
0x120: {  	[smem:$0x7E0] =	sst s1  }
0x121: {  	s1 =	sadd.s32 s31, s30;
	s30 =	sld [smem:$0x773]  }
0x122: {  	(v2sf) =	vpush v7, $0x4;
	s31 =	sld [smem:$0x774]  }
0x123: {  	[smem:$0x7DE] =	sst s1  }
0x124: {  	s1 =	sadd.s32 s21, s20;
	s20 =	sld [smem:$0x775]  }
0x125: {  	s21 =	sld [smem:$0x776]  }
0x126: {  	s0 =	sshra.s32 s29, $0x1F;
	s29 =	spop (v2sf);
	[smem:$0x7E2] =	sst s1  }
0x127: {  	s0 =	smul.u32 $0x67B23A55, s0;
	s1 =	sadd.s32 s24, s23;
	s23 =	sld [smem:$0x777]  }
0x128: {  	s2 =	smulhi.u32 $0x67B23A55, s29;
	s24 =	sld [smem:$0x778]  }
0x129: {  	[smem:$0x7A3] =	sst s0  }
0x12a: {  	[smem:$0x7A6] =	sst s2  }
0x12b: {  	[smem:$0x7E4] =	sst s1  }
0x12c: {  	s1 =	sadd.s32 s28, s26;
	s26 =	sld [smem:$0x779]  }
0x12d: {  	(v2sf) =	vpush v7, $0x5;
	s28 =	sld [smem:$0x77A]  }
0x12e: {  	[smem:$0x7D7] =	sst s1  }
0x12f: {  	s1 =	sadd.s32 s31, s30;
	s30 =	sld [smem:$0x77B]  }
0x130: {  	s31 =	sld [smem:$0x77C]  }
0x131: {  	s0 =	sshra.s32 s22, $0x1F;
	s22 =	spop (v2sf);
	[smem:$0x7DA] =	sst s1  }
0x132: {  	s0 =	smul.u32 $0x67B23A55, s0;
	s1 =	sadd.s32 s21, s20;
	s20 =	sld [smem:$0x77D]  }
0x133: {  	s25 =	smulhi.u32 $0x67B23A55, s22;
	s21 =	sld [smem:$0x77E]  }
0x134: {  	[smem:$0x7A5] =	sst s0  }
0x135: {  	(v2sf) =	vpush v7, $0x6;
	[smem:$0x7A8] =	sst s25  }
0x136: {  	[smem:$0x7DD] =	sst s1  }
0x137: {  	s1 =	sadd.s32 s24, s23;
	s23 =	sld [smem:$0x77F]  }
0x138: {  	s24 =	sld [smem:$0x780]  }
0x139: {  	[smem:$0x7DF] =	sst s1  }
0x13a: {  	v6 =	vld [tilespmem:$0x50];
	(v2sf) =	vpush v7, $0x7;
	s1 =	sadd.s32 s28, s26;
	s26 =	sld [smem:$0x781]  }
0x13b: {  	s28 =	sld [smem:$0x782]  }
0x13c: {  	s0 =	sshra.s32 s29, $0x1F;
	s29 =	spop (v2sf);
	[smem:$0x7E1] =	sst s1  }
0x13d: {  	s0 =	smul.u32 $0x67B23A55, s0;
	s1 =	sadd.s32 s31, s30;
	s30 =	sld [smem:$0x783]  }
0x13e: {  	s2 =	smulhi.u32 $0x67B23A55, s29;
	s31 =	sld [smem:$0x784]  }
0x13f: {  	(v2sf) =	vpush v6, $0xD;
	[smem:$0x7A7] =	sst s0  }
0x140: {  	[smem:$0x7AA] =	sst s2  }
0x141: {  	[smem:$0x7E3] =	sst s1  }
0x142: {  	s1 =	sadd.s32 s21, s20;
	s21 =	sld [smem:$0x785]  }
0x143: {  	(v2sf) =	vpush v6, $0xC;
	s0 =	sshra.s32 s22, $0x1F;
	[smem:$0x7E5] =	sst s1  }
0x144: {  	s22 =	spop (v2sf);
	s1 =	sadd.s32 s24, s23;
	s24 =	sld [smem:$0x787]  }
0x145: {  	s0 =	smul.u32 $0x67B23A55, s0;
	[smem:$0x7D6] =	sst s1  }
0x146: {  	(v2sf) =	vpush v6, $0xE;
	s25 =	smulhi.u32 $0x67B23A55, s22;
	s1 =	sadd.s32 s28, s26;
	s28 =	sld [smem:$0x789]  }
0x147: {  	[smem:$0x7A9] =	sst s0  }
0x148: {  	[smem:$0x7AC] =	sst s25  }
0x149: {  	s0 =	sshra.s32 s29, $0x1F;
	s29 =	spop (v2sf);
	[smem:$0x7E8] =	sst s1  }
0x14a: {  	s1 =	sadd.s32 s31, s30;
	s30 =	sld [smem:$0x78A];
	s0 =	smul.u32 $0x67B23A55, s0  }
0x14b: {  	s2 =	smulhi.u32 $0x67B23A55, s29;
	[smem:$0x7E9] =	sst s1  }
0x14c: {  	(v2sf) =	vpush v6, $0xF;
	[smem:$0x7AB] =	sst s0  }
0x14d: {  	s0 =	sshra.s32 s22, $0x1F;
	[smem:$0x7AE] =	sst s2  }
0x14e: {  	s22 =	spop (v2sf);
	s0 =	smul.u32 $0x67B23A55, s0  }
0x14f: {  	s2 =	sld [smem:$0x791];
	s25 =	smulhi.u32 $0x67B23A55, s22  }
0x150: {  	[smem:$0x7AD] =	sst s0  }
0x151: {  	s0 =	sshra.s32 s29, $0x1F;
	[smem:$0x7B0] =	sst s25  }
0x152: {  	s29 =	spop (v2sf);
	s0 =	smul.u32 $0x67B23A55, s0  }
0x153: {  	s25 =	sld [smem:$0x788];
	s20 =	smulhi.u32 $0x67B23A55, s29  }
0x154: {  	[smem:$0x7AF] =	sst s0  }
0x155: {  	s23 =	spop (v2sf);
	[smem:$0x7B2] =	sst s20  }
0x156: {  	s26 =	smulhi.u32 $0x67B23A55, s23;
	s0 =	sshra.s32 s22, $0x1F;
	s22 =	sld [smem:$0x786]  }
0x157: {  	s20 =	sld [smem:$0x78B];
	s0 =	smul.u32 $0x67B23A55, s0  }
0x158: {  	[smem:$0x7B3] =	sst s26  }
0x159: {  	[smem:$0x7B1] =	sst s0  }
0x15a: {  	s1 =	sadd.s32 s22, s21;
	s21 =	sld [smem:$0x78C]  }
0x15b: {  	s31 =	spop (v2sf);
	s0 =	sshra.s32 s29, $0x1F;
	[smem:$0x7EB] =	sst s1  }
0x15c: {  	s29 =	smul.u32 $0x67B23A55, s0;
	s0 =	sshra.s32 s23, $0x1F;
	s23 =	sld [smem:$0x78D]  }
0x15d: {  	s22 =	smulhi.u32 $0x67B23A55, s31;
	s1 =	sadd.s32 s25, s24;
	s24 =	sld [smem:$0x78E]  }
0x15e: {  	[smem:$0x7ED] =	sst s1  }
0x15f: {  	[smem:$0x7B5] =	sst s22  }
0x160: {  	(v2sf) =	vpush v6, $0x9;
	s1 =	sadd.s32 s30, s28;
	s30 =	sld [smem:$0x78F]  }
0x161: {  	s0 =	smul.u32 $0x67B23A55, s0;
	[smem:$0x7F1] =	sst s1  }
0x162: {  	s1 =	sadd.s32 s21, s20;
	s20 =	sadd.s32 s17, s14;
	s14 =	sld [smem:$0x793]  }
0x163: {  	[smem:$0x7B4] =	sst s0  }
0x164: {  	(v2sf) =	vpush v6, $0x8;
	s0 =	sshra.s32 s31, $0x1F;
	s31 =	sld [smem:$0x790]  }
0x165: {  	(v2sf) =	vpush v6, $0xA;
	[smem:$0x7EF] =	sst s1  }
0x166: {  	s10 =	smul.u32 $0x67B23A55, s10;
	s1 =	sadd.s32 s24, s23;
	[smem:$0x7EC] =	sst s20  }
0x167: {  	[smem:$0x7F3] =	sst s1;
	s1 =	sadd.s32 s31, s30  }
0x168: {  	(v2sf) =	vpush v6, $0xB;
	s31 =	sadd.s32 s10, s11;
	s10 =	sadd.s32 s6, s19;
	s6 =	sld [smem:$0x798]  }
0x169: {  	(v2sf) =	vpush v6, $0x0;
	s11 =	sadd.s32 s8, s5;
	s8 =	sld [smem:$0x79A]  }
0x16a: {  	s30 =	sadd.s32 s18, s16;
	[dreg:$0x1f] =	wrdreg s1  }
0x16b: {  	[smem:$0x7EE] =	sst s30  }
0x16c: {  	(v2sf) =	vpush v6, $0x1;
	[smem:$0x7F0] =	sst s31  }
0x16d: {  	[smem:$0x7F2] =	sst s10  }
0x16e: {  	[smem:$0x7F4] =	sst s11  }
0x16f: {  	(v2sf) =	vpush v6, $0x2;
	s25 =	spop (v2sf);
	s30 =	sld [smem:$0x794]  }
0x170: {  	s28 =	smulhi.u32 $0x67B23A55, s25;
	s31 =	sld [smem:$0x795]  }
0x171: {  	s26 =	smul.u32 $0x67B23A55, s0;
	s0 =	sshra.s32 s25, $0x1F;
	s10 =	sld [smem:$0x79B]  }
0x172: {  	s24 =	smul.u32 $0x67B23A55, s0;
	s1 =	sadd.s32 s13, s2;
	s11 =	sld [smem:$0x79C]  }
0x173: {  	s13 =	spop (v2sf);
	[smem:$0x7E7] =	sst s1  }
0x174: {  	s25 =	smulhi.u32 $0x67B23A55, s13;
	s0 =	sshra.s32 s13, $0x1F;
	s21 =	spop (v2sf)  }
0x175: {  	s24 =	sadd.s32 s24, s28;
	s13 =	sld [smem:$0x792];
	s22 =	smul.u32 $0x67B23A55, s0  }
0x176: {  	[dreg:$0x15] =	wrdreg s24;
	s23 =	smulhi.u32 $0x67B23A55, s21;
	s0 =	sshra.s32 s21, $0x1F  }
0x177: {  	s2 =	spop (v2sf);
	s20 =	smul.u32 $0x67B23A55, s0  }
0x178: {  	s21 =	smulhi.u32 $0x67B23A55, s2;
	s0 =	sshra.s32 s2, $0x1F;
	s12 =	spop (v2sf)  }
0x179: {  	(v2sf) =	vpush v6, $0x3;
	s2 =	sld [smem:$0x796];
	s18 =	smul.u32 $0x67B23A55, s0  }
0x17a: {  	(v2sf) =	vpush v6, $0x4;
	s1 =	sadd.s32 s7, s13;
	s0 =	sshra.s32 s12, $0x1F;
	s7 =	sld [smem:$0x799]  }
0x17b: {  	s15 =	spop (v2sf);
	s22 =	sadd.s32 s22, s25;
	[smem:$0x7E6] =	sst s1  }
0x17c: {  	s1 =	sadd.s32 s14, s4;
	s16 =	smul.u32 $0x67B23A55, s0;
	s4 =	sld [smem:$0x797]  }
0x17d: {  	s17 =	smulhi.u32 $0x67B23A55, s15;
	[dreg:$0x11] =	wrdreg s22  }
0x17e: {  	s0 =	sshra.s32 s15, $0x1F;
	s5 =	spop (v2sf);
	[dreg:$0x1d] =	wrdreg s1  }
0x17f: {  	s1 =	sadd.s32 s31, s30;
	s14 =	smul.u32 $0x67B23A55, s0;
	s30 =	sld [smem:$0x79D]  }
0x180: {  	s15 =	smulhi.u32 $0x67B23A55, s5;
	s0 =	sshra.s32 s5, $0x1F;
	s5 =	sld [smem:$0x7A0]  }
0x181: {  	[smem:$0x7F5] =	sst s1  }
0x182: {  	s1 =	sadd.s32 s4, s2;
	s4 =	sld [smem:$0x79F]  }
0x183: {  	s2 =	sld [smem:$0x7A4]  }
0x184: {  	(v2sf) =	vpush v6, $0x5;
	[dreg:$0x1e] =	wrdreg s1  }
0x185: {  	s1 =	sadd.s32 s7, s6;
	s6 =	sld [smem:$0x7A1]  }
0x186: {  	(v2sf) =	vpush v6, $0x6;
	s19 =	smulhi.u32 $0x67B23A55, s12;
	[dreg:$0x1b] =	wrdreg s1;
	s1 =	sadd.s32 s9, s8  }
0x187: {  	s12 =	smul.u32 $0x67B23A55, s0;
	[dreg:$0x19] =	wrdreg s1  }
0x188: {  	(v2sf) =	vpush v6, $0x7;
	s9 =	spop (v2sf);
	s1 =	sadd.s32 s3, s10;
	s3 =	sld [smem:$0x79E]  }
0x189: {  	s0 =	sshra.s32 s9, $0x1F;
	s31 =	spop (v2sf);
	[dreg:$0x1c] =	wrdreg s1  }
0x18a: {  	s1 =	sadd.s32 s30, s11;
	s10 =	smul.u32 $0x67B23A55, s0;
	s30 =	sld [smem:$0x7A2]  }
0x18b: {  	s11 =	smulhi.u32 $0x67B23A55, s31;
	s0 =	sshra.s32 s31, $0x1F;
	s31 =	sld [smem:$0x7A3]  }
0x18c: {  	[dreg:$0x1a] =	wrdreg s1  }
0x18d: {  	s1 =	sadd.s32 s4, s3;
	s3 =	sld [smem:$0x7A5]  }
0x18e: {  	[dreg:$0x18] =	wrdreg s1  }
0x18f: {  	s1 =	sadd.s32 s6, s5;
	s5 =	sld [smem:$0x7A6]  }
0x190: {  	s6 =	sld [smem:$0x7A7]  }
0x191: {  	s13 =	smulhi.u32 $0x67B23A55, s9;
	[smem:$0x7F6] =	sst s1  }
0x192: {  	s8 =	smul.u32 $0x67B23A55, s0;
	s1 =	sadd.s32 s31, s30;
	s30 =	sld [smem:$0x7A8]  }
0x193: {  	s7 =	spop (v2sf);
	s31 =	sld [smem:$0x7A9]  }
0x194: {  	s9 =	smulhi.u32 $0x67B23A55, s7;
	s0 =	sshra.s32 s7, $0x1F;
	[smem:$0x7F7] =	sst s1  }
0x195: {  	v8 =	vld [tilespmem:$0x60];
	s4 =	spop (v2sf);
	s1 =	sadd.s32 s3, s2;
	s2 =	sld [smem:$0x7AC]  }
0x196: {  	s7 =	smul.u32 $0x67B23A55, s0;
	[smem:$0x7F9] =	sst s1;
	s1 =	sadd.s32 s6, s5  }
0x197: {  	s0 =	sshra.s32 s4, $0x1F;
	s3 =	spop (v2sf);
	[smem:$0x7FA] =	sst s1  }
0x198: {  	s6 =	smulhi.u32 $0x67B23A55, s4;
	s1 =	sadd.s32 s31, s30;
	s30 =	sld [smem:$0x7AA]  }
0x199: {  	s5 =	smul.u32 $0x67B23A55, s0;
	s31 =	sld [smem:$0x7AB]  }
0x19a: {  	(v2sf) =	vpush v8, $0xD;
	s4 =	smulhi.u32 $0x67B23A55, s3;
	s0 =	sshra.s32 s3, $0x1F;
	s3 =	sld [smem:$0x7AD]  }
0x19b: {  	[smem:$0x7FB] =	sst s1  }
0x19c: {  	s1 =	sadd.s32 s31, s30;
	s30 =	sld [smem:$0x7AE]  }
0x19d: {  	(v2sf) =	vpush v8, $0xC;
	s31 =	sld [smem:$0x7AF]  }
0x19e: {  	[smem:$0x7FC] =	sst s1;
	s1 =	sadd.s32 s3, s2  }
0x19f: {  	(v2sf) =	vpush v8, $0xE;
	[smem:$0x7FD] =	sst s1  }
0x1a0: {  	(v2sf) =	vpush v8, $0xF;
	s1 =	sadd.s32 s31, s30;
	s30 =	sld [smem:$0x7B1]  }
0x1a1: {  	[smem:$0x7F8] =	sst s1  }
0x1a2: {  	s20 =	sadd.s32 s20, s23;
	s1 =	sld [smem:$0x7B0]  }
0x1a3: {  	[dreg:$0x10] =	wrdreg s20;
	s18 =	sadd.s32 s18, s21  }
0x1a4: {  	[dreg:$0xe] =	wrdreg s18;
	(v2sf) =	vpush v8, $0x9  }
0x1a5: {  	s16 =	sadd.s32 s16, s19;
	s1 =	sadd.s32 s30, s1;
	s30 =	sld [smem:$0x7B2]  }
0x1a6: {  	[dreg:$0x12] =	wrdreg s16;
	s14 =	sadd.s32 s14, s17;
	(v2sf) =	vpush v8, $0x8  }
0x1a7: {  	[dreg:$0xf] =	wrdreg s14  }
0x1a8: {  	(v2sf) =	vpush v8, $0xA;
	s3 =	smul.u32 $0x67B23A55, s0;
	s31 =	sadd.s32 s29, s30;
	s29 =	sld [smem:$0x7B3]  }
0x1a9: {  	s12 =	sadd.s32 s12, s15;
	s0 =	spop (v2sf);
	s30 =	sld [smem:$0x7B4]  }
0x1aa: {  	[dreg:$0xd] =	wrdreg s12;
	(v2sf) =	vpush v8, $0xB;
	s2 =	smulhi.u32 $0x67B23A55, s0;
	s0 =	sshra.s32 s0, $0x1F  }
0x1ab: {  	[dreg:$0x17] =	wrdreg s1;
	s1 =	smul.u32 $0x67B23A55, s0  }
0x1ac: {  	(v2sf) =	vpush v8, $0x0;
	s0 =	spop (v2sf);
	s29 =	sadd.s32 s30, s29;
	s30 =	sld [smem:$0x7B5]  }
0x1ad: {  	[dreg:$0x16] =	wrdreg s31;
	s31 =	smulhi.u32 $0x67B23A55, s0  }
0x1ae: {  	(v2sf) =	vpush v8, $0x1;
	s0 =	sshra.s32 s0, $0x1F;
	[dreg:$0x14] =	wrdreg s29;
	s29 =	spop (v2sf)  }
0x1af: {  	s0 =	smul.u32 $0x67B23A55, s0;
	s26 =	sadd.s32 s26, s30;
	s30 =	spop (v2sf)  }
0x1b0: {  	s17 =	sadd.s32 s10, s13;
	[dreg:$0x13] =	wrdreg s26;
	s26 =	smulhi.u32 $0x67B23A55, s29  }
0x1b1: {  	s8 =	sadd.s32 s8, s11;
	s29 =	sshra.s32 s29, $0x1F;
	s22 =	smulhi.u32 $0x67B23A55, s30  }
0x1b2: {  	[dreg:$0xc] =	wrdreg s8;
	s28 =	sshra.s32 s30, $0x1F;
	s24 =	smul.u32 $0x67B23A55, s29  }
0x1b3: {  	s5 =	sadd.s32 s5, s6;
	s20 =	smul.u32 $0x67B23A55, s28;
	s29 =	spop (v2sf)  }
0x1b4: {  	[dreg:$0xb] =	wrdreg s5;
	(v2sf) =	vpush v8, $0x2;
	s18 =	smulhi.u32 $0x67B23A55, s29;
	s30 =	sshra.s32 s29, $0x1F  }
0x1b5: {  	s1 =	sadd.s32 s1, s2;
	s23 =	spop (v2sf);
	s16 =	smul.u32 $0x67B23A55, s30  }
0x1b6: {  	[dreg:$0x8] =	wrdreg s1;
	(v2sf) =	vpush v8, $0x3;
	s14 =	smulhi.u32 $0x67B23A55, s23;
	s25 =	sshra.s32 s23, $0x1F  }
0x1b7: {  	s0 =	sadd.s32 s0, s31;
	s28 =	spop (v2sf);
	s12 =	smul.u32 $0x67B23A55, s25  }
0x1b8: {  	[dreg:$0x9] =	wrdreg s0;
	s10 =	smulhi.u32 $0x67B23A55, s28;
	s29 =	sshra.s32 s28, $0x1F  }
0x1b9: {  	s19 =	sadd.s32 s7, s9;
	s30 =	spop (v2sf);
	s8 =	smul.u32 $0x67B23A55, s29  }
0x1ba: {  	s25 =	sadd.s32 s3, s4;
	s7 =	smulhi.u32 $0x67B23A55, s30;
	s13 =	sshra.s32 s30, $0x1F  }
0x1bb: {  	s28 =	sadd.s32 s24, s26;
	s15 =	spop (v2sf);
	s5 =	smul.u32 $0x67B23A55, s13  }
0x1bc: {  	s29 =	sadd.s32 s16, s18;
	s16 =	sld [smem:$0x7B9];
	s3 =	smulhi.u32 $0x67B23A55, s15  }
0x1bd: {  	s21 =	sshra.s32 s15, $0x1F;
	s9 =	spop (v2sf);
	s15 =	sadd.s32 s20, s22  }
0x1be: {  	s26 =	sadd.s32 s12, s14;
	s14 =	sld [smem:$0x7B7];
	s23 =	smul.u32 $0x67B23A55, s21  }
0x1bf: {  	s11 =	smulhi.u32 $0x67B23A55, s9;
	[dreg:$0xa] =	wrdreg s15  }
0x1c0: {  	s2 =	sshra.s32 s9, $0x1F;
	s30 =	sadd.s32 s8, s10;
	s10 =	sld [smem:$0x7B6]  }
0x1c1: {  	s8 =	sld [smem:$0x7BA];
	s2 =	smul.u32 $0x67B23A55, s2  }
0x1c2: {  	s31 =	sadd.s32 s5, s7;
	s18 =	sshrl.u32 s16, $0x1F;
	s5 =	sshra.s32 s16, $0x1F  }
0x1c3: {  	s7 =	sld [smem:$0x7BB];
	s24 =	sadd.s32 s23, s3;
	s13 =	spop (v2sf)  }
0x1c4: {  	s12 =	sshra.s32 s14, $0x1F;
	s20 =	smulhi.u32 $0x67B23A55, s13;
	s4 =	sshra.s32 s13, $0x1F  }
0x1c5: {  	s1 =	sshra.s32 s10, $0x7;
	s4 =	smul.u32 $0x67B23A55, s4;
	s21 =	spop (v2sf)  }
0x1c6: {  	s6 =	sshrl.u32 s8, $0x1F;
	s13 =	sld [smem:$0x7B8];
	s22 =	smulhi.u32 $0x67B23A55, s21  }
0x1c7: {  	s9 =	sshra.s32 s21, $0x1F;
	s21 =	sadd.s32 s2, s11;
	s11 =	sshrl.u32 s10, $0x1F  }
0x1c8: {  	v9 =	vmov s12;
	s9 =	smul.u32 $0x67B23A55, s9;
	s23 =	sadd.s32 s4, s20;
	s20 =	sshra.s32 s16, $0x7  }
0x1c9: {  	s15 =	sshrl.u32 s13, $0x1F;
	s2 =	sshra.s32 s13, $0x7;
	s13 =	sld [smem:$0x7BD];
	v9 =	vsel vm3, s20, v9  }
0x1ca: {  	s10 =	sshra.s32 s7, $0x7;
	v10 =	vmov s15;
	s22 =	sadd.s32 s9, s22;
	v9 =	vsel vm9, s5, v9;
	s5 =	sld [smem:$0x7BC]  }
0x1cb: {  	v11 =	vmov s18;
	v10 =	vsel vm0, s11, v10;
	s9 =	sshrl.u32 s7, $0x1F;
	s11 =	sshra.s32 s7, $0x1F;
	s7 =	sld [smem:$0x7BF]  }
0x1cc: {  	v11 =	vnsel vm3, $0x0, v11;
	v10 =	vsel vm1, s6, v10;
	v12 =	vsel vm0, s10, v9;
	s15 =	sshrl.u32 s13, $0x1F;
	s6 =	sld [smem:$0x7BE]  }
0x1cd: {  	v11 =	vsel vm0, s9, v11;
	s20 =	sshra.s32 s13, $0x7;
	s10 =	sshra.s32 s13, $0x1F;
	s13 =	sld [smem:$0x7C1];
	v59 =	vsel vm10, s11, v12  }
0x1ce: {  	s9 =	sld [smem:$0x7C0];
	v58 =	vsel vm1, s15, v11;
	s12 =	sshrl.u32 s5, $0x1F;
	s18 =	sshrl.u32 s7, $0x1F;
	v11 =	vsel vm1, s20, v59  }
0x1cf: {  	s20 =	sshra.s32 s7, $0x1F;
	s16 =	sshrl.u32 s6, $0x1F;
	v11 =	vsel vm11, s10, v11;
	s10 =	sld [smem:$0x7C2]  }
0x1d0: {  	v9 =	vsel vm2, s12, v10;
	v10 =	vsel vm2, s18, v58;
	s12 =	sshrl.u32 s13, $0x1F;
	s18 =	sshra.s32 s7, $0x7;
	s7 =	sld [smem:$0x7C4]  }
0x1d1: {  	s11 =	sshrl.u32 s9, $0x1F;
	v60 =	vmov s16;
	v10 =	vsel vm4, s12, v10;
	s12 =	sld [smem:$0x7C3]  }
0x1d2: {  	s0 =	sshra.s32 s8, $0x7;
	v11 =	vsel vm2, s18, v11;
	v12 =	vsel vm0, s11, v60;
	s11 =	sld [smem:$0x7C5]  }
0x1d3: {  	s8 =	sshra.s32 s5, $0x7;
	s9 =	sshra.s32 s9, $0x7;
	v11 =	vsel vm12, s20, v11;
	s20 =	sshra.s32 s13, $0x7  }
0x1d4: {  	v61 =	vmov s2;
	s13 =	sshra.s32 s13, $0x1F;
	s15 =	sshrl.u32 s10, $0x1F;
	v11 =	vsel vm4, s20, v11;
	s16 =	sshrl.u32 s12, $0x1F  }
0x1d5: {  	s18 =	sshrl.u32 s14, $0x1F;
	v12 =	vsel vm1, s15, v12;
	s15 =	sshrl.u32 s7, $0x1F;
	v11 =	vsel vm13, s13, v11;
	v10 =	vsel vm5, s16, v10;
	s16 =	sshrl.u32 s11, $0x1F  }
0x1d6: {  	s20 =	sshra.s32 s7, $0x7;
	s13 =	sld [smem:$0x7C6];
	v13 =	vsel vm2, s15, v12;
	v12 =	vsel vm0, s1, v61;
	s15 =	sshra.s32 s6, $0x7;
	v10 =	vsel vm6, s16, v10  }
0x1d7: {  	s6 =	sshra.s32 s12, $0x1F;
	s7 =	sshra.s32 s11, $0x7;
	v12 =	vsel vm1, s0, v12;
	v10 =	vsel vm7, s18, v10;
	s18 =	sshra.s32 s12, $0x7  }
0x1d8: {  	s16 =	sshra.s32 s10, $0x7;
	v15 =	vmov s15;
	v14 =	vsel vm2, s8, v12;
	s8 =	sshra.s32 s11, $0x1F;
	s11 =	sld [smem:$0x7C7];
	v11 =	vsel vm5, s18, v11  }
0x1d9: {  	v62 =	vsel vm0, s9, v15;
	s9 =	sshra.s32 s14, $0x7;
	s10 =	sshra.s32 s13, $0x1F;
	s14 =	sld [smem:$0x7C8];
	v11 =	vsel vm14, s6, v11  }
0x1da: {  	v16 =	vmov s10;
	s10 =	sld [smem:$0x7CB];
	v11 =	vsel vm6, s7, v11  }
0x1db: {  	v12 =	vsel vm1, s16, v62;
	v11 =	vsel vm15, s8, v11;
	s8 =	sld [smem:$0x7CA]  }
0x1dc: {  	v63 =	vsel vm2, s20, v12;
	s20 =	sld [smem:$0x7C9];
	s12 =	sshrl.u32 s11, $0x1F  }
0x1dd: {  	(v2sf) =	vpush v8, $0x4;
	s0 =	sshra.s32 s11, $0x7;
	s15 =	sshra.s32 s14, $0x7;
	s16 =	sshrl.u32 s14, $0x1F  }
0x1de: {  	v12 =	vsel vm7, s9, v11;
	s9 =	sshrl.u32 s8, $0x1F;
	s1 =	sshra.s32 s8, $0x7;
	s8 =	sld [smem:$0x7CE]  }
0x1df: {  	s18 =	sshra.s32 s14, $0x1F;
	v16 =	vsel vm3, s15, v16;
	s15 =	sld [smem:$0x7CC];
	s7 =	sshrl.u32 s20, $0x1F  }
0x1e0: {  	s11 =	sshra.s32 s10, $0x7;
	s14 =	sshra.s32 s10, $0x1F;
	v16 =	vsel vm9, s18, v16;
	s18 =	sld [smem:$0x7CD];
	v23 =	vmov s7  }
0x1e1: {  	v17 =	vmov s16;
	s7 =	sld [smem:$0x7D1];
	v11 =	vsel vm0, s12, v23;
	s12 =	sshrl.u32 s10, $0x1F;
	s10 =	sshrl.u32 s8, $0x1F  }
0x1e2: {  	s2 =	sshra.s32 s20, $0x7;
	v17 =	vnsel vm3, $0x0, v17;
	v16 =	vsel vm0, s11, v16;
	v26 =	vmov s10;
	s10 =	sld [smem:$0x7CF]  }
0x1e3: {  	v18 =	vsel vm10, s14, v16;
	s16 =	sshrl.u32 s15, $0x1F;
	s20 =	sshra.s32 s18, $0x7;
	v24 =	vsel vm0, s12, v17;
	s12 =	sld [smem:$0x7D0]  }
0x1e4: {  	s5 =	sshra.s32 s15, $0x7;
	v11 =	vsel vm1, s9, v11;
	s9 =	sshra.s32 s18, $0x1F;
	v25 =	vsel vm1, s20, v18;
	s20 =	sld [smem:$0x7D2]  }
0x1e5: {  	s4 =	sshrl.u32 s18, $0x1F;
	v17 =	vsel vm11, s9, v25;
	s9 =	sld [smem:$0x7D3];
	s11 =	sshrl.u32 s10, $0x1F  }
0x1e6: {  	v16 =	vsel vm2, s16, v11;
	v11 =	vsel vm1, s4, v24;
	s14 =	sshrl.u32 s12, $0x1F;
	s15 =	sshra.s32 s12, $0x7;
	v18 =	vsel vm0, s11, v26;
	s11 =	sld [smem:$0x7D4]  }
0x1e7: {  	v11 =	vsel vm2, s14, v11;
	s14 =	sshrl.u32 s20, $0x1F;
	s3 =	sshra.s32 s10, $0x7;
	s10 =	sld [smem:$0x7D5]  }
0x1e8: {  	v19 =	vmov s2;
	s16 =	sshra.s32 s12, $0x1F;
	v17 =	vsel vm2, s15, v17;
	v11 =	vsel vm4, s14, v11;
	s14 =	sshra.s32 s8, $0x7  }
0x1e9: {  	v27 =	vsel vm0, s0, v19;
	s18 =	sshrl.u32 s7, $0x1F;
	v17 =	vsel vm12, s16, v17;
	v29 =	vmov s14;
	s16 =	sshrl.u32 s11, $0x1F  }
0x1ea: {  	s15 =	sshrl.u32 s9, $0x1F;
	v30 =	vsel vm0, s3, v29;
	v18 =	vsel vm1, s18, v18;
	s18 =	sshra.s32 s20, $0x7;
	s12 =	sshrl.u32 s10, $0x1F;
	v11 =	vsel vm5, s16, v11  }
0x1eb: {  	s20 =	sshra.s32 s20, $0x1F;
	v18 =	vsel vm2, s15, v18;
	v17 =	vsel vm4, s18, v17;
	s15 =	sshrl.u32 s13, $0x1F;
	v11 =	vsel vm6, s12, v11  }
0x1ec: {  	s4 =	sshra.s32 s9, $0x7;
	s8 =	spop (v2sf);
	s18 =	sshra.s32 s7, $0x7;
	v20 =	vsel vm13, s20, v17;
	v17 =	vsel vm7, s15, v11;
	v11 =	vsel vm1, s1, v27  }
0x1ed: {  	s9 =	smulhi.u32 $0x67B23A55, s8;
	s20 =	sshra.s32 s11, $0x1F;
	v19 =	vsel vm2, s5, v11;
	v11 =	vsel vm1, s18, v30;
	s18 =	sld [smem:$0x7D7]  }
0x1ee: {  	s16 =	sshra.s32 s11, $0x7;
	s11 =	sshra.s32 s8, $0x1F;
	s15 =	sld [smem:$0x7D6]  }
0x1ef: {  	s8 =	sld [smem:$0x7DA];
	v28 =	vsel vm5, s16, v20;
	s16 =	smul.u32 $0x67B23A55, s11  }
0x1f0: {  	s6 =	sshra.s32 s10, $0x7;
	s7 =	sshra.s32 s10, $0x1F;
	s3 =	sshrl.u32 s18, $0x1F  }
0x1f1: {  	s10 =	sld [smem:$0x7D8];
	s0 =	sadd.s32 s16, s9;
	s12 =	sshra.s32 s15, $0x1F;
	v23 =	vmov s3  }
0x1f2: {  	v21 =	vsel vm14, s20, v28;
	s11 =	sshrl.u32 s8, $0x1F;
	s16 =	sld [smem:$0x7DD];
	v32 =	vmov s12;
	s20 =	sshra.s32 s18, $0x7;
	v23 =	vnsel vm3, $0x0, v23  }
0x1f3: {  	s5 =	sshra.s32 s18, $0x1F;
	v33 =	vsel vm3, s20, v32;
	v24 =	vsel vm0, s11, v23;
	s11 =	sld [smem:$0x7DE]  }
0x1f4: {  	v31 =	vsel vm6, s6, v21;
	s6 =	sshrl.u32 s10, $0x1F;
	v22 =	vsel vm2, s4, v11;
	v11 =	vsel vm9, s5, v33;
	s5 =	sld [smem:$0x7D9]  }
0x1f5: {  	s9 =	sshra.s32 s8, $0x7;
	v34 =	vmov s6;
	s6 =	sld [smem:$0x7DB]  }
0x1f6: {  	s4 =	sld [smem:$0x7DC];
	s12 =	sshra.s32 s8, $0x1F;
	s8 =	sshrl.u32 s11, $0x1F  }
0x1f7: {  	v20 =	vsel vm15, s7, v31;
	s7 =	sshrl.u32 s5, $0x1F;
	v36 =	vmov s8;
	s8 =	sld [smem:$0x7E0]  }
0x1f8: {  	s14 =	sshra.s32 s13, $0x7;
	s13 =	sshrl.u32 s6, $0x1F;
	v11 =	vsel vm0, s9, v11;
	s9 =	sld [smem:$0x7DF];
	v21 =	vsel vm0, s7, v34  }
0x1f9: {  	v20 =	vsel vm7, s14, v20;
	s14 =	sshrl.u32 s4, $0x1F;
	v21 =	vsel vm1, s13, v21  }
0x1fa: {  	s18 =	sshrl.u32 s16, $0x1F;
	v23 =	vsel vm2, s14, v21;
	s14 =	sld [smem:$0x7E1];
	s13 =	sshrl.u32 s8, $0x1F  }
0x1fb: {  	s20 =	sshra.s32 s16, $0x7;
	v11 =	vsel vm10, s12, v11;
	v35 =	vsel vm1, s18, v24;
	s12 =	sshrl.u32 s9, $0x1F;
	v24 =	vsel vm0, s13, v36;
	s13 =	sld [smem:$0x7E3]  }
0x1fc: {  	v11 =	vsel vm1, s20, v11;
	s18 =	sshra.s32 s9, $0x7;
	s20 =	sshra.s32 s9, $0x1F;
	s9 =	sld [smem:$0x7E2]  }
0x1fd: {  	s7 =	sshra.s32 s16, $0x1F;
	v21 =	vsel vm2, s12, v35;
	s16 =	sshrl.u32 s14, $0x1F  }
0x1fe: {  	v21 =	vsel vm4, s16, v21;
	s12 =	sshrl.u32 s13, $0x1F  }
0x1ff: {  	v11 =	vsel vm11, s7, v11;
	s7 =	sshrl.u32 s9, $0x1F;
	v21 =	vsel vm5, s12, v21;
	s12 =	sld [smem:$0x7E5]  }
0x200: {  	v24 =	vsel vm1, s7, v24;
	s7 =	sld [smem:$0x7E4]  }
0x201: {  	v11 =	vsel vm2, s18, v11  }
0x202: {  	s11 =	sshra.s32 s11, $0x7;
	v11 =	vsel vm12, s20, v11;
	s20 =	sshra.s32 s14, $0x7;
	s18 =	sshrl.u32 s12, $0x1F  }
0x203: {  	v11 =	vsel vm4, s20, v11;
	s20 =	sshrl.u32 s15, $0x1F;
	s16 =	sshrl.u32 s7, $0x1F;
	v21 =	vsel vm6, s18, v21;
	s18 =	sshra.s32 s14, $0x1F  }
0x204: {  	v25 =	vsel vm2, s16, v24;
	s16 =	sshra.s32 s10, $0x7;
	s10 =	sshra.s32 s5, $0x7;
	s14 =	sshra.s32 s13, $0x7;
	v11 =	vsel vm13, s18, v11  }
0x205: {  	s5 =	sshra.s32 s9, $0x7;
	v37 =	vmov s16;
	s16 =	sshra.s32 s6, $0x7;
	v21 =	vsel vm7, s20, v21;
	s20 =	sshra.s32 s13, $0x1F;
	v11 =	vsel vm5, s14, v11  }
0x206: {  	s6 =	sshra.s32 s12, $0x7;
	s9 =	sshra.s32 s12, $0x1F;
	s12 =	sld [smem:$0x7E6];
	v11 =	vsel vm14, s20, v11  }
0x207: {  	v26 =	vmov s11;
	s18 =	sshra.s32 s8, $0x7;
	v11 =	vsel vm6, s6, v11;
	s6 =	sld [smem:$0x7EA]  }
0x208: {  	v27 =	vsel vm0, s18, v26  }
0x209: {  	s8 =	sshra.s32 s7, $0x7;
	s7 =	sld [smem:$0x7E9];
	v38 =	vsel vm1, s5, v27  }
0x20a: {  	v24 =	vsel vm0, s10, v37;
	s10 =	sshra.s32 s12, $0x1F;
	s18 =	sld [smem:$0x7E8];
	v27 =	vsel vm2, s8, v38;
	s8 =	sshrl.u32 s6, $0x1F  }
0x20b: {  	v28 =	vmov s10;
	v11 =	vsel vm15, s9, v11;
	s9 =	sshra.s32 s6, $0x7;
	s10 =	sshra.s32 s6, $0x1F;
	s6 =	sld [smem:$0x7EB]  }
0x20c: {  	s13 =	sld [smem:$0x7E7];
	s5 =	sshrl.u32 s7, $0x1F  }
0x20d: {  	s4 =	sshra.s32 s4, $0x7;
	s11 =	sshra.s32 s15, $0x7;
	v24 =	vsel vm1, s16, v24;
	s20 =	sshrl.u32 s18, $0x1F;
	v29 =	vmov s5  }
0x20e: {  	v26 =	vsel vm2, s4, v24;
	v24 =	vsel vm7, s11, v11;
	v29 =	vsel vm0, s20, v29;
	s11 =	sshrl.u32 s6, $0x1F  }
0x20f: {  	s14 =	sshrl.u32 s13, $0x1F;
	s15 =	sshra.s32 s13, $0x7;
	v29 =	vsel vm1, s11, v29;
	s11 =	sld [smem:$0x7EF]  }
0x210: {  	s16 =	sshra.s32 s13, $0x1F;
	v39 =	vmov s14;
	v28 =	vsel vm3, s15, v28;
	s5 =	sld [smem:$0x7ED]  }
0x211: {  	s13 =	sld [smem:$0x7EC];
	v28 =	vsel vm9, s16, v28;
	v11 =	vnsel vm3, $0x0, v39  }
0x212: {  	v11 =	vsel vm0, s8, v11;
	v28 =	vsel vm0, s9, v28;
	s8 =	sld [smem:$0x7EE];
	s9 =	sshrl.u32 s11, $0x1F  }
0x213: {  	s15 =	sshrl.u32 s5, $0x1F;
	v30 =	vmov s9;
	s9 =	sld [smem:$0x7F1]  }
0x214: {  	s1 =	sshra.s32 s18, $0x7;
	v29 =	vsel vm2, s15, v29;
	s15 =	sld [smem:$0x7F0]  }
0x215: {  	s14 =	sshrl.u32 s13, $0x1F;
	s18 =	sshra.s32 s13, $0x7;
	s20 =	sshra.s32 s13, $0x1F  }
0x216: {  	v11 =	vsel vm1, s14, v11;
	s14 =	sld [smem:$0x7F2];
	s16 =	sshrl.u32 s8, $0x1F;
	s13 =	sshrl.u32 s9, $0x1F  }
0x217: {  	v28 =	vsel vm10, s10, v28;
	v11 =	vsel vm2, s16, v11;
	s10 =	sshrl.u32 s15, $0x1F;
	v30 =	vsel vm0, s13, v30;
	s13 =	sld [smem:$0x7F4]  }
0x218: {  	v28 =	vsel vm1, s18, v28;
	v11 =	vsel vm4, s10, v11;
	s10 =	sld [smem:$0x7F3]  }
0x219: {  	s7 =	sshra.s32 s7, $0x7;
	v28 =	vsel vm11, s20, v28;
	s18 =	sshra.s32 s8, $0x7;
	s16 =	sshrl.u32 s14, $0x1F  }
0x21a: {  	s20 =	sshra.s32 s8, $0x1F;
	v28 =	vsel vm2, s18, v28;
	s18 =	sshrl.u32 s12, $0x1F;
	v11 =	vsel vm5, s16, v11;
	s8 =	sshrl.u32 s13, $0x1F  }
0x21b: {  	s11 =	sshra.s32 s11, $0x7;
	s4 =	sshrl.u32 s10, $0x1F;
	v11 =	vsel vm6, s8, v11;
	s8 =	rddreg [dreg:$0x1f]  }
0x21c: {  	v41 =	vmov s7;
	v32 =	vsel vm12, s20, v28;
	s20 =	sshra.s32 s15, $0x7;
	s7 =	sshra.s32 s10, $0x7;
	v30 =	vsel vm1, s4, v30;
	s16 =	sshrl.u32 s8, $0x1F  }
0x21d: {  	s10 =	sshra.s32 s8, $0x7;
	s8 =	rddreg [dreg:$0x1d];
	v31 =	vsel vm2, s16, v30;
	s16 =	sshra.s32 s6, $0x7;
	v30 =	vsel vm0, s1, v41  }
0x21e: {  	s15 =	sshra.s32 s15, $0x1F;
	v40 =	vsel vm4, s20, v32;
	s20 =	sshra.s32 s14, $0x7;
	v30 =	vsel vm1, s16, v30;
	s16 =	sld [smem:$0x7F5]  }
0x21f: {  	v28 =	vsel vm7, s18, v11;
	v11 =	vsel vm13, s15, v40;
	s18 =	sshra.s32 s9, $0x7;
	s15 =	sshra.s32 s12, $0x7;
	s12 =	sld [smem:$0x7F8]  }
0x220: {  	v42 =	vmov s11;
	s9 =	sshra.s32 s14, $0x1F;
	v11 =	vsel vm5, s20, v11;
	s20 =	sld [smem:$0x7F6];
	s3 =	sshra.s32 s8, $0x7  }
0x221: {  	v32 =	vsel vm0, s18, v42;
	v11 =	vsel vm14, s9, v11;
	s9 =	sshrl.u32 s8, $0x1F;
	s8 =	rddreg [dreg:$0x1e];
	s18 =	sshrl.u32 s16, $0x1F  }
0x222: {  	s11 =	sshra.s32 s13, $0x7;
	s14 =	sshra.s32 s13, $0x1F;
	v33 =	vsel vm1, s7, v32;
	s7 =	rddreg [dreg:$0x1c];
	v34 =	vmov s18  }
0x223: {  	s6 =	sshra.s32 s5, $0x7;
	v33 =	vsel vm2, s10, v33;
	v11 =	vsel vm6, s11, v11;
	s10 =	sshrl.u32 s8, $0x1F;
	v43 =	vsel vm0, s9, v34;
	s9 =	sld [smem:$0x7F7]  }
0x224: {  	v32 =	vsel vm2, s6, v30;
	s13 =	sshra.s32 s12, $0x1F;
	s6 =	sshrl.u32 s20, $0x1F;
	v11 =	vsel vm15, s14, v11;
	s18 =	sld [smem:$0x7F9]  }
0x225: {  	v36 =	vmov s13;
	v35 =	vmov s6;
	s4 =	sshra.s32 s16, $0x7;
	v30 =	vsel vm7, s15, v11;
	s6 =	rddreg [dreg:$0x1b];
	s16 =	sshra.s32 s20, $0x7  }
0x226: {  	v44 =	vnsel vm3, $0x0, v35;
	v46 =	vsel vm3, s16, v36;
	s16 =	sld [smem:$0x7FA];
	v11 =	vsel vm1, s10, v43;
	s10 =	sshrl.u32 s7, $0x1F;
	s11 =	sshrl.u32 s9, $0x1F  }
0x227: {  	s15 =	sshrl.u32 s18, $0x1F;
	v47 =	vmov s10;
	s10 =	rddreg [dreg:$0x19];
	v34 =	vsel vm0, s11, v44  }
0x228: {  	s1 =	sshra.s32 s8, $0x7;
	v45 =	vsel vm1, s15, v34;
	s15 =	sld [smem:$0x7FB]  }
0x229: {  	s20 =	sshra.s32 s20, $0x1F;
	s14 =	sshrl.u32 s6, $0x1F;
	s13 =	sshrl.u32 s10, $0x1F  }
0x22a: {  	s11 =	sshrl.u32 s16, $0x1F;
	v36 =	vsel vm0, s13, v47;
	s13 =	sld [smem:$0x7FC];
	v34 =	vsel vm9, s20, v46;
	s20 =	sshra.s32 s9, $0x7  }
0x22b: {  	v35 =	vsel vm2, s14, v11;
	s9 =	sshra.s32 s9, $0x1F;
	v11 =	vsel vm2, s11, v45;
	v34 =	vsel vm0, s20, v34;
	s11 =	rddreg [dreg:$0x1a];
	s14 =	sshrl.u32 s15, $0x1F  }
0x22c: {  	v49 =	vmov s4;
	s4 =	sshra.s32 s7, $0x7;
	v34 =	vsel vm10, s9, v34;
	s9 =	rddreg [dreg:$0x18];
	v11 =	vsel vm4, s14, v11;
	s14 =	sshrl.u32 s11, $0x1F  }
0x22d: {  	s8 =	sshra.s32 s16, $0x7;
	s20 =	sshrl.u32 s13, $0x1F;
	v36 =	vsel vm1, s14, v36;
	s14 =	sld [smem:$0x7FD]  }
0x22e: {  	s7 =	sshra.s32 s11, $0x7;
	s2 =	sshrl.u32 s9, $0x1F;
	v37 =	vsel vm5, s20, v11;
	s20 =	sshra.s32 s18, $0x7  }
0x22f: {  	s11 =	sshra.s32 s15, $0x7;
	s18 =	sshra.s32 s18, $0x1F;
	v38 =	vsel vm1, s20, v34;
	s20 =	sshrl.u32 s12, $0x1F  }
0x230: {  	v36 =	vsel vm2, s2, v36;
	s2 =	sshra.s32 s6, $0x7;
	s12 =	sshra.s32 s12, $0x7;
	s5 =	sshrl.u32 s14, $0x1F  }
0x231: {  	(v2sf) =	vpush v8, $0x5;
	v48 =	vsel vm11, s18, v38;
	s18 =	sshra.s32 s13, $0x7;
	v37 =	vsel vm6, s5, v37;
	s5 =	sshra.s32 s10, $0x7;
	s10 =	sshra.s32 s16, $0x1F  }
0x232: {  	v39 =	vmov s4;
	v11 =	vld [tilespmem:$0x70];
	s16 =	sshra.s32 s15, $0x1F;
	s15 =	rddreg [dreg:$0x16];
	v34 =	vsel vm7, s20, v37;
	v37 =	vsel vm2, s8, v48;
	s8 =	sshra.s32 s9, $0x7  }
0x233: {  	(v2sf) =	vpush v8, $0x6;
	v38 =	vsel vm0, s3, v49;
	s20 =	sshra.s32 s13, $0x1F;
	s6 =	sshra.s32 s15, $0x7;
	v39 =	vsel vm0, s5, v39;
	s5 =	rddreg [dreg:$0x13]  }
0x234: {  	v38 =	vsel vm1, s1, v38;
	v37 =	vsel vm12, s10, v37;
	s10 =	sshra.s32 s14, $0x7;
	v39 =	vsel vm1, s7, v39;
	s1 =	sshra.s32 s5, $0x7;
	s7 =	rddreg [dreg:$0x15]  }
0x235: {  	(v2sf) =	vpush v8, $0x7;
	v38 =	vsel vm2, s2, v38;
	v37 =	vsel vm4, s11, v37;
	s11 =	sshra.s32 s14, $0x1F;
	s14 =	rddreg [dreg:$0x17];
	s2 =	sshra.s32 s7, $0x7  }
0x236: {  	v40 =	vsel vm2, s8, v39;
	s8 =	rddreg [dreg:$0x11];
	v37 =	vsel vm13, s16, v37;
	s13 =	sshrl.u32 s14, $0x1F;
	s3 =	sshra.s32 s14, $0x7  }
0x237: {  	(v2sf) =	vpush v11, $0xD;
	s16 =	sshrl.u32 s15, $0x1F;
	s15 =	sshrl.u32 s5, $0x1F;
	s14 =	rddreg [dreg:$0x12];
	v37 =	vsel vm5, s18, v37  }
0x238: {  	(v2sf) =	vpush v11, $0xC;
	s18 =	rddreg [dreg:$0x14];
	v41 =	vmov s16;
	s16 =	sshra.s32 s14, $0x7;
	s9 =	sshrl.u32 s14, $0x1F;
	v37 =	vsel vm14, s20, v37  }
0x239: {  	(v2sf) =	vpush v11, $0xE;
	s20 =	sshrl.u32 s18, $0x1F;
	s4 =	sshra.s32 s18, $0x7;
	v50 =	vsel vm0, s13, v41;
	s13 =	rddreg [dreg:$0x10];
	v37 =	vsel vm6, s10, v37  }
0x23a: {  	(v2sf) =	vpush v11, $0xF;
	s18 =	sshra.s32 s14, $0x1F;
	s10 =	sshrl.u32 s7, $0x1F;
	v37 =	vsel vm15, s11, v37;
	s11 =	sshra.s32 s25, $0x1F  }
0x23b: {  	s7 =	sshrl.u32 s8, $0x1F;
	s8 =	sshra.s32 s8, $0x7;
	v39 =	vsel vm7, s12, v37;
	v51 =	vmov s11;
	v37 =	vsel vm1, s20, v50;
	s20 =	rddreg [dreg:$0xe]  }
0x23c: {  	s5 =	sshra.s32 s13, $0x7;
	s11 =	sshrl.u32 s13, $0x1F;
	v41 =	vsel vm3, s16, v51;
	s16 =	rddreg [dreg:$0xf]  }
0x23d: {  	v42 =	vmov s7;
	s13 =	sshrl.u32 s20, $0x1F;
	v37 =	vsel vm2, s15, v37;
	s7 =	sshra.s32 s20, $0x7;
	s15 =	rddreg [dreg:$0xd]  }
0x23e: {  	(v2sf) =	vpush v11, $0x9;
	v43 =	vmov s9;
	v41 =	vsel vm9, s18, v41;
	s12 =	sshrl.u32 s16, $0x1F;
	s18 =	sshra.s32 s16, $0x7;
	s20 =	sshra.s32 s16, $0x1F  }
0x23f: {  	v43 =	vnsel vm3, $0x0, v43;
	s14 =	sshrl.u32 s15, $0x1F;
	s9 =	sshra.s32 s15, $0x1F;
	s16 =	sshrl.u32 s17, $0x1F;
	v41 =	vsel vm0, s18, v41  }
0x240: {  	(v2sf) =	vpush v11, $0x8;
	s18 =	sshra.s32 s15, $0x7;
	v43 =	vsel vm0, s12, v43;
	s12 =	rddreg [dreg:$0xc];
	v41 =	vsel vm10, s20, v41;
	s20 =	smov.u32 s17  }
0x241: {  	s17 =	sshra.s32 s17, $0x7;
	s15 =	sshra.s32 s12, $0x7;
	v43 =	vsel vm1, s14, v43;
	s14 =	spop (v2sf);
	v41 =	vsel vm1, s18, v41  }
0x242: {  	(v2sf) =	vpush v11, $0xA;
	v42 =	vsel vm0, s10, v42;
	s10 =	sshra.s32 s20, $0x1F;
	s20 =	sshrl.u32 s12, $0x1F;
	s18 =	sshrl.u32 s19, $0x1F;
	v41 =	vsel vm11, s9, v41  }
0x243: {  	v42 =	vsel vm1, s11, v42;
	v43 =	vsel vm2, s16, v43;
	s16 =	sshra.s32 s19, $0x7;
	v44 =	vsel vm2, s17, v41;
	s17 =	sshra.s32 s19, $0x1F;
	s19 =	spop (v2sf)  }
0x244: {  	v13 =	vcombine.low v13, v9;
	s9 =	sshra.s32 s12, $0x1F;
	v41 =	vsel vm2, s13, v42;
	v53 =	vsel vm12, s10, v44;
	s13 =	spop (v2sf);
	s10 =	rddreg [dreg:$0xb]  }
0x245: {  	v54 =	vmov s6;
	(v2sf) =	vpush v11, $0xB;
	v52 =	vsel vm4, s20, v43;
	s12 =	sshrl.u32 s10, $0x1F;
	s20 =	sshra.s32 s10, $0x7;
	s6 =	sshra.s32 s10, $0x1F  }
0x246: {  	(v2sf) =	vpush v11, $0x0;
	v42 =	vsel vm5, s18, v52;
	v43 =	vsel vm4, s15, v53;
	s11 =	spop (v2sf);
	s15 =	smulhi.u32 $0x67B23A55, s14;
	s10 =	sshra.s32 s14, $0x1F  }
0x247: {  	s18 =	sshrl.u32 s25, $0x1F;
	v44 =	vsel vm0, s3, v54;
	v42 =	vsel vm6, s12, v42;
	v43 =	vsel vm13, s9, v43;
	s12 =	spop (v2sf);
	s3 =	smul.u32 $0x67B23A55, s10  }
0x248: {  	v13 =	vperm.xlane v13, v0;
	v10 =	vperm.xlane v10, v1;
	s14 =	sshra.s32 s25, $0x7;
	v43 =	vsel vm5, s16, v43;
	s10 =	spop (v2sf);
	s16 =	smulhi.u32 $0x67B23A55, s19  }
0x249: {  	v45 =	vmov s8;
	(v2sf) =	vpush v11, $0x1;
	v42 =	vsel vm7, s18, v42;
	s19 =	sshra.s32 s19, $0x1F;
	s18 =	rddreg [dreg:$0x9];
	s9 =	spop (v2sf)  }
0x24a: {  	v55 =	vsel vm0, s2, v45;
	v44 =	vsel vm1, s4, v44;
	s8 =	sshra.s32 s13, $0x1F;
	v46 =	vsel vm14, s17, v43;
	s17 =	rddreg [dreg:$0x8];
	s2 =	smul.u32 $0x67B23A55, s19  }
0x24b: {  	v16 =	vcombine.low v18, v16;
	v43 =	vsel vm2, s1, v44;
	s25 =	sshrl.u32 s18, $0x1F;
	v44 =	vsel vm1, s5, v55;
	s5 =	sshrl.u32 s28, $0x1F;
	s1 =	smulhi.u32 $0x67B23A55, s13  }
0x24c: {  	v14 =	vcombine.low v63, v14;
	v10 =	vsel vm8, v10, v13;
	s19 =	sshrl.u32 s26, $0x1F;
	s3 =	sadd.s32 s3, s15;
	s13 =	smul.u32 $0x67B23A55, s8  }
0x24d: {  	v12 =	vperm.xlane v12, v1;
	v16 =	vperm.xlane v16, v0;
	(v2sf) =	vpush v11, $0x2;
	s15 =	sshrl.u32 s30, $0x1F;
	s28 =	sshra.s32 s28, $0x7;
	s4 =	spop (v2sf)  }
0x24e: {  	v56 =	vsel vm6, s20, v46;
	s20 =	sshrl.u32 s17, $0x1F;
	v47 =	vmov s25;
	v58 =	vmov s19;
	s19 =	rddreg [dreg:$0xa];
	s25 =	sshrl.u32 s29, $0x1F  }
0x24f: {  	v45 =	vsel vm2, s7, v44;
	v46 =	vsel vm15, s6, v56;
	v57 =	vsel vm0, s20, v47;
	s20 =	sshrl.u32 s24, $0x1F;
	s7 =	spop (v2sf);
	s6 =	sshrl.u32 s19, $0x1F  }
0x250: {  	v17 =	vperm.xlane v17, v1;
	v47 =	vsel vm0, s25, v58;
	s2 =	sadd.s32 s2, s16;
	s25 =	sshrl.u32 s22, $0x1F;
	s1 =	sadd.s32 s13, s1;
	v48 =	vmov s20  }
0x251: {  	v53 =	vperm.xlane v14, v0;
	s16 =	sshrl.u32 s3, $0x1F;
	s13 =	smulhi.u32 $0x67B23A55, s10;
	v44 =	vsel vm7, s14, v46;
	s14 =	sshrl.u32 s21, $0x1F;
	v48 =	vnsel vm3, $0x0, v48  }
0x252: {  	v19 =	vcombine.low v22, v19;
	v21 =	vperm.xlane v21, v1;
	s10 =	sshra.s32 s10, $0x1F;
	s8 =	spop (v2sf);
	s20 =	sshrl.u32 s23, $0x1F;
	v48 =	vsel vm0, s14, v48  }
0x253: {  	v12 =	vsel vm8, v12, v53;
	v59 =	vsel vm1, s15, v47;
	s15 =	sshra.s32 s18, $0x7;
	s18 =	sshra.s32 s17, $0x7;
	s17 =	sshra.s32 s30, $0x7;
	v60 =	vsel vm1, s20, v48  }
0x254: {  	v10 =	vadd.s32 v10, v12;
	v46 =	vsel vm1, s5, v57;
	s30 =	smulhi.u32 $0x67B23A55, s12;
	s5 =	spop (v2sf);
	s14 =	sshrl.u32 s0, $0x1F;
	v47 =	vsel vm2, s25, v60  }
0x255: {  	s12 =	sshra.s32 s12, $0x1F;
	v9 =	vsel vm2, s6, v46;
	v62 =	vmov s15;
	s6 =	spop (v2sf);
	s20 =	sshrl.u32 s31, $0x1F;
	v61 =	vsel vm4, s14, v47  }
0x256: {  	(v2sf) =	vpush v11, $0x3;
	s25 =	sshrl.u32 s2, $0x1F;
	v47 =	vsel vm0, s18, v62;
	s18 =	sshra.s32 s31, $0x7;
	s31 =	smul.u32 $0x67B23A55, s12;
	v63 =	vsel vm5, s16, v61  }
0x257: {  	v58 =	vperm.xlane v19, v0;
	v47 =	vsel vm1, s28, v47;
	s16 =	sshrl.u32 s1, $0x1F;
	s28 =	sshra.s32 s1, $0x1F;
	v52 =	vsel vm6, s25, v63;
	s25 =	sshra.s32 s26, $0x7  }
0x258: {  	v15 =	vsel vm2, s20, v59;
	s26 =	sshra.s32 s24, $0x7;
	v55 =	vmov s28;
	s12 =	spop (v2sf);
	v14 =	vsel vm7, s16, v52;
	s16 =	smulhi.u32 $0x67B23A55, s11  }
0x259: {  	v59 =	vperm.xlane v20, v1;
	v54 =	vmov s25;
	v46 =	vsel vm3, s26, v55;
	s25 =	sshra.s32 s23, $0x7;
	s26 =	sshra.s32 s23, $0x1F;
	s23 =	smulhi.u32 $0x67B23A55, s4  }
0x25a: {  	v49 =	vcombine.low v33, v32;
	v50 =	vmul.u32 $0xFFFFFEC4, v10;
	(v2sf) =	vpush v11, $0x4;
	s20 =	sshra.s32 s19, $0x7;
	s11 =	sshra.s32 s11, $0x1F;
	s19 =	smulhi.u32 $0x67B23A55, s12  }
0x25b: {  	v57 =	vsel vm8, v17, v16;
	s15 =	sshra.s32 s29, $0x7;
	s29 =	sshra.s32 s24, $0x1F;
	v9 =	vcombine.low v15, v9;
	v16 =	vsel vm8, v59, v58;
	s24 =	smul.u32 $0x67B23A55, s11  }
0x25c: {  	v13 =	vsel vm2, s20, v47;
	(v2sf) =	vpush v11, $0x5;
	s20 =	sshra.s32 s21, $0x7;
	s28 =	sshra.s32 s9, $0x1F;
	v18 =	vsel vm0, s15, v54;
	s15 =	smulhi.u32 $0x67B23A55, s9  }
0x25d: {  	v61 =	vcombine.low v25, v23;
	s21 =	sshra.s32 s21, $0x1F;
	(v2sf) =	vpush v11, $0x6;
	v56 =	vsel vm9, s29, v46;
	s11 =	sadd.s32 s31, s30;
	s31 =	smul.u32 $0x67B23A55, s28  }
0x25e: {  	v59 =	vperm.xlane v30, v1;
	s4 =	sshra.s32 s4, $0x1F;
	v22 =	vsel vm0, s20, v56;
	s20 =	smul.u32 $0x67B23A55, s10;
	s9 =	spop (v2sf);
	(v2sf) =	vpush v11, $0x7  }
0x25f: {  	v12 =	vadd.s32 v57, v16;
	v63 =	vcombine.low v27, v26;
	v60 =	vsel vm10, s21, v22;
	s14 =	sadd.s32 s24, s16;
	s24 =	sshrl.u32 s11, $0x1F;
	s21 =	smul.u32 $0x67B23A55, s4  }
0x260: {  	v9 =	vperm.xlane v9, v0;
	s29 =	sshra.s32 s22, $0x7;
	v19 =	vsel vm1, s25, v60;
	v48 =	vmov s24;
	s24 =	smulhi.u32 $0x67B23A55, s5  }
0x261: {  	v52 =	vcombine.low v36, v35;
	v20 =	vperm.xlane v61, v0;
	s25 =	sshrl.u32 s14, $0x1F;
	s5 =	sshra.s32 s5, $0x1F;
	v62 =	vsel vm11, s26, v19;
	s26 =	smulhi.u32 $0x67B23A55, s7  }
0x262: {  	v55 =	vperm.xlane v28, v1;
	s30 =	sshra.s32 s22, $0x1F;
	v18 =	vsel vm1, s17, v18;
	s17 =	sadd.s32 s20, s13;
	v51 =	vsel vm0, s25, v48;
	s25 =	smul.u32 $0x67B23A55, s5  }
0x263: {  	v53 =	vmul.u32 $0xFFFFFEC4, v12;
	v61 =	vperm.xlane v34, v1;
	v36 =	vcombine.low v41, v37;
	s7 =	sshra.s32 s7, $0x1F;
	s13 =	sadd.s32 s21, s23;
	s23 =	smulhi.u32 $0x67B23A55, s9  }
0x264: {  	v41 =	vcombine.low v45, v43;
	v46 =	vcombine.low v31, v29;
	s28 =	sshra.s32 s0, $0x7;
	v54 =	vadd.s32 v2, v50;
	s0 =	sshra.s32 s0, $0x1F;
	s7 =	smul.u32 $0x67B23A55, s7  }
0x265: {  	v14 =	vperm.xlane v14, v1;
	v2 =	vadd.s32 v3, v53;
	s11 =	sshra.s32 s11, $0x7;
	s20 =	sshrl.u32 s17, $0x1F;
	v19 =	vsel vm2, s29, v62;
	s29 =	smulhi.u32 $0x67B23A55, s8  }
0x266: {  	v3 =	vperm.xlane v24, v1;
	v56 =	vcombine.low v40, v38;
	s14 =	sshra.s32 s14, $0x7;
	s9 =	sshra.s32 s9, $0x1F;
	v57 =	vsel vm1, s20, v51;
	s20 =	smulhi.u32 $0x67B23A55, s6  }
0x267: {  	v20 =	vsel vm8, v21, v20;
	v40 =	vperm.xlane v42, v1;
	v43 =	vperm.xlane v41, v0;
	s10 =	spop (v2sf);
	s6 =	sshra.s32 s6, $0x1F;
	s9 =	smul.u32 $0x67B23A55, s9  }
0x268: {  	v17 =	vsel vm2, s18, v18;
	v22 =	vperm.xlane v63, v0;
	s17 =	sshra.s32 s17, $0x7;
	v47 =	vsel vm12, s30, v19;
	s30 =	sshra.s32 s8, $0x1F;
	s6 =	smul.u32 $0x67B23A55, s6  }
0x269: {  	v23 =	vperm.xlane v46, v0;
	v46 =	vperm.xlane v44, v1;
	v9 =	vsel vm8, v14, v9;
	s4 =	spop (v2sf);
	s8 =	sadd.s32 s31, s15;
	s31 =	smul.u32 $0x67B23A55, s30  }
0x26a: {  	v60 =	vperm.xlane v52, v0;
	v24 =	vperm.xlane v56, v0;
	s15 =	sadd.s32 s7, s26;
	v18 =	vsel vm4, s28, v47;
	s26 =	sshrl.u32 s13, $0x1F;
	s28 =	sshrl.u32 s8, $0x1F  }
0x26b: {  	v34 =	vmov s11;
	v13 =	vcombine.low v17, v13;
	v3 =	vsel vm8, v3, v22;
	s18 =	sadd.s32 s9, s23;
	s16 =	sshrl.u32 s15, $0x1F;
	s5 =	spop (v2sf)  }
0x26c: {  	v21 =	vsel vm8, v55, v23;
	v23 =	vsel vm0, s14, v34;
	s23 =	smulhi.u32 $0x67B23A55, s4;
	v58 =	vmov s16;
	s16 =	sadd.s32 s31, s29;
	s7 =	spop (v2sf)  }
0x26d: {  	v15 =	vsel vm8, v46, v43;
	v62 =	vperm.xlane v39, v1;
	v20 =	vadd.s32 v20, v3;
	s29 =	sshra.s32 s12, $0x1F;
	s12 =	sadd.s32 s25, s24;
	s25 =	spop (v2sf)  }
0x26e: {  	v32 =	vsel vm8, v61, v60;
	v38 =	vsel vm1, s17, v23;
	s8 =	sshra.s32 s8, $0x7;
	v26 =	vsel vm0, s26, v58;
	s26 =	smulhi.u32 $0x67B23A55, s25;
	s14 =	sshra.s32 s25, $0x1F  }
0x26f: {  	v19 =	vperm.xlane v49, v0;
	v35 =	vmul.u32 $0xFFFFFEC4, v20;
	s13 =	sshra.s32 s13, $0x7;
	s4 =	sshra.s32 s4, $0x1F;
	v25 =	vsel vm2, s28, v57;
	s28 =	smul.u32 $0x67B23A55, s14  }
0x270: {  	v13 =	vperm.xlane v13, v0;
	v33 =	vsel vm8, v62, v24;
	s20 =	sadd.s32 s6, s20;
	v22 =	vsel vm2, s8, v38;
	s8 =	sshra.s32 s3, $0x7;
	s4 =	smul.u32 $0x67B23A55, s4  }
0x271: {  	v19 =	vsel vm8, v59, v19;
	v4 =	vadd.s32 v4, v35;
	s3 =	sshra.s32 s3, $0x1F;
	v52 =	vsel vm13, s0, v18;
	s31 =	smul.u32 $0x67B23A55, s29;
	s6 =	sadd.s32 s28, s26  }
0x272: {  	[tilespmem:$0x80] =	vst v10;
	v3 =	vadd.s32 v21, v19;
	s24 =	smulhi.u32 $0x67B23A55, s10;
	v21 =	vadd.s32 v32, v33;
	v10 =	vsel vm5, s8, v52;
	s30 =	sshrl.u32 s16, $0x1F;
	s11 =	sshra.s32 s6, $0x1F  }
0x273: {  	v37 =	vmul.u32 $0xFFFFFEC4, v3;
	v39 =	vmul.u32 $0xFFFFFEC4, v21;
	s29 =	sadd.s32 s31, s19;
	s31 =	sshra.s32 s15, $0x7;
	s15 =	sshra.s32 s20, $0x7;
	v47 =	vmov s11  }
0x274: {  	s10 =	sshra.s32 s10, $0x1F;
	s17 =	sshra.s32 s20, $0x1F;
	s22 =	sshrl.u32 s12, $0x1F;
	v10 =	vsel vm14, s3, v10;
	v26 =	vsel vm1, s30, v26;
	v27 =	vsel vm3, s15, v47  }
0x275: {  	s10 =	smul.u32 $0x67B23A55, s10;
	s16 =	sshra.s32 s16, $0x7;
	v63 =	vsel vm2, s22, v26;
	v26 =	vperm.xlane v36, v0;
	s21 =	sshra.s32 s29, $0x7;
	v48 =	vsel vm9, s17, v27  }
0x276: {  	s12 =	sshra.s32 s12, $0x7;
	s4 =	sadd.s32 s4, s23;
	v5 =	vadd.s32 v5, v37;
	v7 =	vadd.s32 v7, v39;
	s14 =	sshra.s32 s29, $0x1F;
	v49 =	vsel vm0, s21, v48  }
0x277: {  	s30 =	sadd.s32 s10, s24;
	s19 =	sshrl.u32 s20, $0x1F;
	s24 =	sshra.s32 s18, $0x7;
	v45 =	vmov s31;
	v19 =	vcombine.low v63, v25;
	v14 =	vsel vm10, s14, v49  }
0x278: {  	s22 =	sshrl.u32 s18, $0x1F;
	s20 =	sshrl.u32 s29, $0x1F;
	v51 =	vmov s19;
	v24 =	vsel vm0, s13, v45;
	s26 =	sshra.s32 s18, $0x1F;
	v14 =	vsel vm1, s24, v14  }
0x279: {  	v42 =	vsel vm8, v40, v26;
	v24 =	vsel vm1, s16, v24;
	s29 =	sshra.s32 s30, $0x7;
	s28 =	smulhi.u32 $0x67B23A55, s5;
	s5 =	sshra.s32 s5, $0x1F;
	v14 =	vsel vm11, s26, v14  }
0x27a: {  	s9 =	sshra.s32 s30, $0x1F;
	s31 =	sshra.s32 s4, $0x7;
	v15 =	vadd.s32 v42, v15;
	v50 =	vsel vm2, s12, v24;
	s5 =	smul.u32 $0x67B23A55, s5;
	v14 =	vsel vm2, s29, v14  }
0x27b: {  	v17 =	vcombine.low v50, v22;
	v22 =	vnsel vm3, $0x0, v51;
	s25 =	sshrl.u32 s30, $0x1F;
	s30 =	smulhi.u32 $0x67B23A55, s7;
	s7 =	sshra.s32 s7, $0x1F;
	v14 =	vsel vm12, s9, v14  }
0x27c: {  	[tilespmem:$0x90] =	vst v12;
	v61 =	vperm.xlane v19, v0;
	v53 =	vsel vm0, s20, v22;
	s7 =	smul.u32 $0x67B23A55, s7;
	s5 =	sadd.s32 s5, s28;
	s9 =	sshra.s32 s4, $0x1F;
	v14 =	vsel vm4, s31, v14  }
0x27d: {  	[tilespmem:$0x100] =	vst v54;
	s10 =	sshrl.u32 s4, $0x1F;
	v23 =	vmul.u32 $0xFFFFFEC4, v15;
	v54 =	vsel vm1, s22, v53;
	s11 =	sshra.s32 s2, $0x7;
	s12 =	sshra.s32 s5, $0x7;
	v14 =	vsel vm13, s9, v14  }
0x27e: {  	[tilespmem:$0x110] =	vst v2;
	v55 =	vsel vm2, s25, v54;
	s0 =	sadd.s32 s7, s30;
	s2 =	sshra.s32 s2, $0x1F;
	v2 =	vsel vm6, s11, v10;
	s14 =	sshra.s32 s5, $0x1F;
	v57 =	vsel vm5, s12, v14  }
0x27f: {  	s1 =	sshra.s32 s1, $0x7;
	[tilespmem:$0xA0] =	vst v20;
	v56 =	vsel vm4, s10, v55;
	s16 =	sshra.s32 s0, $0x7;
	s13 =	sshrl.u32 s5, $0x1F;
	v2 =	vsel vm15, s2, v2;
	v12 =	vsel vm14, s14, v57  }
0x280: {  	[tilespmem:$0x120] =	vst v4;
	s15 =	sshrl.u32 s0, $0x1F;
	s0 =	sshra.s32 s0, $0x1F;
	v10 =	vsel vm5, s13, v56;
	v2 =	vsel vm7, s1, v2;
	v59 =	vsel vm6, s16, v12  }
0x281: {  	[tilespmem:$0xB0] =	vst v3;
	s18 =	sshra.s32 s6, $0x7;
	s17 =	sshrl.u32 s6, $0x1F;
	v58 =	vsel vm6, s15, v10;
	v2 =	vperm.xlane v2, v1;
	v60 =	vsel vm15, s0, v59  }
0x282: {  	[tilespmem:$0xC0] =	vst v21;
	v62 =	vperm.xlane v17, v0;
	v3 =	vsel vm7, s17, v58;
	v4 =	vsel vm7, s18, v60  }
0x283: {  	[tilespmem:$0x130] =	vst v5;
	v3 =	vperm.xlane v3, v1;
	v2 =	vsel vm8, v2, v13;
	v4 =	vperm.xlane v4, v1  }
0x284: {  	[tilespmem:$0x140] =	vst v7;
	v6 =	vadd.s32 v6, v23;
	v2 =	vadd.s32 v9, v2  }
0x285: {  	[tilespmem:$0xD0] =	vst v15;
	v3 =	vsel vm8, v3, v61;
	v63 =	vmul.u32 $0xFFFFFEC4, v2;
	v4 =	vsel vm8, v4, v62  }
0x286: {  	[tilespmem:$0x150] =	vst v6;
	v3 =	vadd.s32 v3, v4  }
0x287: {  	[tilespmem:$0xE0] =	vst v2;
	v2 =	vadd.s32 v8, v63;
	v4 =	vmul.u32 $0xFFFFFEC4, v3  }
0x288: {  	[tilespmem:$0x160] =	vst v2  }
0x289: {  	s19 =	rddreg [dreg:$0x1];
	[tilespmem:$0xF0] =	vst v3;
	v2 =	vadd.s32 v11, v4  }
0x28a: {  	s20 =	simm.s32 $0x80;
	s22 =	simm.s32 $0x1;
	s21 =	simm.s32 $0x180;
	[tilespmem:$0x170] =	vst v2  }
0x28b: {  	[tilespmem:s21], [sflag:$0x1] =	stream.indirect.gather [hbm4b:s19+s20], $0x80, s20, s20, $0xb8;
	[tilespmem:$0x8180] =	vst v63  }
0x28c: {  	_ =	swait.ge [sflag:s22], $0x4000  }
0x28d: {  	[sflag:s22] =	ssyncset.done $0x0  }
0x28e: {  	s24 =	simm.s32 $0x4180;
	s23 =	rddreg [dreg:$0x4];
	[sflag:s22] =	ssyncadd.s32 $0xFFFFC000  }
0x28f: {  	[tilespmem:s24], [sflag:$0x1] =	stream.indirect.gather [hbm4b:s19+s20], $0x80, s23, s20, $0xb8;
	[tilespmem:$0x8180] =	vst v63  }
0x290: {  	s25 =	rddreg [dreg:$0x7];
	_ =	swait.ge [sflag:s22], $0x4000  }
0x291: {  	s28 =	simm.s32 $0x0;
	[sflag:s22] =	ssyncset.done $0x0  }
0x292: {  	s29 =	simm.s32 $0x2;
	s26 =	rddreg [dreg:$0x5];
	[sflag:s22] =	ssyncadd.s32 $0xFFFFC000  }
0x293: {  	[hbm4b:s26+s28] =	stream.linear.scatter [tilespmem:s21], [sflag:$0x2], $0x4000, $0x38;
	[tilespmem:$0x8180] =	vst v63  }
0x294: {  	_ =	swait.ge [sflag:s29], $0x4000  }
0x295: {  	p0 =	sne.s32 s25, $0x1;
	[sflag:s29] =	ssyncset.done $0x0  }
.Ltmp0:
0x296: {  	s30 =	rddreg [dreg:$0x6];
	[sflag:s29] =	ssyncadd.s32 $0xFFFFC000;
	(pc) =	sbr.rel @p0 .LBB2_1-.Ltmp0, $4  }
0x297: {  	[hbm4b:s30+s28] =	stream.linear.scatter [tilespmem:s24], [sflag:$0x2], $0x4000, $0x38;
	[tilespmem:$0x8180] =	vst v63  }
0x298: {  	_ =	swait.ge [sflag:s29], $0x4000  }
0x299: {  	s31 =	simm.s32 $0x2;
	[sflag:s29] =	ssyncset.done $0x0  }
0x29a: {  	s1 =	sadd.s32 $0xFFFFFFFF, s25;
	[sflag:s31] =	ssyncadd.s32 $0xFFFFC000  }
0x29b: {  	_ =	sfence.sel $0x180000  }
0x29c: {  	[bflag:$0x0] =	sbarrier.arrive $0xFFFF  }
0x29d: {  	_ =	strace $0x90000047  }
0x29e: {  	s0 =	stileid.u32;
	[bflag:$0x2] =	sbarrier.arrive $0xFFFF  }
0x29f: {  	p0 =	sne.s32 s0, $0x0;
	s0 =	rddreg [dreg:$0x2]  }
0x2a0: {  	s0 =	sadd.s32 @!p0 $0x100000, s0  }
0x2a1: {  	[sflag:s0] =	ssyncadd.tile.s32 @!p0 $0x1;
	_ =	shalt  }
.Lfunc_end2:
_tile_overlayer_lowered:
.L_overlay_start_2:
0x2a2: {  	(tag) =	ssettag $0x2  }
0x2a3: {  	s0 =	rddreg [dreg:$0x0];
	s2 =	stileid.u32  }
0x2a4: {  	s1 =	rddreg [dreg:$0x1];
	p0 =	sne.s32 s2, $0x0  }
0x2a5: {  	s3 =	rddreg [dreg:$0x2];
	[bflag:$0x3] =	sbarrier.arrive $0xFFFF;
	s2 =	simm.s32 @!p0 $0x1C02  }
0x2a6: {  	[timem:s3], [sflag:s2] =	dma.local @!p0 [hbm:s0], s1  }
0x2a7: {  	s0 =	simm.s32 @!p0 $0x2  }
0x2a8: {  	_ =	swait.ge @!p0 [sflag:s0], s1  }
0x2a9: {  	s1 =	ssub.s32 @!p0 $0x0, s1;
	[sflag:s0] =	ssyncset.done @!p0 $0x0  }
0x2aa: {  	[sflag:s0] =	ssyncadd.s32 @!p0 s1  }
0x2ab: {  	[bflag:$0x3] =	sbarrier.arrive $0xFFFF  }
0x2ac: {  	_ =	shalt  }

</sc_bundles>
